<compile_context>
chip_gen: v7x
topology: tpu7x:2x2x1
jax: 0.10.2.dev20260603
libtpu: 0.0.44.dev20260713+nightly
codegen_flags: <defaults>
</compile_context>

<pallas_src>
import functools

import jax
import jax.numpy as jnp
from jax import lax
from jax.experimental import pallas as pl
from jax.experimental.pallas import tpu as pltpu
from jax.experimental.pallas import tpu_sc as plsc

_RADII = (0.1, 0.2)
_NS = (16, 32)

_NC = 2
_NSUB = 16
_NW = _NC * _NSUB
_L = 16


_TDIMS = (((0,), (0,)), ((), ()))


def _u_kernel(f_ref, p_ref, wf0_ref, wx0_ref, b0_ref, wf1_ref, wx1_ref, b1_ref,
              u0_ref, u1_ref):
    f = f_ref[0].astype(jnp.bfloat16)
    p = p_ref[...].astype(jnp.bfloat16)
    u0_ref[...] = (lax.dot_general(f, wf0_ref[...], _TDIMS,
                                   preferred_element_type=jnp.float32)
                   + jnp.dot(p, wx0_ref[...], preferred_element_type=jnp.float32)
                   + b0_ref[...])
    u1_ref[...] = (lax.dot_general(f, wf1_ref[...], _TDIMS,
                                   preferred_element_type=jnp.float32)
                   + jnp.dot(p, wx1_ref[...], preferred_element_type=jnp.float32)
                   + b1_ref[...])


def _compute_u(features, xyz_rows, wf0, wx0, b0, wf1, wx1, b1):
    B = features.shape[0]
    N = features.shape[2]
    M = B * N
    NB = 2048
    grid = (B, N // NB)
    return pl.pallas_call(
        _u_kernel,
        grid=grid,
        in_specs=[
            pl.BlockSpec((1, 128, NB), lambda b, j: (b, 0, j)),
            pl.BlockSpec((NB, 3), lambda b, j: (b * (N // NB) + j, 0)),
            pl.BlockSpec((128, 128), lambda b, j: (0, 0)),
            pl.BlockSpec((3, 128), lambda b, j: (0, 0)),
            pl.BlockSpec((1, 128), lambda b, j: (0, 0)),
            pl.BlockSpec((128, 128), lambda b, j: (0, 0)),
            pl.BlockSpec((3, 128), lambda b, j: (0, 0)),
            pl.BlockSpec((1, 128), lambda b, j: (0, 0)),
        ],
        out_specs=[
            pl.BlockSpec((NB, 128), lambda b, j: (b * (N // NB) + j, 0)),
            pl.BlockSpec((NB, 128), lambda b, j: (b * (N // NB) + j, 0)),
        ],
        out_shape=[
            jax.ShapeDtypeStruct((M, 128), jnp.float32),
            jax.ShapeDtypeStruct((M, 128), jnp.float32),
        ],
        compiler_params=pltpu.CompilerParams(fuse_transposed_lhs_in_matmul=True),
    )(features, xyz_rows, wf0, wx0, b0, wf1, wx1, b1)


_K = 8


def _ballquery_kernel(B, N, S, C_PER_W, xyzh, centh,
                      idx0_hbm, idx1_hbm, xyzv, p2v, centv, buf0, buf1):
    w = lax.axis_index("s") * _NC + lax.axis_index("c")
    subs_per_b = _NW // B
    b = w // subs_per_b
    cbase = (w % subs_per_b) * C_PER_W

    pltpu.sync_copy(xyzh.at[pl.ds(b * N * 3, N * 3)], xyzv)
    pltpu.sync_copy(centh.at[pl.ds((b * S + cbase) * 3, C_PER_W * 3)], centv)

    lane = lax.iota(jnp.int32, _L)
    r0sq = jnp.float32(_RADII[0] * _RADII[0])
    r1sq = jnp.float32(_RADII[1] * _RADII[1])
    row_base = b * N

    def bf16_round(v):
        bits = plsc.bitcast(v, jnp.int32)
        lsb = jnp.bitwise_and(jnp.right_shift(bits, 16), 1)
        r = jnp.bitwise_and(bits + 32767 + lsb, jnp.int32(-65536))
        return plsc.bitcast(r, jnp.float32)

    def init_body(ic, _):
        pidx = ic * _L + lane
        b3 = pidx * 3
        px = plsc.load_gather(xyzv, [b3])
        py = plsc.load_gather(xyzv, [b3 + 1])
        pz = plsc.load_gather(xyzv, [b3 + 2])
        plsc.store_scatter(p2v, [pidx], (px * px + py * py) + pz * pz)
        plsc.store_scatter(xyzv, [b3], bf16_round(px))
        plsc.store_scatter(xyzv, [b3 + 1], bf16_round(py))
        plsc.store_scatter(xyzv, [b3 + 2], bf16_round(pz))
        return 0

    lax.fori_loop(0, N // _L, init_body, 0)

    zero_v = jnp.zeros((_L,), jnp.int32)

    def center_body(i, _):
        i3 = jnp.full((_L,), 3 * i, jnp.int32)
        cxo = plsc.load_gather(centv, [i3])
        cyo = plsc.load_gather(centv, [i3 + 1])
        czo = plsc.load_gather(centv, [i3 + 2])
        q2 = (cxo * cxo + cyo * cyo) + czo * czo
        cx = bf16_round(cxo)
        cy = bf16_round(cyo)
        cz = bf16_round(czo)

        def cond(carry):
            n, c0v, c1v = carry
            return (n < N) & jnp.any((c0v < _NS[0]) | (c1v < _NS[1]))

        def body(carry):
            n, c0v, c1v = carry
            m0s, m1s, gidxs = [], [], []
            for k in range(_K):
                pidx = n + k * _L + lane
                b3 = pidx * 3
                px = plsc.load_gather(xyzv, [b3])
                py = plsc.load_gather(xyzv, [b3 + 1])
                pz = plsc.load_gather(xyzv, [b3 + 2])
                p2 = plsc.load_gather(p2v, [pidx])
                qp = (cx * px + cy * py) + cz * pz
                d2 = (q2 + p2) - 2.0 * qp
                m0s.append(d2 <= r0sq)
                m1s.append(d2 <= r1sq)
                gidxs.append(pidx + row_base)
            t0s = [plsc.all_reduce_population_count(m) for m in m0s]
            t1s = [plsc.all_reduce_population_count(m) for m in m1s]

            def tree(xs, op):
                xs = list(xs)
                while len(xs) > 1:
                    xs = [op(xs[j], xs[j + 1]) if j + 1 < len(xs) else xs[j]
                          for j in range(0, len(xs), 2)]
                return xs[0]

            or0 = tree(m0s, lambda a, b: a | b)
            or1 = tree(m1s, lambda a, b: a | b)
            g0 = jnp.any(or0 & (c0v < _NS[0]))
            g1 = jnp.any(or1 & (c1v < _NS[1]))

            @pl.when(g1)
            def _():
                off = c1v
                for k in range(_K):
                    mi = m1s[k].astype(jnp.int32)
                    pos = off + plsc.cumsum(mi) - mi
                    plsc.store_scatter(buf1, [i * _NS[1] + pos], gidxs[k],
                                       mask=m1s[k] & (pos < _NS[1]))
                    off = off + t1s[k]

            @pl.when(g0)
            def _():
                off = c0v
                for k in range(_K):
                    mi = m0s[k].astype(jnp.int32)
                    pos = off + plsc.cumsum(mi) - mi
                    plsc.store_scatter(buf0, [i * _NS[0] + pos], gidxs[k],
                                       mask=m0s[k] & (pos < _NS[0]))
                    off = off + t0s[k]

            c0v = c0v + tree(t0s, lambda a, b: a + b)
            c1v = c1v + tree(t1s, lambda a, b: a + b)
            return (n + _K * _L, c0v, c1v)

        _, c0v, c1v = lax.while_loop(cond, body, (jnp.int32(0), zero_v, zero_v))

        empty_fill = jnp.full((_L,), row_base + N - 1, jnp.int32)
        first0 = plsc.load_gather(buf0, [jnp.full((_L,), i * _NS[0], jnp.int32)])
        fill0 = jnp.where(c0v > 0, first0, empty_fill)
        slot0 = i * _NS[0] + lane
        cur0 = plsc.load_gather(buf0, [slot0])
        plsc.store_scatter(buf0, [slot0], jnp.where(lane < c0v, cur0, fill0))

        first1 = plsc.load_gather(buf1, [jnp.full((_L,), i * _NS[1], jnp.int32)])
        fill1 = jnp.where(c1v > 0, first1, empty_fill)
        for j in range(_NS[1] // _L):
            slot1 = i * _NS[1] + j * _L + lane
            cur1 = plsc.load_gather(buf1, [slot1])
            plsc.store_scatter(buf1, [slot1],
                               jnp.where(j * _L + lane < c1v, cur1, fill1))
        return 0

    lax.fori_loop(0, C_PER_W, center_body, 0)

    n0 = C_PER_W * _NS[0]
    n1 = C_PER_W * _NS[1]
    pltpu.sync_copy(buf0, idx0_hbm.at[pl.ds(w * n0, n0)])
    pltpu.sync_copy(buf1, idx1_hbm.at[pl.ds(w * n1, n1)])


def _ball_query_sc(B, N, S, xyzh, centh):
    C_PER_W = (B * S) // _NW
    mesh = plsc.VectorSubcoreMesh(core_axis_name="c", subcore_axis_name="s")
    return pl.kernel(
        functools.partial(_ballquery_kernel, B, N, S, C_PER_W),
        out_type=[
            jax.ShapeDtypeStruct((B * S * _NS[0],), jnp.int32),
            jax.ShapeDtypeStruct((B * S * _NS[1],), jnp.int32),
        ],
        mesh=mesh,
        compiler_params=pltpu.CompilerParams(needs_layout_passes=False),
        scratch_types=[
            pltpu.VMEM((N * 3,), jnp.float32),
            pltpu.VMEM((N,), jnp.float32),
            pltpu.VMEM((C_PER_W * 3,), jnp.float32),
            pltpu.VMEM((C_PER_W * _NS[0],), jnp.int32),
            pltpu.VMEM((C_PER_W * _NS[1],), jnp.int32),
        ],
    )(xyzh, centh)


def _gather_kernel(CH, n0_per_w, n1_per_w, u0_hbm, u1_hbm, idx0_hbm, idx1_hbm,
                   r0_hbm, r1_hbm, idxv0, idxv1, rows_a, rows_b, sem_a, sem_b):
    w = lax.axis_index("s") * _NC + lax.axis_index("c")
    base0 = w * n0_per_w
    base1 = w * n1_per_w

    pltpu.sync_copy(idx0_hbm.at[pl.ds(base0, n0_per_w)], idxv0)
    pltpu.sync_copy(idx1_hbm.at[pl.ds(base1, n1_per_w)], idxv1)

    chunks = ([(u0_hbm, idxv0, r0_hbm, base0, c) for c in range(n0_per_w // CH)]
              + [(u1_hbm, idxv1, r1_hbm, base1, c) for c in range(n1_per_w // CH)])
    bufs = [(rows_a, sem_a), (rows_b, sem_b)]
    handles = [None, None]
    for j, (u, iv, r, base, c) in enumerate(chunks):
        rows, sem = bufs[j % 2]
        if handles[j % 2] is not None:
            handles[j % 2] = None
        copy = pltpu.async_copy(u.at[iv.at[pl.ds(c * CH, CH)]], rows, sem)
        if j >= 1:
            pu, piv, pr, pbase, pc = chunks[j - 1]
            prows, psem = bufs[(j - 1) % 2]
            handles[(j - 1) % 2].wait()
            pltpu.sync_copy(prows, pr.at[pl.ds(pbase + pc * CH, CH)])
        handles[j % 2] = copy
    lu, liv, lr, lbase, lc = chunks[-1]
    lrows, _ = bufs[(len(chunks) - 1) % 2]
    handles[(len(chunks) - 1) % 2].wait()
    pltpu.sync_copy(lrows, lr.at[pl.ds(lbase + lc * CH, CH)])


def _gather_rows_sc(u0, u1, idx0, idx1):
    M0 = idx0.shape[0]
    M1 = idx1.shape[0]
    CH = 128
    n0_per_w = M0 // _NW
    n1_per_w = M1 // _NW
    mesh = plsc.VectorSubcoreMesh(core_axis_name="c", subcore_axis_name="s")
    return pl.kernel(
        functools.partial(_gather_kernel, CH, n0_per_w, n1_per_w),
        out_type=[
            jax.ShapeDtypeStruct((M0, 128), jnp.float32),
            jax.ShapeDtypeStruct((M1, 128), jnp.float32),
        ],
        mesh=mesh,
        compiler_params=pltpu.CompilerParams(needs_layout_passes=False),
        scratch_types=[
            pltpu.VMEM((n0_per_w,), jnp.int32),
            pltpu.VMEM((n1_per_w,), jnp.int32),
            pltpu.VMEM((CH, 128), jnp.float32),
            pltpu.VMEM((CH, 128), jnp.float32),
            pltpu.SemaphoreType.DMA,
            pltpu.SemaphoreType.DMA,
        ],
    )(u0, u1, idx0, idx1)


def _head_kernel(ns, CB, rows_ref, cent_ref, wx_ref, w2_ref, b2_ref, out_ref):
    rows = rows_ref[...]
    v = jnp.dot(cent_ref[...], wx_ref[...],
                preferred_element_type=jnp.float32)
    h1 = jnp.maximum(rows.reshape(CB, ns, 128) - v[:, None, :], 0.0)
    h2 = jnp.dot(h1.reshape(CB * ns, 128).astype(jnp.bfloat16), w2_ref[...],
                 preferred_element_type=jnp.float32) + b2_ref[...]
    h2 = jnp.maximum(h2, 0.0)
    O = h2.shape[-1]
    out_ref[...] = jnp.max(h2.reshape(CB, ns, O), axis=1)


def _head(rows, cent_rows, wx, w2t, b2, ns):
    M = cent_rows.shape[0]
    O = w2t.shape[1]
    CB = 32
    return pl.pallas_call(
        functools.partial(_head_kernel, ns, CB),
        grid=(M // CB,),
        in_specs=[
            pl.BlockSpec((CB * ns, 128), lambda i: (i, 0)),
            pl.BlockSpec((CB, 3), lambda i: (i, 0)),
            pl.BlockSpec((3, 128), lambda i: (0, 0)),
            pl.BlockSpec((128, O), lambda i: (0, 0)),
            pl.BlockSpec((1, O), lambda i: (0, 0)),
        ],
        out_specs=pl.BlockSpec((CB, O), lambda i: (i, 0)),
        out_shape=jax.ShapeDtypeStruct((M, O), jnp.float32),
    )(rows, cent_rows, wx, w2t, b2)


def kernel(xyz, features, new_xyz, W00, b00, W01, b01, W10, b10, W11, b11):
    B, N, _ = xyz.shape
    S = new_xyz.shape[1]

    xyz_rows = xyz.reshape(B * N, 3)
    cent_rows = new_xyz.reshape(B * S, 3)
    xyzh = xyz.reshape(B * N * 3)
    centh = new_xyz.reshape(B * S * 3)

    wx0 = W00[:, :3].T
    wf0 = W00[:, 3:].T.astype(jnp.bfloat16)
    wx1 = W10[:, :3].T
    wf1 = W10[:, 3:].T.astype(jnp.bfloat16)

    u0, u1 = _compute_u(features, xyz_rows, wf0, wx0.astype(jnp.bfloat16),
                        b00[None, :], wf1, wx1.astype(jnp.bfloat16),
                        b10[None, :])
    idx0, idx1 = _ball_query_sc(B, N, S, xyzh, centh)
    r0, r1 = _gather_rows_sc(u0, u1, idx0, idx1)

    y0 = _head(r0, cent_rows, wx0, W01.T.astype(jnp.bfloat16),
               b01[None, :], _NS[0])
    y1 = _head(r1, cent_rows, wx1, W11.T.astype(jnp.bfloat16),
               b11[None, :], _NS[1])

    y = jnp.concatenate([y0.reshape(B, S, 128), y1.reshape(B, S, 256)], axis=-1)
    return jnp.transpose(y, (0, 2, 1))

# --- scband reference (transcript-rebuilt; emitter-appended) ---
"""Pipeline reference for scband-pointnet-samodule-msg-38250978738335 (READ-ONLY COPY).

The authoritative reference and input builder live on the scoring server;
editing this copy changes nothing except your own understanding.
"""

import jax, jax.numpy as jnp
import numpy as np

RADII = (0.1, 0.2)
NSAMPLES = (16, 32)


def _ball_query(radius, nsample, xyz, new_xyz):
    # xyz: [B, N, 3], new_xyz: [B, S, 3] -> idx: [B, S, nsample] int32
    B, N, _ = xyz.shape
    q2 = jnp.sum(new_xyz * new_xyz, axis=-1)[:, :, None]
    p2 = jnp.sum(xyz * xyz, axis=-1)[:, None, :]
    d2 = q2 + p2 - 2.0 * jnp.einsum('bsd,bnd->bsn', new_xyz, xyz)
    cand = jnp.where(d2 <= radius * radius,
                     jnp.arange(N, dtype=jnp.int32)[None, None, :],
                     jnp.int32(N))
    idx = jnp.sort(cand, axis=-1)[:, :, :nsample]
    first = idx[:, :, :1]
    idx = jnp.where(idx == N, jnp.broadcast_to(first, idx.shape), idx)
    idx = jnp.minimum(idx, N - 1)  # degenerate case: no point in radius -> index 0
    return idx


def _group(idx, xyz, new_xyz, features):
    # gather neighbor coords and features (QueryAndGroup, use_xyz=True)
    grouped_xyz = jax.vmap(lambda p, i: p[i])(xyz, idx)            # [B, S, ns, 3]
    grouped_xyz = grouped_xyz - new_xyz[:, :, None, :]
    grouped_xyz = jnp.transpose(grouped_xyz, (0, 3, 1, 2))          # [B, 3, S, ns]
    grouped_feat = jax.vmap(lambda f, i: f[:, i])(features, idx)    # [B, C, S, ns]
    return jnp.concatenate([grouped_xyz, grouped_feat], axis=1)     # [B, C+3, S, ns]


def _mlp(x, params):
    # shared MLP = 1x1 conv stack with ReLU (bn=False)
    for W, b in params:
        x = jnp.einsum('oc,bcsn->bosn', W, x) + b[None, :, None, None]
        x = jax.nn.relu(x)
    return x


def setup_inputs(seed: int = 0) -> dict:
    key = jax.random.key(seed)
    ks = jax.random.split(key, 8)
    B, N, S, C = 4, 16384, 512, 128
    xyz = jax.random.uniform(ks[0], (B, N, 3), dtype=jnp.float32)
    features = jax.random.normal(ks[1], (B, C, N), dtype=jnp.float32)
    new_xyz = jax.random.uniform(ks[2], (B, S, 3), dtype=jnp.float32)

    def w(k, o, i):
        return jax.random.normal(k, (o, i), dtype=jnp.float32) * (1.0 / np.sqrt(i))

    # scale 0 mlp: [131 -> 128 -> 128], scale 1 mlp: [131 -> 128 -> 256]
    W00 = w(ks[3], 128, 131); b00 = jnp.zeros((128,), jnp.float32)
    W01 = w(ks[4], 128, 128); b01 = jnp.zeros((128,), jnp.float32)
    W10 = w(ks[5], 128, 131); b10 = jnp.zeros((128,), jnp.float32)
    W11 = w(ks[6], 256, 128); b11 = jnp.zeros((256,), jnp.float32)
    return {"xyz": xyz, "features": features, "new_xyz": new_xyz,
            "W00": W00, "b00": b00, "W01": W01, "b01": b01,
            "W10": W10, "b10": b10, "W11": W11, "b11": b11}


def reference(xyz, features, new_xyz, W00, b00, W01, b01, W10, b10, W11, b11):
    scale_params = [[(W00, b00), (W01, b01)], [(W10, b10), (W11, b11)]]
    outs = []
    for radius, nsample, params in zip(RADII, NSAMPLES, scale_params):
        idx = _ball_query(radius, nsample, xyz, new_xyz)
        g = _group(idx, xyz, new_xyz, features)
        h = _mlp(g, params)
        outs.append(jnp.max(h, axis=-1))  # global max pool over neighbors
    new_features = jnp.concatenate(outs, axis=1)  # [B, 128+256, S]
    return new_features

if __name__ == "__main__":
    import jax
    _d = setup_inputs()
    print(jax.jit(kernel)(*tuple(_d.values())))

</pallas_src>

<mosaic_0001>
#map = affine_map<(d0, d1) -> (0, 0)>
#map1 = affine_map<(d0, d1) -> (0)>
module attributes {stable_mosaic.version = 14 : i64} {
  func.func @_gather_kernel(%arg0: i32, %arg1: i32, %arg2: memref<65536x128xf32, #tpu.memory_space<hbm>>, %arg3: memref<65536x128xf32, #tpu.memory_space<hbm>>, %arg4: memref<32768xi32, #tpu.memory_space<hbm>>, %arg5: memref<65536xi32, #tpu.memory_space<hbm>>, %arg6: memref<32768x128xf32, #tpu.memory_space<hbm>>, %arg7: memref<65536x128xf32, #tpu.memory_space<hbm>>, %arg8: memref<1024xi32, #tpu.memory_space<vmem>>, %arg9: memref<2048xi32, #tpu.memory_space<vmem>>, %arg10: memref<128x128xf32, #tpu.memory_space<vmem>>, %arg11: memref<128x128xf32, #tpu.memory_space<vmem>>, %arg12: memref<!tpu.dma_semaphore, #tpu.memory_space<semaphore_mem>>, %arg13: memref<!tpu.dma_semaphore, #tpu.memory_space<semaphore_mem>>) attributes {dimension_semantics = [#tpu.dimension_semantics<core_parallel>, #tpu.dimension_semantics<subcore_parallel>], iteration_bounds = array<i64: 2, 16>, scalar_prefetch = 0 : i64, scratch_operands = 6 : i64, tpu.core_type = #tpu.core_type<sc_vector_subcore>, window_params = [{transform_indices = #map}, {transform_indices = #map}, {transform_indices = #map1}, {transform_indices = #map1}, {transform_indices = #map}, {transform_indices = #map}]} {
    %mul3A = arith.constant 2 : i32
    %mul3A_0 = arith.muli %arg1, %mul3A : i32
    %add3A = arith.addi %mul3A_0, %arg0 : i32
    %mul3A_1 = arith.constant 1024 : i32
    %mul3A_2 = arith.muli %add3A, %mul3A_1 : i32
    %mul3A_3 = arith.constant 2048 : i32
    %mul3A_4 = arith.muli %add3A, %mul3A_3 : i32
    "tpu.region"() ({
      %run_scoped3A = tpu.sem_alloc : memref<!tpu.dma_semaphore, #tpu.memory_space<semaphore_mem>>
      %dma_start3A_291 = tpu.memref_slice %arg4[%mul3A_2] : memref<32768xi32, #tpu.memory_space<hbm>> -> memref<1024xi32, #tpu.memory_space<hbm>>
      %dma_start3A_292 = tpu.memref_slice %arg4[%mul3A_2] : memref<32768xi32, #tpu.memory_space<hbm>> -> memref<1024xi32, #tpu.memory_space<hbm>>
      tpu.enqueue_dma source(%dma_start3A_292 : memref<1024xi32, #tpu.memory_space<hbm>>) target(%arg8 : memref<1024xi32, #tpu.memory_space<vmem>>) target_semaphore(%run_scoped3A : memref<!tpu.dma_semaphore, #tpu.memory_space<semaphore_mem>>)
      %dma_wait3A_293 = tpu.memref_slice %arg4[%mul3A_2] : memref<32768xi32, #tpu.memory_space<hbm>> -> memref<1024xi32, #tpu.memory_space<hbm>>
      %dma_wait3A_294 = tpu.memref_slice %arg4[%mul3A_2] : memref<32768xi32, #tpu.memory_space<hbm>> -> memref<1024xi32, #tpu.memory_space<hbm>>
      tpu.wait_dma2 semaphore(%run_scoped3A : memref<!tpu.dma_semaphore, #tpu.memory_space<semaphore_mem>>) src(%dma_wait3A_294 : memref<1024xi32, #tpu.memory_space<hbm>>) dst(%arg8 : memref<1024xi32, #tpu.memory_space<vmem>>)
      tpu.yield
    }) : () -> ()
    "tpu.region"() ({
      %run_scoped3A = tpu.sem_alloc : memref<!tpu.dma_semaphore, #tpu.memory_space<semaphore_mem>>
      %dma_start3A_291 = tpu.memref_slice %arg5[%mul3A_4] : memref<65536xi32, #tpu.memory_space<hbm>> -> memref<2048xi32, #tpu.memory_space<hbm>>
      %dma_start3A_292 = tpu.memref_slice %arg5[%mul3A_4] : memref<65536xi32, #tpu.memory_space<hbm>> -> memref<2048xi32, #tpu.memory_space<hbm>>
      tpu.enqueue_dma source(%dma_start3A_292 : memref<2048xi32, #tpu.memory_space<hbm>>) target(%arg9 : memref<2048xi32, #tpu.memory_space<vmem>>) target_semaphore(%run_scoped3A : memref<!tpu.dma_semaphore, #tpu.memory_space<semaphore_mem>>)
      %dma_wait3A_293 = tpu.memref_slice %arg5[%mul3A_4] : memref<65536xi32, #tpu.memory_space<hbm>> -> memref<2048xi32, #tpu.memory_space<hbm>>
      %dma_wait3A_294 = tpu.memref_slice %arg5[%mul3A_4] : memref<65536xi32, #tpu.memory_space<hbm>> -> memref<2048xi32, #tpu.memory_space<hbm>>
      tpu.wait_dma2 semaphore(%run_scoped3A : memref<!tpu.dma_semaphore, #tpu.memory_space<semaphore_mem>>) src(%dma_wait3A_294 : memref<2048xi32, #tpu.memory_space<hbm>>) dst(%arg9 : memref<2048xi32, #tpu.memory_space<vmem>>)
      tpu.yield
    }) : () -> ()
    %dma_start3A = arith.constant 0 : i32
    %dma_start3A_5 = tpu.memref_slice %arg8[%dma_start3A] : memref<1024xi32, #tpu.memory_space<vmem>> -> memref<128xi32, #tpu.memory_space<vmem>>
    %dma_start3A_6 = arith.constant 0 : i32
    %dma_start3A_7 = arith.constant 0 : i32
    %dma_start3A_8 = tpu.memref_slice %arg2[%dma_start3A_6, %dma_start3A_7] : memref<65536x128xf32, #tpu.memory_space<hbm>> -> memref<65536x128xf32, #tpu.memory_space<hbm>>
    tpu.enqueue_indirect_dma source(%dma_start3A_8 : memref<65536x128xf32, #tpu.memory_space<hbm>>) target(%arg10 : memref<128x128xf32, #tpu.memory_space<vmem>>) offsets(%dma_start3A_5 : memref<128xi32, #tpu.memory_space<vmem>>) semaphore(%arg12 : memref<!tpu.dma_semaphore, #tpu.memory_space<semaphore_mem>>)
    %dma_start3A_9 = arith.constant 128 : i32
    %dma_start3A_10 = tpu.memref_slice %arg8[%dma_start3A_9] : memref<1024xi32, #tpu.memory_space<vmem>> -> memref<128xi32, #tpu.memory_space<vmem>>
    %dma_start3A_11 = arith.constant 0 : i32
    %dma_start3A_12 = arith.constant 0 : i32
    %dma_start3A_13 = tpu.memref_slice %arg2[%dma_start3A_11, %dma_start3A_12] : memref<65536x128xf32, #tpu.memory_space<hbm>> -> memref<65536x128xf32, #tpu.memory_space<hbm>>
    tpu.enqueue_indirect_dma source(%dma_start3A_13 : memref<65536x128xf32, #tpu.memory_space<hbm>>) target(%arg11 : memref<128x128xf32, #tpu.memory_space<vmem>>) offsets(%dma_start3A_10 : memref<128xi32, #tpu.memory_space<vmem>>) semaphore(%arg13 : memref<!tpu.dma_semaphore, #tpu.memory_space<semaphore_mem>>)
    %dma_wait3A = arith.constant 0 : i32
    %dma_wait3A_14 = tpu.memref_slice %arg8[%dma_wait3A] : memref<1024xi32, #tpu.memory_space<vmem>> -> memref<128xi32, #tpu.memory_space<vmem>>
    %dma_wait3A_15 = arith.constant 0 : i32
    %dma_wait3A_16 = arith.constant 0 : i32
    %dma_wait3A_17 = tpu.memref_slice %arg2[%dma_wait3A_15, %dma_wait3A_16] : memref<65536x128xf32, #tpu.memory_space<hbm>> -> memref<65536x128xf32, #tpu.memory_space<hbm>>
    tpu.wait_indirect_dma semaphore(%arg12 : memref<!tpu.dma_semaphore, #tpu.memory_space<semaphore_mem>>) src(%dma_wait3A_17 : memref<65536x128xf32, #tpu.memory_space<hbm>>) dst(%arg10 : memref<128x128xf32, #tpu.memory_space<vmem>>)
    %add3A_18 = arith.constant 0 : i32
    %add3A_19 = arith.addi %mul3A_2, %add3A_18 : i32
    "tpu.region"() ({
      %run_scoped3A = tpu.sem_alloc : memref<!tpu.dma_semaphore, #tpu.memory_space<semaphore_mem>>
      %dma_start3A_291 = arith.constant 0 : i32
      %dma_start3A_292 = tpu.memref_slice %arg6[%add3A_19, %dma_start3A_291] : memref<32768x128xf32, #tpu.memory_space<hbm>> -> memref<128x128xf32, #tpu.memory_space<hbm>>
      %dma_start3A_293 = arith.constant 0 : i32
      %dma_start3A_294 = tpu.memref_slice %arg6[%add3A_19, %dma_start3A_293] : memref<32768x128xf32, #tpu.memory_space<hbm>> -> memref<128x128xf32, #tpu.memory_space<hbm>>
      tpu.enqueue_dma source(%arg10 : memref<128x128xf32, #tpu.memory_space<vmem>>) target(%dma_start3A_294 : memref<128x128xf32, #tpu.memory_space<hbm>>) target_semaphore(%run_scoped3A : memref<!tpu.dma_semaphore, #tpu.memory_space<semaphore_mem>>)
      %dma_wait3A_295 = arith.constant 0 : i32
      %dma_wait3A_296 = tpu.memref_slice %arg6[%add3A_19, %dma_wait3A_295] : memref<32768x128xf32, #tpu.memory_space<hbm>> -> memref<128x128xf32, #tpu.memory_space<hbm>>
      %dma_wait3A_297 = arith.constant 0 : i32
      %dma_wait3A_298 = tpu.memref_slice %arg6[%add3A_19, %dma_wait3A_297] : memref<32768x128xf32, #tpu.memory_space<hbm>> -> memref<128x128xf32, #tpu.memory_space<hbm>>
      tpu.wait_dma2 semaphore(%run_scoped3A : memref<!tpu.dma_semaphore, #tpu.memory_space<semaphore_mem>>) src(%arg10 : memref<128x128xf32, #tpu.memory_space<vmem>>) dst(%dma_wait3A_298 : memref<128x128xf32, #tpu.memory_space<hbm>>)
      tpu.yield
    }) : () -> ()
    %dma_start3A_20 = arith.constant 256 : i32
    %dma_start3A_21 = tpu.memref_slice %arg8[%dma_start3A_20] : memref<1024xi32, #tpu.memory_space<vmem>> -> memref<128xi32, #tpu.memory_space<vmem>>
    %dma_start3A_22 = arith.constant 0 : i32
    %dma_start3A_23 = arith.constant 0 : i32
    %dma_start3A_24 = tpu.memref_slice %arg2[%dma_start3A_22, %dma_start3A_23] : memref<65536x128xf32, #tpu.memory_space<hbm>> -> memref<65536x128xf32, #tpu.memory_space<hbm>>
    tpu.enqueue_indirect_dma source(%dma_start3A_24 : memref<65536x128xf32, #tpu.memory_space<hbm>>) target(%arg10 : memref<128x128xf32, #tpu.memory_space<vmem>>) offsets(%dma_start3A_21 : memref<128xi32, #tpu.memory_space<vmem>>) semaphore(%arg12 : memref<!tpu.dma_semaphore, #tpu.memory_space<semaphore_mem>>)
    %dma_wait3A_25 = arith.constant 128 : i32
    %dma_wait3A_26 = tpu.memref_slice %arg8[%dma_wait3A_25] : memref<1024xi32, #tpu.memory_space<vmem>> -> memref<128xi32, #tpu.memory_space<vmem>>
    %dma_wait3A_27 = arith.constant 0 : i32
    %dma_wait3A_28 = arith.constant 0 : i32
    %dma_wait3A_29 = tpu.memref_slice %arg2[%dma_wait3A_27, %dma_wait3A_28] : memref<65536x128xf32, #tpu.memory_space<hbm>> -> memref<65536x128xf32, #tpu.memory_space<hbm>>
    tpu.wait_indirect_dma semaphore(%arg13 : memref<!tpu.dma_semaphore, #tpu.memory_space<semaphore_mem>>) src(%dma_wait3A_29 : memref<65536x128xf32, #tpu.memory_space<hbm>>) dst(%arg11 : memref<128x128xf32, #tpu.memory_space<vmem>>)
    %add3A_30 = arith.constant 128 : i32
    %add3A_31 = arith.addi %mul3A_2, %add3A_30 : i32
    "tpu.region"() ({
      %run_scoped3A = tpu.sem_alloc : memref<!tpu.dma_semaphore, #tpu.memory_space<semaphore_mem>>
      %dma_start3A_291 = arith.constant 0 : i32
      %dma_start3A_292 = tpu.memref_slice %arg6[%add3A_31, %dma_start3A_291] : memref<32768x128xf32, #tpu.memory_space<hbm>> -> memref<128x128xf32, #tpu.memory_space<hbm>>
      %dma_start3A_293 = arith.constant 0 : i32
      %dma_start3A_294 = tpu.memref_slice %arg6[%add3A_31, %dma_start3A_293] : memref<32768x128xf32, #tpu.memory_space<hbm>> -> memref<128x128xf32, #tpu.memory_space<hbm>>
      tpu.enqueue_dma source(%arg11 : memref<128x128xf32, #tpu.memory_space<vmem>>) target(%dma_start3A_294 : memref<128x128xf32, #tpu.memory_space<hbm>>) target_semaphore(%run_scoped3A : memref<!tpu.dma_semaphore, #tpu.memory_space<semaphore_mem>>)
      %dma_wait3A_295 = arith.constant 0 : i32
      %dma_wait3A_296 = tpu.memref_slice %arg6[%add3A_31, %dma_wait3A_295] : memref<32768x128xf32, #tpu.memory_space<hbm>> -> memref<128x128xf32, #tpu.memory_space<hbm>>
      %dma_wait3A_297 = arith.constant 0 : i32
      %dma_wait3A_298 = tpu.memref_slice %arg6[%add3A_31, %dma_wait3A_297] : memref<32768x128xf32, #tpu.memory_space<hbm>> -> memref<128x128xf32, #tpu.memory_space<hbm>>
      tpu.wait_dma2 semaphore(%run_scoped3A : memref<!tpu.dma_semaphore, #tpu.memory_space<semaphore_mem>>) src(%arg11 : memref<128x128xf32, #tpu.memory_space<vmem>>) dst(%dma_wait3A_298 : memref<128x128xf32, #tpu.memory_space<hbm>>)
      tpu.yield
    }) : () -> ()
    %dma_start3A_32 = arith.constant 384 : i32
    %dma_start3A_33 = tpu.memref_slice %arg8[%dma_start3A_32] : memref<1024xi32, #tpu.memory_space<vmem>> -> memref<128xi32, #tpu.memory_space<vmem>>
    %dma_start3A_34 = arith.constant 0 : i32
    %dma_start3A_35 = arith.constant 0 : i32
    %dma_start3A_36 = tpu.memref_slice %arg2[%dma_start3A_34, %dma_start3A_35] : memref<65536x128xf32, #tpu.memory_space<hbm>> -> memref<65536x128xf32, #tpu.memory_space<hbm>>
    tpu.enqueue_indirect_dma source(%dma_start3A_36 : memref<65536x128xf32, #tpu.memory_space<hbm>>) target(%arg11 : memref<128x128xf32, #tpu.memory_space<vmem>>) offsets(%dma_start3A_33 : memref<128xi32, #tpu.memory_space<vmem>>) semaphore(%arg13 : memref<!tpu.dma_semaphore, #tpu.memory_space<semaphore_mem>>)
    %dma_wait3A_37 = arith.constant 256 : i32
    %dma_wait3A_38 = tpu.memref_slice %arg8[%dma_wait3A_37] : memref<1024xi32, #tpu.memory_space<vmem>> -> memref<128xi32, #tpu.memory_space<vmem>>
    %dma_wait3A_39 = arith.constant 0 : i32
    %dma_wait3A_40 = arith.constant 0 : i32
    %dma_wait3A_41 = tpu.memref_slice %arg2[%dma_wait3A_39, %dma_wait3A_40] : memref<65536x128xf32, #tpu.memory_space<hbm>> -> memref<65536x128xf32, #tpu.memory_space<hbm>>
    tpu.wait_indirect_dma semaphore(%arg12 : memref<!tpu.dma_semaphore, #tpu.memory_space<semaphore_mem>>) src(%dma_wait3A_41 : memref<65536x128xf32, #tpu.memory_space<hbm>>) dst(%arg10 : memref<128x128xf32, #tpu.memory_space<vmem>>)
    %add3A_42 = arith.constant 256 : i32
    %add3A_43 = arith.addi %mul3A_2, %add3A_42 : i32
    "tpu.region"() ({
      %run_scoped3A = tpu.sem_alloc : memref<!tpu.dma_semaphore, #tpu.memory_space<semaphore_mem>>
      %dma_start3A_291 = arith.constant 0 : i32
      %dma_start3A_292 = tpu.memref_slice %arg6[%add3A_43, %dma_start3A_291] : memref<32768x128xf32, #tpu.memory_space<hbm>> -> memref<128x128xf32, #tpu.memory_space<hbm>>
      %dma_start3A_293 = arith.constant 0 : i32
      %dma_start3A_294 = tpu.memref_slice %arg6[%add3A_43, %dma_start3A_293] : memref<32768x128xf32, #tpu.memory_space<hbm>> -> memref<128x128xf32, #tpu.memory_space<hbm>>
      tpu.enqueue_dma source(%arg10 : memref<128x128xf32, #tpu.memory_space<vmem>>) target(%dma_start3A_294 : memref<128x128xf32, #tpu.memory_space<hbm>>) target_semaphore(%run_scoped3A : memref<!tpu.dma_semaphore, #tpu.memory_space<semaphore_mem>>)
      %dma_wait3A_295 = arith.constant 0 : i32
      %dma_wait3A_296 = tpu.memref_slice %arg6[%add3A_43, %dma_wait3A_295] : memref<32768x128xf32, #tpu.memory_space<hbm>> -> memref<128x128xf32, #tpu.memory_space<hbm>>
      %dma_wait3A_297 = arith.constant 0 : i32
      %dma_wait3A_298 = tpu.memref_slice %arg6[%add3A_43, %dma_wait3A_297] : memref<32768x128xf32, #tpu.memory_space<hbm>> -> memref<128x128xf32, #tpu.memory_space<hbm>>
      tpu.wait_dma2 semaphore(%run_scoped3A : memref<!tpu.dma_semaphore, #tpu.memory_space<semaphore_mem>>) src(%arg10 : memref<128x128xf32, #tpu.memory_space<vmem>>) dst(%dma_wait3A_298 : memref<128x128xf32, #tpu.memory_space<hbm>>)
      tpu.yield
    }) : () -> ()
    %dma_start3A_44 = arith.constant 512 : i32
    %dma_start3A_45 = tpu.memref_slice %arg8[%dma_start3A_44] : memref<1024xi32, #tpu.memory_space<vmem>> -> memref<128xi32, #tpu.memory_space<vmem>>
    %dma_start3A_46 = arith.constant 0 : i32
    %dma_start3A_47 = arith.constant 0 : i32
    %dma_start3A_48 = tpu.memref_slice %arg2[%dma_start3A_46, %dma_start3A_47] : memref<65536x128xf32, #tpu.memory_space<hbm>> -> memref<65536x128xf32, #tpu.memory_space<hbm>>
    tpu.enqueue_indirect_dma source(%dma_start3A_48 : memref<65536x128xf32, #tpu.memory_space<hbm>>) target(%arg10 : memref<128x128xf32, #tpu.memory_space<vmem>>) offsets(%dma_start3A_45 : memref<128xi32, #tpu.memory_space<vmem>>) semaphore(%arg12 : memref<!tpu.dma_semaphore, #tpu.memory_space<semaphore_mem>>)
    %dma_wait3A_49 = arith.constant 384 : i32
    %dma_wait3A_50 = tpu.memref_slice %arg8[%dma_wait3A_49] : memref<1024xi32, #tpu.memory_space<vmem>> -> memref<128xi32, #tpu.memory_space<vmem>>
    %dma_wait3A_51 = arith.constant 0 : i32
    %dma_wait3A_52 = arith.constant 0 : i32
    %dma_wait3A_53 = tpu.memref_slice %arg2[%dma_wait3A_51, %dma_wait3A_52] : memref<65536x128xf32, #tpu.memory_space<hbm>> -> memref<65536x128xf32, #tpu.memory_space<hbm>>
    tpu.wait_indirect_dma semaphore(%arg13 : memref<!tpu.dma_semaphore, #tpu.memory_space<semaphore_mem>>) src(%dma_wait3A_53 : memref<65536x128xf32, #tpu.memory_space<hbm>>) dst(%arg11 : memref<128x128xf32, #tpu.memory_space<vmem>>)
    %add3A_54 = arith.constant 384 : i32
    %add3A_55 = arith.addi %mul3A_2, %add3A_54 : i32
    "tpu.region"() ({
      %run_scoped3A = tpu.sem_alloc : memref<!tpu.dma_semaphore, #tpu.memory_space<semaphore_mem>>
      %dma_start3A_291 = arith.constant 0 : i32
      %dma_start3A_292 = tpu.memref_slice %arg6[%add3A_55, %dma_start3A_291] : memref<32768x128xf32, #tpu.memory_space<hbm>> -> memref<128x128xf32, #tpu.memory_space<hbm>>
      %dma_start3A_293 = arith.constant 0 : i32
      %dma_start3A_294 = tpu.memref_slice %arg6[%add3A_55, %dma_start3A_293] : memref<32768x128xf32, #tpu.memory_space<hbm>> -> memref<128x128xf32, #tpu.memory_space<hbm>>
      tpu.enqueue_dma source(%arg11 : memref<128x128xf32, #tpu.memory_space<vmem>>) target(%dma_start3A_294 : memref<128x128xf32, #tpu.memory_space<hbm>>) target_semaphore(%run_scoped3A : memref<!tpu.dma_semaphore, #tpu.memory_space<semaphore_mem>>)
      %dma_wait3A_295 = arith.constant 0 : i32
      %dma_wait3A_296 = tpu.memref_slice %arg6[%add3A_55, %dma_wait3A_295] : memref<32768x128xf32, #tpu.memory_space<hbm>> -> memref<128x128xf32, #tpu.memory_space<hbm>>
      %dma_wait3A_297 = arith.constant 0 : i32
      %dma_wait3A_298 = tpu.memref_slice %arg6[%add3A_55, %dma_wait3A_297] : memref<32768x128xf32, #tpu.memory_space<hbm>> -> memref<128x128xf32, #tpu.memory_space<hbm>>
      tpu.wait_dma2 semaphore(%run_scoped3A : memref<!tpu.dma_semaphore, #tpu.memory_space<semaphore_mem>>) src(%arg11 : memref<128x128xf32, #tpu.memory_space<vmem>>) dst(%dma_wait3A_298 : memref<128x128xf32, #tpu.memory_space<hbm>>)
      tpu.yield
    }) : () -> ()
    %dma_start3A_56 = arith.constant 640 : i32
    %dma_start3A_57 = tpu.memref_slice %arg8[%dma_start3A_56] : memref<1024xi32, #tpu.memory_space<vmem>> -> memref<128xi32, #tpu.memory_space<vmem>>
    %dma_start3A_58 = arith.constant 0 : i32
    %dma_start3A_59 = arith.constant 0 : i32
    %dma_start3A_60 = tpu.memref_slice %arg2[%dma_start3A_58, %dma_start3A_59] : memref<65536x128xf32, #tpu.memory_space<hbm>> -> memref<65536x128xf32, #tpu.memory_space<hbm>>
    tpu.enqueue_indirect_dma source(%dma_start3A_60 : memref<65536x128xf32, #tpu.memory_space<hbm>>) target(%arg11 : memref<128x128xf32, #tpu.memory_space<vmem>>) offsets(%dma_start3A_57 : memref<128xi32, #tpu.memory_space<vmem>>) semaphore(%arg13 : memref<!tpu.dma_semaphore, #tpu.memory_space<semaphore_mem>>)
    %dma_wait3A_61 = arith.constant 512 : i32
    %dma_wait3A_62 = tpu.memref_slice %arg8[%dma_wait3A_61] : memref<1024xi32, #tpu.memory_space<vmem>> -> memref<128xi32, #tpu.memory_space<vmem>>
    %dma_wait3A_63 = arith.constant 0 : i32
    %dma_wait3A_64 = arith.constant 0 : i32
    %dma_wait3A_65 = tpu.memref_slice %arg2[%dma_wait3A_63, %dma_wait3A_64] : memref<65536x128xf32, #tpu.memory_space<hbm>> -> memref<65536x128xf32, #tpu.memory_space<hbm>>
    tpu.wait_indirect_dma semaphore(%arg12 : memref<!tpu.dma_semaphore, #tpu.memory_space<semaphore_mem>>) src(%dma_wait3A_65 : memref<65536x128xf32, #tpu.memory_space<hbm>>) dst(%arg10 : memref<128x128xf32, #tpu.memory_space<vmem>>)
    %add3A_66 = arith.constant 512 : i32
    %add3A_67 = arith.addi %mul3A_2, %add3A_66 : i32
    "tpu.region"() ({
      %run_scoped3A = tpu.sem_alloc : memref<!tpu.dma_semaphore, #tpu.memory_space<semaphore_mem>>
      %dma_start3A_291 = arith.constant 0 : i32
      %dma_start3A_292 = tpu.memref_slice %arg6[%add3A_67, %dma_start3A_291] : memref<32768x128xf32, #tpu.memory_space<hbm>> -> memref<128x128xf32, #tpu.memory_space<hbm>>
      %dma_start3A_293 = arith.constant 0 : i32
      %dma_start3A_294 = tpu.memref_slice %arg6[%add3A_67, %dma_start3A_293] : memref<32768x128xf32, #tpu.memory_space<hbm>> -> memref<128x128xf32, #tpu.memory_space<hbm>>
      tpu.enqueue_dma source(%arg10 : memref<128x128xf32, #tpu.memory_space<vmem>>) target(%dma_start3A_294 : memref<128x128xf32, #tpu.memory_space<hbm>>) target_semaphore(%run_scoped3A : memref<!tpu.dma_semaphore, #tpu.memory_space<semaphore_mem>>)
      %dma_wait3A_295 = arith.constant 0 : i32
      %dma_wait3A_296 = tpu.memref_slice %arg6[%add3A_67, %dma_wait3A_295] : memref<32768x128xf32, #tpu.memory_space<hbm>> -> memref<128x128xf32, #tpu.memory_space<hbm>>
      %dma_wait3A_297 = arith.constant 0 : i32
      %dma_wait3A_298 = tpu.memref_slice %arg6[%add3A_67, %dma_wait3A_297] : memref<32768x128xf32, #tpu.memory_space<hbm>> -> memref<128x128xf32, #tpu.memory_space<hbm>>
      tpu.wait_dma2 semaphore(%run_scoped3A : memref<!tpu.dma_semaphore, #tpu.memory_space<semaphore_mem>>) src(%arg10 : memref<128x128xf32, #tpu.memory_space<vmem>>) dst(%dma_wait3A_298 : memref<128x128xf32, #tpu.memory_space<hbm>>)
      tpu.yield
    }) : () -> ()
    %dma_start3A_68 = arith.constant 768 : i32
    %dma_start3A_69 = tpu.memref_slice %arg8[%dma_start3A_68] : memref<1024xi32, #tpu.memory_space<vmem>> -> memref<128xi32, #tpu.memory_space<vmem>>
    %dma_start3A_70 = arith.constant 0 : i32
    %dma_start3A_71 = arith.constant 0 : i32
    %dma_start3A_72 = tpu.memref_slice %arg2[%dma_start3A_70, %dma_start3A_71] : memref<65536x128xf32, #tpu.memory_space<hbm>> -> memref<65536x128xf32, #tpu.memory_space<hbm>>
    tpu.enqueue_indirect_dma source(%dma_start3A_72 : memref<65536x128xf32, #tpu.memory_space<hbm>>) target(%arg10 : memref<128x128xf32, #tpu.memory_space<vmem>>) offsets(%dma_start3A_69 : memref<128xi32, #tpu.memory_space<vmem>>) semaphore(%arg12 : memref<!tpu.dma_semaphore, #tpu.memory_space<semaphore_mem>>)
    %dma_wait3A_73 = arith.constant 640 : i32
    %dma_wait3A_74 = tpu.memref_slice %arg8[%dma_wait3A_73] : memref<1024xi32, #tpu.memory_space<vmem>> -> memref<128xi32, #tpu.memory_space<vmem>>
    %dma_wait3A_75 = arith.constant 0 : i32
    %dma_wait3A_76 = arith.constant 0 : i32
    %dma_wait3A_77 = tpu.memref_slice %arg2[%dma_wait3A_75, %dma_wait3A_76] : memref<65536x128xf32, #tpu.memory_space<hbm>> -> memref<65536x128xf32, #tpu.memory_space<hbm>>
    tpu.wait_indirect_dma semaphore(%arg13 : memref<!tpu.dma_semaphore, #tpu.memory_space<semaphore_mem>>) src(%dma_wait3A_77 : memref<65536x128xf32, #tpu.memory_space<hbm>>) dst(%arg11 : memref<128x128xf32, #tpu.memory_space<vmem>>)
    %add3A_78 = arith.constant 640 : i32
    %add3A_79 = arith.addi %mul3A_2, %add3A_78 : i32
    "tpu.region"() ({
      %run_scoped3A = tpu.sem_alloc : memref<!tpu.dma_semaphore, #tpu.memory_space<semaphore_mem>>
      %dma_start3A_291 = arith.constant 0 : i32
      %dma_start3A_292 = tpu.memref_slice %arg6[%add3A_79, %dma_start3A_291] : memref<32768x128xf32, #tpu.memory_space<hbm>> -> memref<128x128xf32, #tpu.memory_space<hbm>>
      %dma_start3A_293 = arith.constant 0 : i32
      %dma_start3A_294 = tpu.memref_slice %arg6[%add3A_79, %dma_start3A_293] : memref<32768x128xf32, #tpu.memory_space<hbm>> -> memref<128x128xf32, #tpu.memory_space<hbm>>
      tpu.enqueue_dma source(%arg11 : memref<128x128xf32, #tpu.memory_space<vmem>>) target(%dma_start3A_294 : memref<128x128xf32, #tpu.memory_space<hbm>>) target_semaphore(%run_scoped3A : memref<!tpu.dma_semaphore, #tpu.memory_space<semaphore_mem>>)
      %dma_wait3A_295 = arith.constant 0 : i32
      %dma_wait3A_296 = tpu.memref_slice %arg6[%add3A_79, %dma_wait3A_295] : memref<32768x128xf32, #tpu.memory_space<hbm>> -> memref<128x128xf32, #tpu.memory_space<hbm>>
      %dma_wait3A_297 = arith.constant 0 : i32
      %dma_wait3A_298 = tpu.memref_slice %arg6[%add3A_79, %dma_wait3A_297] : memref<32768x128xf32, #tpu.memory_space<hbm>> -> memref<128x128xf32, #tpu.memory_space<hbm>>
      tpu.wait_dma2 semaphore(%run_scoped3A : memref<!tpu.dma_semaphore, #tpu.memory_space<semaphore_mem>>) src(%arg11 : memref<128x128xf32, #tpu.memory_space<vmem>>) dst(%dma_wait3A_298 : memref<128x128xf32, #tpu.memory_space<hbm>>)
      tpu.yield
    }) : () -> ()
    %dma_start3A_80 = arith.constant 896 : i32
    %dma_start3A_81 = tpu.memref_slice %arg8[%dma_start3A_80] : memref<1024xi32, #tpu.memory_space<vmem>> -> memref<128xi32, #tpu.memory_space<vmem>>
    %dma_start3A_82 = arith.constant 0 : i32
    %dma_start3A_83 = arith.constant 0 : i32
    %dma_start3A_84 = tpu.memref_slice %arg2[%dma_start3A_82, %dma_start3A_83] : memref<65536x128xf32, #tpu.memory_space<hbm>> -> memref<65536x128xf32, #tpu.memory_space<hbm>>
    tpu.enqueue_indirect_dma source(%dma_start3A_84 : memref<65536x128xf32, #tpu.memory_space<hbm>>) target(%arg11 : memref<128x128xf32, #tpu.memory_space<vmem>>) offsets(%dma_start3A_81 : memref<128xi32, #tpu.memory_space<vmem>>) semaphore(%arg13 : memref<!tpu.dma_semaphore, #tpu.memory_space<semaphore_mem>>)
    %dma_wait3A_85 = arith.constant 768 : i32
    %dma_wait3A_86 = tpu.memref_slice %arg8[%dma_wait3A_85] : memref<1024xi32, #tpu.memory_space<vmem>> -> memref<128xi32, #tpu.memory_space<vmem>>
    %dma_wait3A_87 = arith.constant 0 : i32
    %dma_wait3A_88 = arith.constant 0 : i32
    %dma_wait3A_89 = tpu.memref_slice %arg2[%dma_wait3A_87, %dma_wait3A_88] : memref<65536x128xf32, #tpu.memory_space<hbm>> -> memref<65536x128xf32, #tpu.memory_space<hbm>>
    tpu.wait_indirect_dma semaphore(%arg12 : memref<!tpu.dma_semaphore, #tpu.memory_space<semaphore_mem>>) src(%dma_wait3A_89 : memref<65536x128xf32, #tpu.memory_space<hbm>>) dst(%arg10 : memref<128x128xf32, #tpu.memory_space<vmem>>)
    %add3A_90 = arith.constant 768 : i32
    %add3A_91 = arith.addi %mul3A_2, %add3A_90 : i32
    "tpu.region"() ({
      %run_scoped3A = tpu.sem_alloc : memref<!tpu.dma_semaphore, #tpu.memory_space<semaphore_mem>>
      %dma_start3A_291 = arith.constant 0 : i32
      %dma_start3A_292 = tpu.memref_slice %arg6[%add3A_91, %dma_start3A_291] : memref<32768x128xf32, #tpu.memory_space<hbm>> -> memref<128x128xf32, #tpu.memory_space<hbm>>
      %dma_start3A_293 = arith.constant 0 : i32
      %dma_start3A_294 = tpu.memref_slice %arg6[%add3A_91, %dma_start3A_293] : memref<32768x128xf32, #tpu.memory_space<hbm>> -> memref<128x128xf32, #tpu.memory_space<hbm>>
      tpu.enqueue_dma source(%arg10 : memref<128x128xf32, #tpu.memory_space<vmem>>) target(%dma_start3A_294 : memref<128x128xf32, #tpu.memory_space<hbm>>) target_semaphore(%run_scoped3A : memref<!tpu.dma_semaphore, #tpu.memory_space<semaphore_mem>>)
      %dma_wait3A_295 = arith.constant 0 : i32
      %dma_wait3A_296 = tpu.memref_slice %arg6[%add3A_91, %dma_wait3A_295] : memref<32768x128xf32, #tpu.memory_space<hbm>> -> memref<128x128xf32, #tpu.memory_space<hbm>>
      %dma_wait3A_297 = arith.constant 0 : i32
      %dma_wait3A_298 = tpu.memref_slice %arg6[%add3A_91, %dma_wait3A_297] : memref<32768x128xf32, #tpu.memory_space<hbm>> -> memref<128x128xf32, #tpu.memory_space<hbm>>
      tpu.wait_dma2 semaphore(%run_scoped3A : memref<!tpu.dma_semaphore, #tpu.memory_space<semaphore_mem>>) src(%arg10 : memref<128x128xf32, #tpu.memory_space<vmem>>) dst(%dma_wait3A_298 : memref<128x128xf32, #tpu.memory_space<hbm>>)
      tpu.yield
    }) : () -> ()
    %dma_start3A_92 = arith.constant 0 : i32
    %dma_start3A_93 = tpu.memref_slice %arg9[%dma_start3A_92] : memref<2048xi32, #tpu.memory_space<vmem>> -> memref<128xi32, #tpu.memory_space<vmem>>
    %dma_start3A_94 = arith.constant 0 : i32
    %dma_start3A_95 = arith.constant 0 : i32
    %dma_start3A_96 = tpu.memref_slice %arg3[%dma_start3A_94, %dma_start3A_95] : memref<65536x128xf32, #tpu.memory_space<hbm>> -> memref<65536x128xf32, #tpu.memory_space<hbm>>
    tpu.enqueue_indirect_dma source(%dma_start3A_96 : memref<65536x128xf32, #tpu.memory_space<hbm>>) target(%arg10 : memref<128x128xf32, #tpu.memory_space<vmem>>) offsets(%dma_start3A_93 : memref<128xi32, #tpu.memory_space<vmem>>) semaphore(%arg12 : memref<!tpu.dma_semaphore, #tpu.memory_space<semaphore_mem>>)
    %dma_wait3A_97 = arith.constant 896 : i32
    %dma_wait3A_98 = tpu.memref_slice %arg8[%dma_wait3A_97] : memref<1024xi32, #tpu.memory_space<vmem>> -> memref<128xi32, #tpu.memory_space<vmem>>
    %dma_wait3A_99 = arith.constant 0 : i32
    %dma_wait3A_100 = arith.constant 0 : i32
    %dma_wait3A_101 = tpu.memref_slice %arg2[%dma_wait3A_99, %dma_wait3A_100] : memref<65536x128xf32, #tpu.memory_space<hbm>> -> memref<65536x128xf32, #tpu.memory_space<hbm>>
    tpu.wait_indirect_dma semaphore(%arg13 : memref<!tpu.dma_semaphore, #tpu.memory_space<semaphore_mem>>) src(%dma_wait3A_101 : memref<65536x128xf32, #tpu.memory_space<hbm>>) dst(%arg11 : memref<128x128xf32, #tpu.memory_space<vmem>>)
    %add3A_102 = arith.constant 896 : i32
    %add3A_103 = arith.addi %mul3A_2, %add3A_102 : i32
    "tpu.region"() ({
      %run_scoped3A = tpu.sem_alloc : memref<!tpu.dma_semaphore, #tpu.memory_space<semaphore_mem>>
      %dma_start3A_291 = arith.constant 0 : i32
      %dma_start3A_292 = tpu.memref_slice %arg6[%add3A_103, %dma_start3A_291] : memref<32768x128xf32, #tpu.memory_space<hbm>> -> memref<128x128xf32, #tpu.memory_space<hbm>>
      %dma_start3A_293 = arith.constant 0 : i32
      %dma_start3A_294 = tpu.memref_slice %arg6[%add3A_103, %dma_start3A_293] : memref<32768x128xf32, #tpu.memory_space<hbm>> -> memref<128x128xf32, #tpu.memory_space<hbm>>
      tpu.enqueue_dma source(%arg11 : memref<128x128xf32, #tpu.memory_space<vmem>>) target(%dma_start3A_294 : memref<128x128xf32, #tpu.memory_space<hbm>>) target_semaphore(%run_scoped3A : memref<!tpu.dma_semaphore, #tpu.memory_space<semaphore_mem>>)
      %dma_wait3A_295 = arith.constant 0 : i32
      %dma_wait3A_296 = tpu.memref_slice %arg6[%add3A_103, %dma_wait3A_295] : memref<32768x128xf32, #tpu.memory_space<hbm>> -> memref<128x128xf32, #tpu.memory_space<hbm>>
      %dma_wait3A_297 = arith.constant 0 : i32
      %dma_wait3A_298 = tpu.memref_slice %arg6[%add3A_103, %dma_wait3A_297] : memref<32768x128xf32, #tpu.memory_space<hbm>> -> memref<128x128xf32, #tpu.memory_space<hbm>>
      tpu.wait_dma2 semaphore(%run_scoped3A : memref<!tpu.dma_semaphore, #tpu.memory_space<semaphore_mem>>) src(%arg11 : memref<128x128xf32, #tpu.memory_space<vmem>>) dst(%dma_wait3A_298 : memref<128x128xf32, #tpu.memory_space<hbm>>)
      tpu.yield
    }) : () -> ()
    %dma_start3A_104 = arith.constant 128 : i32
    %dma_start3A_105 = tpu.memref_slice %arg9[%dma_start3A_104] : memref<2048xi32, #tpu.memory_space<vmem>> -> memref<128xi32, #tpu.memory_space<vmem>>
    %dma_start3A_106 = arith.constant 0 : i32
    %dma_start3A_107 = arith.constant 0 : i32
    %dma_start3A_108 = tpu.memref_slice %arg3[%dma_start3A_106, %dma_start3A_107] : memref<65536x128xf32, #tpu.memory_space<hbm>> -> memref<65536x128xf32, #tpu.memory_space<hbm>>
    tpu.enqueue_indirect_dma source(%dma_start3A_108 : memref<65536x128xf32, #tpu.memory_space<hbm>>) target(%arg11 : memref<128x128xf32, #tpu.memory_space<vmem>>) offsets(%dma_start3A_105 : memref<128xi32, #tpu.memory_space<vmem>>) semaphore(%arg13 : memref<!tpu.dma_semaphore, #tpu.memory_space<semaphore_mem>>)
    %dma_wait3A_109 = arith.constant 0 : i32
    %dma_wait3A_110 = tpu.memref_slice %arg9[%dma_wait3A_109] : memref<2048xi32, #tpu.memory_space<vmem>> -> memref<128xi32, #tpu.memory_space<vmem>>
    %dma_wait3A_111 = arith.constant 0 : i32
    %dma_wait3A_112 = arith.constant 0 : i32
    %dma_wait3A_113 = tpu.memref_slice %arg3[%dma_wait3A_111, %dma_wait3A_112] : memref<65536x128xf32, #tpu.memory_space<hbm>> -> memref<65536x128xf32, #tpu.memory_space<hbm>>
    tpu.wait_indirect_dma semaphore(%arg12 : memref<!tpu.dma_semaphore, #tpu.memory_space<semaphore_mem>>) src(%dma_wait3A_113 : memref<65536x128xf32, #tpu.memory_space<hbm>>) dst(%arg10 : memref<128x128xf32, #tpu.memory_space<vmem>>)
    %add3A_114 = arith.constant 0 : i32
    %add3A_115 = arith.addi %mul3A_4, %add3A_114 : i32
    "tpu.region"() ({
      %run_scoped3A = tpu.sem_alloc : memref<!tpu.dma_semaphore, #tpu.memory_space<semaphore_mem>>
      %dma_start3A_291 = arith.constant 0 : i32
      %dma_start3A_292 = tpu.memref_slice %arg7[%add3A_115, %dma_start3A_291] : memref<65536x128xf32, #tpu.memory_space<hbm>> -> memref<128x128xf32, #tpu.memory_space<hbm>>
      %dma_start3A_293 = arith.constant 0 : i32
      %dma_start3A_294 = tpu.memref_slice %arg7[%add3A_115, %dma_start3A_293] : memref<65536x128xf32, #tpu.memory_space<hbm>> -> memref<128x128xf32, #tpu.memory_space<hbm>>
      tpu.enqueue_dma source(%arg10 : memref<128x128xf32, #tpu.memory_space<vmem>>) target(%dma_start3A_294 : memref<128x128xf32, #tpu.memory_space<hbm>>) target_semaphore(%run_scoped3A : memref<!tpu.dma_semaphore, #tpu.memory_space<semaphore_mem>>)
      %dma_wait3A_295 = arith.constant 0 : i32
      %dma_wait3A_296 = tpu.memref_slice %arg7[%add3A_115, %dma_wait3A_295] : memref<65536x128xf32, #tpu.memory_space<hbm>> -> memref<128x128xf32, #tpu.memory_space<hbm>>
      %dma_wait3A_297 = arith.constant 0 : i32
      %dma_wait3A_298 = tpu.memref_slice %arg7[%add3A_115, %dma_wait3A_297] : memref<65536x128xf32, #tpu.memory_space<hbm>> -> memref<128x128xf32, #tpu.memory_space<hbm>>
      tpu.wait_dma2 semaphore(%run_scoped3A : memref<!tpu.dma_semaphore, #tpu.memory_space<semaphore_mem>>) src(%arg10 : memref<128x128xf32, #tpu.memory_space<vmem>>) dst(%dma_wait3A_298 : memref<128x128xf32, #tpu.memory_space<hbm>>)
      tpu.yield
    }) : () -> ()
    %dma_start3A_116 = arith.constant 256 : i32
    %dma_start3A_117 = tpu.memref_slice %arg9[%dma_start3A_116] : memref<2048xi32, #tpu.memory_space<vmem>> -> memref<128xi32, #tpu.memory_space<vmem>>
    %dma_start3A_118 = arith.constant 0 : i32
    %dma_start3A_119 = arith.constant 0 : i32
    %dma_start3A_120 = tpu.memref_slice %arg3[%dma_start3A_118, %dma_start3A_119] : memref<65536x128xf32, #tpu.memory_space<hbm>> -> memref<65536x128xf32, #tpu.memory_space<hbm>>
    tpu.enqueue_indirect_dma source(%dma_start3A_120 : memref<65536x128xf32, #tpu.memory_space<hbm>>) target(%arg10 : memref<128x128xf32, #tpu.memory_space<vmem>>) offsets(%dma_start3A_117 : memref<128xi32, #tpu.memory_space<vmem>>) semaphore(%arg12 : memref<!tpu.dma_semaphore, #tpu.memory_space<semaphore_mem>>)
    %dma_wait3A_121 = arith.constant 128 : i32
    %dma_wait3A_122 = tpu.memref_slice %arg9[%dma_wait3A_121] : memref<2048xi32, #tpu.memory_space<vmem>> -> memref<128xi32, #tpu.memory_space<vmem>>
    %dma_wait3A_123 = arith.constant 0 : i32
    %dma_wait3A_124 = arith.constant 0 : i32
    %dma_wait3A_125 = tpu.memref_slice %arg3[%dma_wait3A_123, %dma_wait3A_124] : memref<65536x128xf32, #tpu.memory_space<hbm>> -> memref<65536x128xf32, #tpu.memory_space<hbm>>
    tpu.wait_indirect_dma semaphore(%arg13 : memref<!tpu.dma_semaphore, #tpu.memory_space<semaphore_mem>>) src(%dma_wait3A_125 : memref<65536x128xf32, #tpu.memory_space<hbm>>) dst(%arg11 : memref<128x128xf32, #tpu.memory_space<vmem>>)
    %add3A_126 = arith.constant 128 : i32
    %add3A_127 = arith.addi %mul3A_4, %add3A_126 : i32
    "tpu.region"() ({
      %run_scoped3A = tpu.sem_alloc : memref<!tpu.dma_semaphore, #tpu.memory_space<semaphore_mem>>
      %dma_start3A_291 = arith.constant 0 : i32
      %dma_start3A_292 = tpu.memref_slice %arg7[%add3A_127, %dma_start3A_291] : memref<65536x128xf32, #tpu.memory_space<hbm>> -> memref<128x128xf32, #tpu.memory_space<hbm>>
      %dma_start3A_293 = arith.constant 0 : i32
      %dma_start3A_294 = tpu.memref_slice %arg7[%add3A_127, %dma_start3A_293] : memref<65536x128xf32, #tpu.memory_space<hbm>> -> memref<128x128xf32, #tpu.memory_space<hbm>>
      tpu.enqueue_dma source(%arg11 : memref<128x128xf32, #tpu.memory_space<vmem>>) target(%dma_start3A_294 : memref<128x128xf32, #tpu.memory_space<hbm>>) target_semaphore(%run_scoped3A : memref<!tpu.dma_semaphore, #tpu.memory_space<semaphore_mem>>)
      %dma_wait3A_295 = arith.constant 0 : i32
      %dma_wait3A_296 = tpu.memref_slice %arg7[%add3A_127, %dma_wait3A_295] : memref<65536x128xf32, #tpu.memory_space<hbm>> -> memref<128x128xf32, #tpu.memory_space<hbm>>
      %dma_wait3A_297 = arith.constant 0 : i32
      %dma_wait3A_298 = tpu.memref_slice %arg7[%add3A_127, %dma_wait3A_297] : memref<65536x128xf32, #tpu.memory_space<hbm>> -> memref<128x128xf32, #tpu.memory_space<hbm>>
      tpu.wait_dma2 semaphore(%run_scoped3A : memref<!tpu.dma_semaphore, #tpu.memory_space<semaphore_mem>>) src(%arg11 : memref<128x128xf32, #tpu.memory_space<vmem>>) dst(%dma_wait3A_298 : memref<128x128xf32, #tpu.memory_space<hbm>>)
      tpu.yield
    }) : () -> ()
    %dma_start3A_128 = arith.constant 384 : i32
    %dma_start3A_129 = tpu.memref_slice %arg9[%dma_start3A_128] : memref<2048xi32, #tpu.memory_space<vmem>> -> memref<128xi32, #tpu.memory_space<vmem>>
    %dma_start3A_130 = arith.constant 0 : i32
    %dma_start3A_131 = arith.constant 0 : i32
    %dma_start3A_132 = tpu.memref_slice %arg3[%dma_start3A_130, %dma_start3A_131] : memref<65536x128xf32, #tpu.memory_space<hbm>> -> memref<65536x128xf32, #tpu.memory_space<hbm>>
    tpu.enqueue_indirect_dma source(%dma_start3A_132 : memref<65536x128xf32, #tpu.memory_space<hbm>>) target(%arg11 : memref<128x128xf32, #tpu.memory_space<vmem>>) offsets(%dma_start3A_129 : memref<128xi32, #tpu.memory_space<vmem>>) semaphore(%arg13 : memref<!tpu.dma_semaphore, #tpu.memory_space<semaphore_mem>>)
    %dma_wait3A_133 = arith.constant 256 : i32
    %dma_wait3A_134 = tpu.memref_slice %arg9[%dma_wait3A_133] : memref<2048xi32, #tpu.memory_space<vmem>> -> memref<128xi32, #tpu.memory_space<vmem>>
    %dma_wait3A_135 = arith.constant 0 : i32
    %dma_wait3A_136 = arith.constant 0 : i32
    %dma_wait3A_137 = tpu.memref_slice %arg3[%dma_wait3A_135, %dma_wait3A_136] : memref<65536x128xf32, #tpu.memory_space<hbm>> -> memref<65536x128xf32, #tpu.memory_space<hbm>>
    tpu.wait_indirect_dma semaphore(%arg12 : memref<!tpu.dma_semaphore, #tpu.memory_space<semaphore_mem>>) src(%dma_wait3A_137 : memref<65536x128xf32, #tpu.memory_space<hbm>>) dst(%arg10 : memref<128x128xf32, #tpu.memory_space<vmem>>)
    %add3A_138 = arith.constant 256 : i32
    %add3A_139 = arith.addi %mul3A_4, %add3A_138 : i32
    "tpu.region"() ({
      %run_scoped3A = tpu.sem_alloc : memref<!tpu.dma_semaphore, #tpu.memory_space<semaphore_mem>>
      %dma_start3A_291 = arith.constant 0 : i32
      %dma_start3A_292 = tpu.memref_slice %arg7[%add3A_139, %dma_start3A_291] : memref<65536x128xf32, #tpu.memory_space<hbm>> -> memref<128x128xf32, #tpu.memory_space<hbm>>
      %dma_start3A_293 = arith.constant 0 : i32
      %dma_start3A_294 = tpu.memref_slice %arg7[%add3A_139, %dma_start3A_293] : memref<65536x128xf32, #tpu.memory_space<hbm>> -> memref<128x128xf32, #tpu.memory_space<hbm>>
      tpu.enqueue_dma source(%arg10 : memref<128x128xf32, #tpu.memory_space<vmem>>) target(%dma_start3A_294 : memref<128x128xf32, #tpu.memory_space<hbm>>) target_semaphore(%run_scoped3A : memref<!tpu.dma_semaphore, #tpu.memory_space<semaphore_mem>>)
      %dma_wait3A_295 = arith.constant 0 : i32
      %dma_wait3A_296 = tpu.memref_slice %arg7[%add3A_139, %dma_wait3A_295] : memref<65536x128xf32, #tpu.memory_space<hbm>> -> memref<128x128xf32, #tpu.memory_space<hbm>>
      %dma_wait3A_297 = arith.constant 0 : i32
      %dma_wait3A_298 = tpu.memref_slice %arg7[%add3A_139, %dma_wait3A_297] : memref<65536x128xf32, #tpu.memory_space<hbm>> -> memref<128x128xf32, #tpu.memory_space<hbm>>
      tpu.wait_dma2 semaphore(%run_scoped3A : memref<!tpu.dma_semaphore, #tpu.memory_space<semaphore_mem>>) src(%arg10 : memref<128x128xf32, #tpu.memory_space<vmem>>) dst(%dma_wait3A_298 : memref<128x128xf32, #tpu.memory_space<hbm>>)
      tpu.yield
    }) : () -> ()
    %dma_start3A_140 = arith.constant 512 : i32
    %dma_start3A_141 = tpu.memref_slice %arg9[%dma_start3A_140] : memref<2048xi32, #tpu.memory_space<vmem>> -> memref<128xi32, #tpu.memory_space<vmem>>
    %dma_start3A_142 = arith.constant 0 : i32
    %dma_start3A_143 = arith.constant 0 : i32
    %dma_start3A_144 = tpu.memref_slice %arg3[%dma_start3A_142, %dma_start3A_143] : memref<65536x128xf32, #tpu.memory_space<hbm>> -> memref<65536x128xf32, #tpu.memory_space<hbm>>
    tpu.enqueue_indirect_dma source(%dma_start3A_144 : memref<65536x128xf32, #tpu.memory_space<hbm>>) target(%arg10 : memref<128x128xf32, #tpu.memory_space<vmem>>) offsets(%dma_start3A_141 : memref<128xi32, #tpu.memory_space<vmem>>) semaphore(%arg12 : memref<!tpu.dma_semaphore, #tpu.memory_space<semaphore_mem>>)
    %dma_wait3A_145 = arith.constant 384 : i32
    %dma_wait3A_146 = tpu.memref_slice %arg9[%dma_wait3A_145] : memref<2048xi32, #tpu.memory_space<vmem>> -> memref<128xi32, #tpu.memory_space<vmem>>
    %dma_wait3A_147 = arith.constant 0 : i32
    %dma_wait3A_148 = arith.constant 0 : i32
    %dma_wait3A_149 = tpu.memref_slice %arg3[%dma_wait3A_147, %dma_wait3A_148] : memref<65536x128xf32, #tpu.memory_space<hbm>> -> memref<65536x128xf32, #tpu.memory_space<hbm>>
    tpu.wait_indirect_dma semaphore(%arg13 : memref<!tpu.dma_semaphore, #tpu.memory_space<semaphore_mem>>) src(%dma_wait3A_149 : memref<65536x128xf32, #tpu.memory_space<hbm>>) dst(%arg11 : memref<128x128xf32, #tpu.memory_space<vmem>>)
    %add3A_150 = arith.constant 384 : i32
    %add3A_151 = arith.addi %mul3A_4, %add3A_150 : i32
    "tpu.region"() ({
      %run_scoped3A = tpu.sem_alloc : memref<!tpu.dma_semaphore, #tpu.memory_space<semaphore_mem>>
      %dma_start3A_291 = arith.constant 0 : i32
      %dma_start3A_292 = tpu.memref_slice %arg7[%add3A_151, %dma_start3A_291] : memref<65536x128xf32, #tpu.memory_space<hbm>> -> memref<128x128xf32, #tpu.memory_space<hbm>>
      %dma_start3A_293 = arith.constant 0 : i32
      %dma_start3A_294 = tpu.memref_slice %arg7[%add3A_151, %dma_start3A_293] : memref<65536x128xf32, #tpu.memory_space<hbm>> -> memref<128x128xf32, #tpu.memory_space<hbm>>
      tpu.enqueue_dma source(%arg11 : memref<128x128xf32, #tpu.memory_space<vmem>>) target(%dma_start3A_294 : memref<128x128xf32, #tpu.memory_space<hbm>>) target_semaphore(%run_scoped3A : memref<!tpu.dma_semaphore, #tpu.memory_space<semaphore_mem>>)
      %dma_wait3A_295 = arith.constant 0 : i32
      %dma_wait3A_296 = tpu.memref_slice %arg7[%add3A_151, %dma_wait3A_295] : memref<65536x128xf32, #tpu.memory_space<hbm>> -> memref<128x128xf32, #tpu.memory_space<hbm>>
      %dma_wait3A_297 = arith.constant 0 : i32
      %dma_wait3A_298 = tpu.memref_slice %arg7[%add3A_151, %dma_wait3A_297] : memref<65536x128xf32, #tpu.memory_space<hbm>> -> memref<128x128xf32, #tpu.memory_space<hbm>>
      tpu.wait_dma2 semaphore(%run_scoped3A : memref<!tpu.dma_semaphore, #tpu.memory_space<semaphore_mem>>) src(%arg11 : memref<128x128xf32, #tpu.memory_space<vmem>>) dst(%dma_wait3A_298 : memref<128x128xf32, #tpu.memory_space<hbm>>)
      tpu.yield
    }) : () -> ()
    %dma_start3A_152 = arith.constant 640 : i32
    %dma_start3A_153 = tpu.memref_slice %arg9[%dma_start3A_152] : memref<2048xi32, #tpu.memory_space<vmem>> -> memref<128xi32, #tpu.memory_space<vmem>>
    %dma_start3A_154 = arith.constant 0 : i32
    %dma_start3A_155 = arith.constant 0 : i32
    %dma_start3A_156 = tpu.memref_slice %arg3[%dma_start3A_154, %dma_start3A_155] : memref<65536x128xf32, #tpu.memory_space<hbm>> -> memref<65536x128xf32, #tpu.memory_space<hbm>>
    tpu.enqueue_indirect_dma source(%dma_start3A_156 : memref<65536x128xf32, #tpu.memory_space<hbm>>) target(%arg11 : memref<128x128xf32, #tpu.memory_space<vmem>>) offsets(%dma_start3A_153 : memref<128xi32, #tpu.memory_space<vmem>>) semaphore(%arg13 : memref<!tpu.dma_semaphore, #tpu.memory_space<semaphore_mem>>)
    %dma_wait3A_157 = arith.constant 512 : i32
    %dma_wait3A_158 = tpu.memref_slice %arg9[%dma_wait3A_157] : memref<2048xi32, #tpu.memory_space<vmem>> -> memref<128xi32, #tpu.memory_space<vmem>>
    %dma_wait3A_159 = arith.constant 0 : i32
    %dma_wait3A_160 = arith.constant 0 : i32
    %dma_wait3A_161 = tpu.memref_slice %arg3[%dma_wait3A_159, %dma_wait3A_160] : memref<65536x128xf32, #tpu.memory_space<hbm>> -> memref<65536x128xf32, #tpu.memory_space<hbm>>
    tpu.wait_indirect_dma semaphore(%arg12 : memref<!tpu.dma_semaphore, #tpu.memory_space<semaphore_mem>>) src(%dma_wait3A_161 : memref<65536x128xf32, #tpu.memory_space<hbm>>) dst(%arg10 : memref<128x128xf32, #tpu.memory_space<vmem>>)
    %add3A_162 = arith.constant 512 : i32
    %add3A_163 = arith.addi %mul3A_4, %add3A_162 : i32
    "tpu.region"() ({
      %run_scoped3A = tpu.sem_alloc : memref<!tpu.dma_semaphore, #tpu.memory_space<semaphore_mem>>
      %dma_start3A_291 = arith.constant 0 : i32
      %dma_start3A_292 = tpu.memref_slice %arg7[%add3A_163, %dma_start3A_291] : memref<65536x128xf32, #tpu.memory_space<hbm>> -> memref<128x128xf32, #tpu.memory_space<hbm>>
      %dma_start3A_293 = arith.constant 0 : i32
      %dma_start3A_294 = tpu.memref_slice %arg7[%add3A_163, %dma_start3A_293] : memref<65536x128xf32, #tpu.memory_space<hbm>> -> memref<128x128xf32, #tpu.memory_space<hbm>>
      tpu.enqueue_dma source(%arg10 : memref<128x128xf32, #tpu.memory_space<vmem>>) target(%dma_start3A_294 : memref<128x128xf32, #tpu.memory_space<hbm>>) target_semaphore(%run_scoped3A : memref<!tpu.dma_semaphore, #tpu.memory_space<semaphore_mem>>)
      %dma_wait3A_295 = arith.constant 0 : i32
      %dma_wait3A_296 = tpu.memref_slice %arg7[%add3A_163, %dma_wait3A_295] : memref<65536x128xf32, #tpu.memory_space<hbm>> -> memref<128x128xf32, #tpu.memory_space<hbm>>
      %dma_wait3A_297 = arith.constant 0 : i32
      %dma_wait3A_298 = tpu.memref_slice %arg7[%add3A_163, %dma_wait3A_297] : memref<65536x128xf32, #tpu.memory_space<hbm>> -> memref<128x128xf32, #tpu.memory_space<hbm>>
      tpu.wait_dma2 semaphore(%run_scoped3A : memref<!tpu.dma_semaphore, #tpu.memory_space<semaphore_mem>>) src(%arg10 : memref<128x128xf32, #tpu.memory_space<vmem>>) dst(%dma_wait3A_298 : memref<128x128xf32, #tpu.memory_space<hbm>>)
      tpu.yield
    }) : () -> ()
    %dma_start3A_164 = arith.constant 768 : i32
    %dma_start3A_165 = tpu.memref_slice %arg9[%dma_start3A_164] : memref<2048xi32, #tpu.memory_space<vmem>> -> memref<128xi32, #tpu.memory_space<vmem>>
    %dma_start3A_166 = arith.constant 0 : i32
    %dma_start3A_167 = arith.constant 0 : i32
    %dma_start3A_168 = tpu.memref_slice %arg3[%dma_start3A_166, %dma_start3A_167] : memref<65536x128xf32, #tpu.memory_space<hbm>> -> memref<65536x128xf32, #tpu.memory_space<hbm>>
    tpu.enqueue_indirect_dma source(%dma_start3A_168 : memref<65536x128xf32, #tpu.memory_space<hbm>>) target(%arg10 : memref<128x128xf32, #tpu.memory_space<vmem>>) offsets(%dma_start3A_165 : memref<128xi32, #tpu.memory_space<vmem>>) semaphore(%arg12 : memref<!tpu.dma_semaphore, #tpu.memory_space<semaphore_mem>>)
    %dma_wait3A_169 = arith.constant 640 : i32
    %dma_wait3A_170 = tpu.memref_slice %arg9[%dma_wait3A_169] : memref<2048xi32, #tpu.memory_space<vmem>> -> memref<128xi32, #tpu.memory_space<vmem>>
    %dma_wait3A_171 = arith.constant 0 : i32
    %dma_wait3A_172 = arith.constant 0 : i32
    %dma_wait3A_173 = tpu.memref_slice %arg3[%dma_wait3A_171, %dma_wait3A_172] : memref<65536x128xf32, #tpu.memory_space<hbm>> -> memref<65536x128xf32, #tpu.memory_space<hbm>>
    tpu.wait_indirect_dma semaphore(%arg13 : memref<!tpu.dma_semaphore, #tpu.memory_space<semaphore_mem>>) src(%dma_wait3A_173 : memref<65536x128xf32, #tpu.memory_space<hbm>>) dst(%arg11 : memref<128x128xf32, #tpu.memory_space<vmem>>)
    %add3A_174 = arith.constant 640 : i32
    %add3A_175 = arith.addi %mul3A_4, %add3A_174 : i32
    "tpu.region"() ({
      %run_scoped3A = tpu.sem_alloc : memref<!tpu.dma_semaphore, #tpu.memory_space<semaphore_mem>>
      %dma_start3A_291 = arith.constant 0 : i32
      %dma_start3A_292 = tpu.memref_slice %arg7[%add3A_175, %dma_start3A_291] : memref<65536x128xf32, #tpu.memory_space<hbm>> -> memref<128x128xf32, #tpu.memory_space<hbm>>
      %dma_start3A_293 = arith.constant 0 : i32
      %dma_start3A_294 = tpu.memref_slice %arg7[%add3A_175, %dma_start3A_293] : memref<65536x128xf32, #tpu.memory_space<hbm>> -> memref<128x128xf32, #tpu.memory_space<hbm>>
      tpu.enqueue_dma source(%arg11 : memref<128x128xf32, #tpu.memory_space<vmem>>) target(%dma_start3A_294 : memref<128x128xf32, #tpu.memory_space<hbm>>) target_semaphore(%run_scoped3A : memref<!tpu.dma_semaphore, #tpu.memory_space<semaphore_mem>>)
      %dma_wait3A_295 = arith.constant 0 : i32
      %dma_wait3A_296 = tpu.memref_slice %arg7[%add3A_175, %dma_wait3A_295] : memref<65536x128xf32, #tpu.memory_space<hbm>> -> memref<128x128xf32, #tpu.memory_space<hbm>>
      %dma_wait3A_297 = arith.constant 0 : i32
      %dma_wait3A_298 = tpu.memref_slice %arg7[%add3A_175, %dma_wait3A_297] : memref<65536x128xf32, #tpu.memory_space<hbm>> -> memref<128x128xf32, #tpu.memory_space<hbm>>
      tpu.wait_dma2 semaphore(%run_scoped3A : memref<!tpu.dma_semaphore, #tpu.memory_space<semaphore_mem>>) src(%arg11 : memref<128x128xf32, #tpu.memory_space<vmem>>) dst(%dma_wait3A_298 : memref<128x128xf32, #tpu.memory_space<hbm>>)
      tpu.yield
    }) : () -> ()
    %dma_start3A_176 = arith.constant 896 : i32
    %dma_start3A_177 = tpu.memref_slice %arg9[%dma_start3A_176] : memref<2048xi32, #tpu.memory_space<vmem>> -> memref<128xi32, #tpu.memory_space<vmem>>
    %dma_start3A_178 = arith.constant 0 : i32
    %dma_start3A_179 = arith.constant 0 : i32
    %dma_start3A_180 = tpu.memref_slice %arg3[%dma_start3A_178, %dma_start3A_179] : memref<65536x128xf32, #tpu.memory_space<hbm>> -> memref<65536x128xf32, #tpu.memory_space<hbm>>
    tpu.enqueue_indirect_dma source(%dma_start3A_180 : memref<65536x128xf32, #tpu.memory_space<hbm>>) target(%arg11 : memref<128x128xf32, #tpu.memory_space<vmem>>) offsets(%dma_start3A_177 : memref<128xi32, #tpu.memory_space<vmem>>) semaphore(%arg13 : memref<!tpu.dma_semaphore, #tpu.memory_space<semaphore_mem>>)
    %dma_wait3A_181 = arith.constant 768 : i32
    %dma_wait3A_182 = tpu.memref_slice %arg9[%dma_wait3A_181] : memref<2048xi32, #tpu.memory_space<vmem>> -> memref<128xi32, #tpu.memory_space<vmem>>
    %dma_wait3A_183 = arith.constant 0 : i32
    %dma_wait3A_184 = arith.constant 0 : i32
    %dma_wait3A_185 = tpu.memref_slice %arg3[%dma_wait3A_183, %dma_wait3A_184] : memref<65536x128xf32, #tpu.memory_space<hbm>> -> memref<65536x128xf32, #tpu.memory_space<hbm>>
    tpu.wait_indirect_dma semaphore(%arg12 : memref<!tpu.dma_semaphore, #tpu.memory_space<semaphore_mem>>) src(%dma_wait3A_185 : memref<65536x128xf32, #tpu.memory_space<hbm>>) dst(%arg10 : memref<128x128xf32, #tpu.memory_space<vmem>>)
    %add3A_186 = arith.constant 768 : i32
    %add3A_187 = arith.addi %mul3A_4, %add3A_186 : i32
    "tpu.region"() ({
      %run_scoped3A = tpu.sem_alloc : memref<!tpu.dma_semaphore, #tpu.memory_space<semaphore_mem>>
      %dma_start3A_291 = arith.constant 0 : i32
      %dma_start3A_292 = tpu.memref_slice %arg7[%add3A_187, %dma_start3A_291] : memref<65536x128xf32, #tpu.memory_space<hbm>> -> memref<128x128xf32, #tpu.memory_space<hbm>>
      %dma_start3A_293 = arith.constant 0 : i32
      %dma_start3A_294 = tpu.memref_slice %arg7[%add3A_187, %dma_start3A_293] : memref<65536x128xf32, #tpu.memory_space<hbm>> -> memref<128x128xf32, #tpu.memory_space<hbm>>
      tpu.enqueue_dma source(%arg10 : memref<128x128xf32, #tpu.memory_space<vmem>>) target(%dma_start3A_294 : memref<128x128xf32, #tpu.memory_space<hbm>>) target_semaphore(%run_scoped3A : memref<!tpu.dma_semaphore, #tpu.memory_space<semaphore_mem>>)
      %dma_wait3A_295 = arith.constant 0 : i32
      %dma_wait3A_296 = tpu.memref_slice %arg7[%add3A_187, %dma_wait3A_295] : memref<65536x128xf32, #tpu.memory_space<hbm>> -> memref<128x128xf32, #tpu.memory_space<hbm>>
      %dma_wait3A_297 = arith.constant 0 : i32
      %dma_wait3A_298 = tpu.memref_slice %arg7[%add3A_187, %dma_wait3A_297] : memref<65536x128xf32, #tpu.memory_space<hbm>> -> memref<128x128xf32, #tpu.memory_space<hbm>>
      tpu.wait_dma2 semaphore(%run_scoped3A : memref<!tpu.dma_semaphore, #tpu.memory_space<semaphore_mem>>) src(%arg10 : memref<128x128xf32, #tpu.memory_space<vmem>>) dst(%dma_wait3A_298 : memref<128x128xf32, #tpu.memory_space<hbm>>)
      tpu.yield
    }) : () -> ()
    %dma_start3A_188 = arith.constant 1024 : i32
    %dma_start3A_189 = tpu.memref_slice %arg9[%dma_start3A_188] : memref<2048xi32, #tpu.memory_space<vmem>> -> memref<128xi32, #tpu.memory_space<vmem>>
    %dma_start3A_190 = arith.constant 0 : i32
    %dma_start3A_191 = arith.constant 0 : i32
    %dma_start3A_192 = tpu.memref_slice %arg3[%dma_start3A_190, %dma_start3A_191] : memref<65536x128xf32, #tpu.memory_space<hbm>> -> memref<65536x128xf32, #tpu.memory_space<hbm>>
    tpu.enqueue_indirect_dma source(%dma_start3A_192 : memref<65536x128xf32, #tpu.memory_space<hbm>>) target(%arg10 : memref<128x128xf32, #tpu.memory_space<vmem>>) offsets(%dma_start3A_189 : memref<128xi32, #tpu.memory_space<vmem>>) semaphore(%arg12 : memref<!tpu.dma_semaphore, #tpu.memory_space<semaphore_mem>>)
    %dma_wait3A_193 = arith.constant 896 : i32
    %dma_wait3A_194 = tpu.memref_slice %arg9[%dma_wait3A_193] : memref<2048xi32, #tpu.memory_space<vmem>> -> memref<128xi32, #tpu.memory_space<vmem>>
    %dma_wait3A_195 = arith.constant 0 : i32
    %dma_wait3A_196 = arith.constant 0 : i32
    %dma_wait3A_197 = tpu.memref_slice %arg3[%dma_wait3A_195, %dma_wait3A_196] : memref<65536x128xf32, #tpu.memory_space<hbm>> -> memref<65536x128xf32, #tpu.memory_space<hbm>>
    tpu.wait_indirect_dma semaphore(%arg13 : memref<!tpu.dma_semaphore, #tpu.memory_space<semaphore_mem>>) src(%dma_wait3A_197 : memref<65536x128xf32, #tpu.memory_space<hbm>>) dst(%arg11 : memref<128x128xf32, #tpu.memory_space<vmem>>)
    %add3A_198 = arith.constant 896 : i32
    %add3A_199 = arith.addi %mul3A_4, %add3A_198 : i32
    "tpu.region"() ({
      %run_scoped3A = tpu.sem_alloc : memref<!tpu.dma_semaphore, #tpu.memory_space<semaphore_mem>>
      %dma_start3A_291 = arith.constant 0 : i32
      %dma_start3A_292 = tpu.memref_slice %arg7[%add3A_199, %dma_start3A_291] : memref<65536x128xf32, #tpu.memory_space<hbm>> -> memref<128x128xf32, #tpu.memory_space<hbm>>
      %dma_start3A_293 = arith.constant 0 : i32
      %dma_start3A_294 = tpu.memref_slice %arg7[%add3A_199, %dma_start3A_293] : memref<65536x128xf32, #tpu.memory_space<hbm>> -> memref<128x128xf32, #tpu.memory_space<hbm>>
      tpu.enqueue_dma source(%arg11 : memref<128x128xf32, #tpu.memory_space<vmem>>) target(%dma_start3A_294 : memref<128x128xf32, #tpu.memory_space<hbm>>) target_semaphore(%run_scoped3A : memref<!tpu.dma_semaphore, #tpu.memory_space<semaphore_mem>>)
      %dma_wait3A_295 = arith.constant 0 : i32
      %dma_wait3A_296 = tpu.memref_slice %arg7[%add3A_199, %dma_wait3A_295] : memref<65536x128xf32, #tpu.memory_space<hbm>> -> memref<128x128xf32, #tpu.memory_space<hbm>>
      %dma_wait3A_297 = arith.constant 0 : i32
      %dma_wait3A_298 = tpu.memref_slice %arg7[%add3A_199, %dma_wait3A_297] : memref<65536x128xf32, #tpu.memory_space<hbm>> -> memref<128x128xf32, #tpu.memory_space<hbm>>
      tpu.wait_dma2 semaphore(%run_scoped3A : memref<!tpu.dma_semaphore, #tpu.memory_space<semaphore_mem>>) src(%arg11 : memref<128x128xf32, #tpu.memory_space<vmem>>) dst(%dma_wait3A_298 : memref<128x128xf32, #tpu.memory_space<hbm>>)
      tpu.yield
    }) : () -> ()
    %dma_start3A_200 = arith.constant 1152 : i32
    %dma_start3A_201 = tpu.memref_slice %arg9[%dma_start3A_200] : memref<2048xi32, #tpu.memory_space<vmem>> -> memref<128xi32, #tpu.memory_space<vmem>>
    %dma_start3A_202 = arith.constant 0 : i32
    %dma_start3A_203 = arith.constant 0 : i32
    %dma_start3A_204 = tpu.memref_slice %arg3[%dma_start3A_202, %dma_start3A_203] : memref<65536x128xf32, #tpu.memory_space<hbm>> -> memref<65536x128xf32, #tpu.memory_space<hbm>>
    tpu.enqueue_indirect_dma source(%dma_start3A_204 : memref<65536x128xf32, #tpu.memory_space<hbm>>) target(%arg11 : memref<128x128xf32, #tpu.memory_space<vmem>>) offsets(%dma_start3A_201 : memref<128xi32, #tpu.memory_space<vmem>>) semaphore(%arg13 : memref<!tpu.dma_semaphore, #tpu.memory_space<semaphore_mem>>)
    %dma_wait3A_205 = arith.constant 1024 : i32
    %dma_wait3A_206 = tpu.memref_slice %arg9[%dma_wait3A_205] : memref<2048xi32, #tpu.memory_space<vmem>> -> memref<128xi32, #tpu.memory_space<vmem>>
    %dma_wait3A_207 = arith.constant 0 : i32
    %dma_wait3A_208 = arith.constant 0 : i32
    %dma_wait3A_209 = tpu.memref_slice %arg3[%dma_wait3A_207, %dma_wait3A_208] : memref<65536x128xf32, #tpu.memory_space<hbm>> -> memref<65536x128xf32, #tpu.memory_space<hbm>>
    tpu.wait_indirect_dma semaphore(%arg12 : memref<!tpu.dma_semaphore, #tpu.memory_space<semaphore_mem>>) src(%dma_wait3A_209 : memref<65536x128xf32, #tpu.memory_space<hbm>>) dst(%arg10 : memref<128x128xf32, #tpu.memory_space<vmem>>)
    %add3A_210 = arith.constant 1024 : i32
    %add3A_211 = arith.addi %mul3A_4, %add3A_210 : i32
    "tpu.region"() ({
      %run_scoped3A = tpu.sem_alloc : memref<!tpu.dma_semaphore, #tpu.memory_space<semaphore_mem>>
      %dma_start3A_291 = arith.constant 0 : i32
      %dma_start3A_292 = tpu.memref_slice %arg7[%add3A_211, %dma_start3A_291] : memref<65536x128xf32, #tpu.memory_space<hbm>> -> memref<128x128xf32, #tpu.memory_space<hbm>>
      %dma_start3A_293 = arith.constant 0 : i32
      %dma_start3A_294 = tpu.memref_slice %arg7[%add3A_211, %dma_start3A_293] : memref<65536x128xf32, #tpu.memory_space<hbm>> -> memref<128x128xf32, #tpu.memory_space<hbm>>
      tpu.enqueue_dma source(%arg10 : memref<128x128xf32, #tpu.memory_space<vmem>>) target(%dma_start3A_294 : memref<128x128xf32, #tpu.memory_space<hbm>>) target_semaphore(%run_scoped3A : memref<!tpu.dma_semaphore, #tpu.memory_space<semaphore_mem>>)
      %dma_wait3A_295 = arith.constant 0 : i32
      %dma_wait3A_296 = tpu.memref_slice %arg7[%add3A_211, %dma_wait3A_295] : memref<65536x128xf32, #tpu.memory_space<hbm>> -> memref<128x128xf32, #tpu.memory_space<hbm>>
      %dma_wait3A_297 = arith.constant 0 : i32
      %dma_wait3A_298 = tpu.memref_slice %arg7[%add3A_211, %dma_wait3A_297] : memref<65536x128xf32, #tpu.memory_space<hbm>> -> memref<128x128xf32, #tpu.memory_space<hbm>>
      tpu.wait_dma2 semaphore(%run_scoped3A : memref<!tpu.dma_semaphore, #tpu.memory_space<semaphore_mem>>) src(%arg10 : memref<128x128xf32, #tpu.memory_space<vmem>>) dst(%dma_wait3A_298 : memref<128x128xf32, #tpu.memory_space<hbm>>)
      tpu.yield
    }) : () -> ()
    %dma_start3A_212 = arith.constant 1280 : i32
    %dma_start3A_213 = tpu.memref_slice %arg9[%dma_start3A_212] : memref<2048xi32, #tpu.memory_space<vmem>> -> memref<128xi32, #tpu.memory_space<vmem>>
    %dma_start3A_214 = arith.constant 0 : i32
    %dma_start3A_215 = arith.constant 0 : i32
    %dma_start3A_216 = tpu.memref_slice %arg3[%dma_start3A_214, %dma_start3A_215] : memref<65536x128xf32, #tpu.memory_space<hbm>> -> memref<65536x128xf32, #tpu.memory_space<hbm>>
    tpu.enqueue_indirect_dma source(%dma_start3A_216 : memref<65536x128xf32, #tpu.memory_space<hbm>>) target(%arg10 : memref<128x128xf32, #tpu.memory_space<vmem>>) offsets(%dma_start3A_213 : memref<128xi32, #tpu.memory_space<vmem>>) semaphore(%arg12 : memref<!tpu.dma_semaphore, #tpu.memory_space<semaphore_mem>>)
    %dma_wait3A_217 = arith.constant 1152 : i32
    %dma_wait3A_218 = tpu.memref_slice %arg9[%dma_wait3A_217] : memref<2048xi32, #tpu.memory_space<vmem>> -> memref<128xi32, #tpu.memory_space<vmem>>
    %dma_wait3A_219 = arith.constant 0 : i32
    %dma_wait3A_220 = arith.constant 0 : i32
    %dma_wait3A_221 = tpu.memref_slice %arg3[%dma_wait3A_219, %dma_wait3A_220] : memref<65536x128xf32, #tpu.memory_space<hbm>> -> memref<65536x128xf32, #tpu.memory_space<hbm>>
    tpu.wait_indirect_dma semaphore(%arg13 : memref<!tpu.dma_semaphore, #tpu.memory_space<semaphore_mem>>) src(%dma_wait3A_221 : memref<65536x128xf32, #tpu.memory_space<hbm>>) dst(%arg11 : memref<128x128xf32, #tpu.memory_space<vmem>>)
    %add3A_222 = arith.constant 1152 : i32
    %add3A_223 = arith.addi %mul3A_4, %add3A_222 : i32
    "tpu.region"() ({
      %run_scoped3A = tpu.sem_alloc : memref<!tpu.dma_semaphore, #tpu.memory_space<semaphore_mem>>
      %dma_start3A_291 = arith.constant 0 : i32
      %dma_start3A_292 = tpu.memref_slice %arg7[%add3A_223, %dma_start3A_291] : memref<65536x128xf32, #tpu.memory_space<hbm>> -> memref<128x128xf32, #tpu.memory_space<hbm>>
      %dma_start3A_293 = arith.constant 0 : i32
      %dma_start3A_294 = tpu.memref_slice %arg7[%add3A_223, %dma_start3A_293] : memref<65536x128xf32, #tpu.memory_space<hbm>> -> memref<128x128xf32, #tpu.memory_space<hbm>>
      tpu.enqueue_dma source(%arg11 : memref<128x128xf32, #tpu.memory_space<vmem>>) target(%dma_start3A_294 : memref<128x128xf32, #tpu.memory_space<hbm>>) target_semaphore(%run_scoped3A : memref<!tpu.dma_semaphore, #tpu.memory_space<semaphore_mem>>)
      %dma_wait3A_295 = arith.constant 0 : i32
      %dma_wait3A_296 = tpu.memref_slice %arg7[%add3A_223, %dma_wait3A_295] : memref<65536x128xf32, #tpu.memory_space<hbm>> -> memref<128x128xf32, #tpu.memory_space<hbm>>
      %dma_wait3A_297 = arith.constant 0 : i32
      %dma_wait3A_298 = tpu.memref_slice %arg7[%add3A_223, %dma_wait3A_297] : memref<65536x128xf32, #tpu.memory_space<hbm>> -> memref<128x128xf32, #tpu.memory_space<hbm>>
      tpu.wait_dma2 semaphore(%run_scoped3A : memref<!tpu.dma_semaphore, #tpu.memory_space<semaphore_mem>>) src(%arg11 : memref<128x128xf32, #tpu.memory_space<vmem>>) dst(%dma_wait3A_298 : memref<128x128xf32, #tpu.memory_space<hbm>>)
      tpu.yield
    }) : () -> ()
    %dma_start3A_224 = arith.constant 1408 : i32
    %dma_start3A_225 = tpu.memref_slice %arg9[%dma_start3A_224] : memref<2048xi32, #tpu.memory_space<vmem>> -> memref<128xi32, #tpu.memory_space<vmem>>
    %dma_start3A_226 = arith.constant 0 : i32
    %dma_start3A_227 = arith.constant 0 : i32
    %dma_start3A_228 = tpu.memref_slice %arg3[%dma_start3A_226, %dma_start3A_227] : memref<65536x128xf32, #tpu.memory_space<hbm>> -> memref<65536x128xf32, #tpu.memory_space<hbm>>
    tpu.enqueue_indirect_dma source(%dma_start3A_228 : memref<65536x128xf32, #tpu.memory_space<hbm>>) target(%arg11 : memref<128x128xf32, #tpu.memory_space<vmem>>) offsets(%dma_start3A_225 : memref<128xi32, #tpu.memory_space<vmem>>) semaphore(%arg13 : memref<!tpu.dma_semaphore, #tpu.memory_space<semaphore_mem>>)
    %dma_wait3A_229 = arith.constant 1280 : i32
    %dma_wait3A_230 = tpu.memref_slice %arg9[%dma_wait3A_229] : memref<2048xi32, #tpu.memory_space<vmem>> -> memref<128xi32, #tpu.memory_space<vmem>>
    %dma_wait3A_231 = arith.constant 0 : i32
    %dma_wait3A_232 = arith.constant 0 : i32
    %dma_wait3A_233 = tpu.memref_slice %arg3[%dma_wait3A_231, %dma_wait3A_232] : memref<65536x128xf32, #tpu.memory_space<hbm>> -> memref<65536x128xf32, #tpu.memory_space<hbm>>
    tpu.wait_indirect_dma semaphore(%arg12 : memref<!tpu.dma_semaphore, #tpu.memory_space<semaphore_mem>>) src(%dma_wait3A_233 : memref<65536x128xf32, #tpu.memory_space<hbm>>) dst(%arg10 : memref<128x128xf32, #tpu.memory_space<vmem>>)
    %add3A_234 = arith.constant 1280 : i32
    %add3A_235 = arith.addi %mul3A_4, %add3A_234 : i32
    "tpu.region"() ({
      %run_scoped3A = tpu.sem_alloc : memref<!tpu.dma_semaphore, #tpu.memory_space<semaphore_mem>>
      %dma_start3A_291 = arith.constant 0 : i32
      %dma_start3A_292 = tpu.memref_slice %arg7[%add3A_235, %dma_start3A_291] : memref<65536x128xf32, #tpu.memory_space<hbm>> -> memref<128x128xf32, #tpu.memory_space<hbm>>
      %dma_start3A_293 = arith.constant 0 : i32
      %dma_start3A_294 = tpu.memref_slice %arg7[%add3A_235, %dma_start3A_293] : memref<65536x128xf32, #tpu.memory_space<hbm>> -> memref<128x128xf32, #tpu.memory_space<hbm>>
      tpu.enqueue_dma source(%arg10 : memref<128x128xf32, #tpu.memory_space<vmem>>) target(%dma_start3A_294 : memref<128x128xf32, #tpu.memory_space<hbm>>) target_semaphore(%run_scoped3A : memref<!tpu.dma_semaphore, #tpu.memory_space<semaphore_mem>>)
      %dma_wait3A_295 = arith.constant 0 : i32
      %dma_wait3A_296 = tpu.memref_slice %arg7[%add3A_235, %dma_wait3A_295] : memref<65536x128xf32, #tpu.memory_space<hbm>> -> memref<128x128xf32, #tpu.memory_space<hbm>>
      %dma_wait3A_297 = arith.constant 0 : i32
      %dma_wait3A_298 = tpu.memref_slice %arg7[%add3A_235, %dma_wait3A_297] : memref<65536x128xf32, #tpu.memory_space<hbm>> -> memref<128x128xf32, #tpu.memory_space<hbm>>
      tpu.wait_dma2 semaphore(%run_scoped3A : memref<!tpu.dma_semaphore, #tpu.memory_space<semaphore_mem>>) src(%arg10 : memref<128x128xf32, #tpu.memory_space<vmem>>) dst(%dma_wait3A_298 : memref<128x128xf32, #tpu.memory_space<hbm>>)
      tpu.yield
    }) : () -> ()
    %dma_start3A_236 = arith.constant 1536 : i32
    %dma_start3A_237 = tpu.memref_slice %arg9[%dma_start3A_236] : memref<2048xi32, #tpu.memory_space<vmem>> -> memref<128xi32, #tpu.memory_space<vmem>>
    %dma_start3A_238 = arith.constant 0 : i32
    %dma_start3A_239 = arith.constant 0 : i32
    %dma_start3A_240 = tpu.memref_slice %arg3[%dma_start3A_238, %dma_start3A_239] : memref<65536x128xf32, #tpu.memory_space<hbm>> -> memref<65536x128xf32, #tpu.memory_space<hbm>>
    tpu.enqueue_indirect_dma source(%dma_start3A_240 : memref<65536x128xf32, #tpu.memory_space<hbm>>) target(%arg10 : memref<128x128xf32, #tpu.memory_space<vmem>>) offsets(%dma_start3A_237 : memref<128xi32, #tpu.memory_space<vmem>>) semaphore(%arg12 : memref<!tpu.dma_semaphore, #tpu.memory_space<semaphore_mem>>)
    %dma_wait3A_241 = arith.constant 1408 : i32
    %dma_wait3A_242 = tpu.memref_slice %arg9[%dma_wait3A_241] : memref<2048xi32, #tpu.memory_space<vmem>> -> memref<128xi32, #tpu.memory_space<vmem>>
    %dma_wait3A_243 = arith.constant 0 : i32
    %dma_wait3A_244 = arith.constant 0 : i32
    %dma_wait3A_245 = tpu.memref_slice %arg3[%dma_wait3A_243, %dma_wait3A_244] : memref<65536x128xf32, #tpu.memory_space<hbm>> -> memref<65536x128xf32, #tpu.memory_space<hbm>>
    tpu.wait_indirect_dma semaphore(%arg13 : memref<!tpu.dma_semaphore, #tpu.memory_space<semaphore_mem>>) src(%dma_wait3A_245 : memref<65536x128xf32, #tpu.memory_space<hbm>>) dst(%arg11 : memref<128x128xf32, #tpu.memory_space<vmem>>)
    %add3A_246 = arith.constant 1408 : i32
    %add3A_247 = arith.addi %mul3A_4, %add3A_246 : i32
    "tpu.region"() ({
      %run_scoped3A = tpu.sem_alloc : memref<!tpu.dma_semaphore, #tpu.memory_space<semaphore_mem>>
      %dma_start3A_291 = arith.constant 0 : i32
      %dma_start3A_292 = tpu.memref_slice %arg7[%add3A_247, %dma_start3A_291] : memref<65536x128xf32, #tpu.memory_space<hbm>> -> memref<128x128xf32, #tpu.memory_space<hbm>>
      %dma_start3A_293 = arith.constant 0 : i32
      %dma_start3A_294 = tpu.memref_slice %arg7[%add3A_247, %dma_start3A_293] : memref<65536x128xf32, #tpu.memory_space<hbm>> -> memref<128x128xf32, #tpu.memory_space<hbm>>
      tpu.enqueue_dma source(%arg11 : memref<128x128xf32, #tpu.memory_space<vmem>>) target(%dma_start3A_294 : memref<128x128xf32, #tpu.memory_space<hbm>>) target_semaphore(%run_scoped3A : memref<!tpu.dma_semaphore, #tpu.memory_space<semaphore_mem>>)
      %dma_wait3A_295 = arith.constant 0 : i32
      %dma_wait3A_296 = tpu.memref_slice %arg7[%add3A_247, %dma_wait3A_295] : memref<65536x128xf32, #tpu.memory_space<hbm>> -> memref<128x128xf32, #tpu.memory_space<hbm>>
      %dma_wait3A_297 = arith.constant 0 : i32
      %dma_wait3A_298 = tpu.memref_slice %arg7[%add3A_247, %dma_wait3A_297] : memref<65536x128xf32, #tpu.memory_space<hbm>> -> memref<128x128xf32, #tpu.memory_space<hbm>>
      tpu.wait_dma2 semaphore(%run_scoped3A : memref<!tpu.dma_semaphore, #tpu.memory_space<semaphore_mem>>) src(%arg11 : memref<128x128xf32, #tpu.memory_space<vmem>>) dst(%dma_wait3A_298 : memref<128x128xf32, #tpu.memory_space<hbm>>)
      tpu.yield
    }) : () -> ()
    %dma_start3A_248 = arith.constant 1664 : i32
    %dma_start3A_249 = tpu.memref_slice %arg9[%dma_start3A_248] : memref<2048xi32, #tpu.memory_space<vmem>> -> memref<128xi32, #tpu.memory_space<vmem>>
    %dma_start3A_250 = arith.constant 0 : i32
    %dma_start3A_251 = arith.constant 0 : i32
    %dma_start3A_252 = tpu.memref_slice %arg3[%dma_start3A_250, %dma_start3A_251] : memref<65536x128xf32, #tpu.memory_space<hbm>> -> memref<65536x128xf32, #tpu.memory_space<hbm>>
    tpu.enqueue_indirect_dma source(%dma_start3A_252 : memref<65536x128xf32, #tpu.memory_space<hbm>>) target(%arg11 : memref<128x128xf32, #tpu.memory_space<vmem>>) offsets(%dma_start3A_249 : memref<128xi32, #tpu.memory_space<vmem>>) semaphore(%arg13 : memref<!tpu.dma_semaphore, #tpu.memory_space<semaphore_mem>>)
    %dma_wait3A_253 = arith.constant 1536 : i32
    %dma_wait3A_254 = tpu.memref_slice %arg9[%dma_wait3A_253] : memref<2048xi32, #tpu.memory_space<vmem>> -> memref<128xi32, #tpu.memory_space<vmem>>
    %dma_wait3A_255 = arith.constant 0 : i32
    %dma_wait3A_256 = arith.constant 0 : i32
    %dma_wait3A_257 = tpu.memref_slice %arg3[%dma_wait3A_255, %dma_wait3A_256] : memref<65536x128xf32, #tpu.memory_space<hbm>> -> memref<65536x128xf32, #tpu.memory_space<hbm>>
    tpu.wait_indirect_dma semaphore(%arg12 : memref<!tpu.dma_semaphore, #tpu.memory_space<semaphore_mem>>) src(%dma_wait3A_257 : memref<65536x128xf32, #tpu.memory_space<hbm>>) dst(%arg10 : memref<128x128xf32, #tpu.memory_space<vmem>>)
    %add3A_258 = arith.constant 1536 : i32
    %add3A_259 = arith.addi %mul3A_4, %add3A_258 : i32
    "tpu.region"() ({
      %run_scoped3A = tpu.sem_alloc : memref<!tpu.dma_semaphore, #tpu.memory_space<semaphore_mem>>
      %dma_start3A_291 = arith.constant 0 : i32
      %dma_start3A_292 = tpu.memref_slice %arg7[%add3A_259, %dma_start3A_291] : memref<65536x128xf32, #tpu.memory_space<hbm>> -> memref<128x128xf32, #tpu.memory_space<hbm>>
      %dma_start3A_293 = arith.constant 0 : i32
      %dma_start3A_294 = tpu.memref_slice %arg7[%add3A_259, %dma_start3A_293] : memref<65536x128xf32, #tpu.memory_space<hbm>> -> memref<128x128xf32, #tpu.memory_space<hbm>>
      tpu.enqueue_dma source(%arg10 : memref<128x128xf32, #tpu.memory_space<vmem>>) target(%dma_start3A_294 : memref<128x128xf32, #tpu.memory_space<hbm>>) target_semaphore(%run_scoped3A : memref<!tpu.dma_semaphore, #tpu.memory_space<semaphore_mem>>)
      %dma_wait3A_295 = arith.constant 0 : i32
      %dma_wait3A_296 = tpu.memref_slice %arg7[%add3A_259, %dma_wait3A_295] : memref<65536x128xf32, #tpu.memory_space<hbm>> -> memref<128x128xf32, #tpu.memory_space<hbm>>
      %dma_wait3A_297 = arith.constant 0 : i32
      %dma_wait3A_298 = tpu.memref_slice %arg7[%add3A_259, %dma_wait3A_297] : memref<65536x128xf32, #tpu.memory_space<hbm>> -> memref<128x128xf32, #tpu.memory_space<hbm>>
      tpu.wait_dma2 semaphore(%run_scoped3A : memref<!tpu.dma_semaphore, #tpu.memory_space<semaphore_mem>>) src(%arg10 : memref<128x128xf32, #tpu.memory_space<vmem>>) dst(%dma_wait3A_298 : memref<128x128xf32, #tpu.memory_space<hbm>>)
      tpu.yield
    }) : () -> ()
    %dma_start3A_260 = arith.constant 1792 : i32
    %dma_start3A_261 = tpu.memref_slice %arg9[%dma_start3A_260] : memref<2048xi32, #tpu.memory_space<vmem>> -> memref<128xi32, #tpu.memory_space<vmem>>
    %dma_start3A_262 = arith.constant 0 : i32
    %dma_start3A_263 = arith.constant 0 : i32
    %dma_start3A_264 = tpu.memref_slice %arg3[%dma_start3A_262, %dma_start3A_263] : memref<65536x128xf32, #tpu.memory_space<hbm>> -> memref<65536x128xf32, #tpu.memory_space<hbm>>
    tpu.enqueue_indirect_dma source(%dma_start3A_264 : memref<65536x128xf32, #tpu.memory_space<hbm>>) target(%arg10 : memref<128x128xf32, #tpu.memory_space<vmem>>) offsets(%dma_start3A_261 : memref<128xi32, #tpu.memory_space<vmem>>) semaphore(%arg12 : memref<!tpu.dma_semaphore, #tpu.memory_space<semaphore_mem>>)
    %dma_wait3A_265 = arith.constant 1664 : i32
    %dma_wait3A_266 = tpu.memref_slice %arg9[%dma_wait3A_265] : memref<2048xi32, #tpu.memory_space<vmem>> -> memref<128xi32, #tpu.memory_space<vmem>>
    %dma_wait3A_267 = arith.constant 0 : i32
    %dma_wait3A_268 = arith.constant 0 : i32
    %dma_wait3A_269 = tpu.memref_slice %arg3[%dma_wait3A_267, %dma_wait3A_268] : memref<65536x128xf32, #tpu.memory_space<hbm>> -> memref<65536x128xf32, #tpu.memory_space<hbm>>
    tpu.wait_indirect_dma semaphore(%arg13 : memref<!tpu.dma_semaphore, #tpu.memory_space<semaphore_mem>>) src(%dma_wait3A_269 : memref<65536x128xf32, #tpu.memory_space<hbm>>) dst(%arg11 : memref<128x128xf32, #tpu.memory_space<vmem>>)
    %add3A_270 = arith.constant 1664 : i32
    %add3A_271 = arith.addi %mul3A_4, %add3A_270 : i32
    "tpu.region"() ({
      %run_scoped3A = tpu.sem_alloc : memref<!tpu.dma_semaphore, #tpu.memory_space<semaphore_mem>>
      %dma_start3A_291 = arith.constant 0 : i32
      %dma_start3A_292 = tpu.memref_slice %arg7[%add3A_271, %dma_start3A_291] : memref<65536x128xf32, #tpu.memory_space<hbm>> -> memref<128x128xf32, #tpu.memory_space<hbm>>
      %dma_start3A_293 = arith.constant 0 : i32
      %dma_start3A_294 = tpu.memref_slice %arg7[%add3A_271, %dma_start3A_293] : memref<65536x128xf32, #tpu.memory_space<hbm>> -> memref<128x128xf32, #tpu.memory_space<hbm>>
      tpu.enqueue_dma source(%arg11 : memref<128x128xf32, #tpu.memory_space<vmem>>) target(%dma_start3A_294 : memref<128x128xf32, #tpu.memory_space<hbm>>) target_semaphore(%run_scoped3A : memref<!tpu.dma_semaphore, #tpu.memory_space<semaphore_mem>>)
      %dma_wait3A_295 = arith.constant 0 : i32
      %dma_wait3A_296 = tpu.memref_slice %arg7[%add3A_271, %dma_wait3A_295] : memref<65536x128xf32, #tpu.memory_space<hbm>> -> memref<128x128xf32, #tpu.memory_space<hbm>>
      %dma_wait3A_297 = arith.constant 0 : i32
      %dma_wait3A_298 = tpu.memref_slice %arg7[%add3A_271, %dma_wait3A_297] : memref<65536x128xf32, #tpu.memory_space<hbm>> -> memref<128x128xf32, #tpu.memory_space<hbm>>
      tpu.wait_dma2 semaphore(%run_scoped3A : memref<!tpu.dma_semaphore, #tpu.memory_space<semaphore_mem>>) src(%arg11 : memref<128x128xf32, #tpu.memory_space<vmem>>) dst(%dma_wait3A_298 : memref<128x128xf32, #tpu.memory_space<hbm>>)
      tpu.yield
    }) : () -> ()
    %dma_start3A_272 = arith.constant 1920 : i32
    %dma_start3A_273 = tpu.memref_slice %arg9[%dma_start3A_272] : memref<2048xi32, #tpu.memory_space<vmem>> -> memref<128xi32, #tpu.memory_space<vmem>>
    %dma_start3A_274 = arith.constant 0 : i32
    %dma_start3A_275 = arith.constant 0 : i32
    %dma_start3A_276 = tpu.memref_slice %arg3[%dma_start3A_274, %dma_start3A_275] : memref<65536x128xf32, #tpu.memory_space<hbm>> -> memref<65536x128xf32, #tpu.memory_space<hbm>>
    tpu.enqueue_indirect_dma source(%dma_start3A_276 : memref<65536x128xf32, #tpu.memory_space<hbm>>) target(%arg11 : memref<128x128xf32, #tpu.memory_space<vmem>>) offsets(%dma_start3A_273 : memref<128xi32, #tpu.memory_space<vmem>>) semaphore(%arg13 : memref<!tpu.dma_semaphore, #tpu.memory_space<semaphore_mem>>)
    %dma_wait3A_277 = arith.constant 1792 : i32
    %dma_wait3A_278 = tpu.memref_slice %arg9[%dma_wait3A_277] : memref<2048xi32, #tpu.memory_space<vmem>> -> memref<128xi32, #tpu.memory_space<vmem>>
    %dma_wait3A_279 = arith.constant 0 : i32
    %dma_wait3A_280 = arith.constant 0 : i32
    %dma_wait3A_281 = tpu.memref_slice %arg3[%dma_wait3A_279, %dma_wait3A_280] : memref<65536x128xf32, #tpu.memory_space<hbm>> -> memref<65536x128xf32, #tpu.memory_space<hbm>>
    tpu.wait_indirect_dma semaphore(%arg12 : memref<!tpu.dma_semaphore, #tpu.memory_space<semaphore_mem>>) src(%dma_wait3A_281 : memref<65536x128xf32, #tpu.memory_space<hbm>>) dst(%arg10 : memref<128x128xf32, #tpu.memory_space<vmem>>)
    %add3A_282 = arith.constant 1792 : i32
    %add3A_283 = arith.addi %mul3A_4, %add3A_282 : i32
    "tpu.region"() ({
      %run_scoped3A = tpu.sem_alloc : memref<!tpu.dma_semaphore, #tpu.memory_space<semaphore_mem>>
      %dma_start3A_291 = arith.constant 0 : i32
      %dma_start3A_292 = tpu.memref_slice %arg7[%add3A_283, %dma_start3A_291] : memref<65536x128xf32, #tpu.memory_space<hbm>> -> memref<128x128xf32, #tpu.memory_space<hbm>>
      %dma_start3A_293 = arith.constant 0 : i32
      %dma_start3A_294 = tpu.memref_slice %arg7[%add3A_283, %dma_start3A_293] : memref<65536x128xf32, #tpu.memory_space<hbm>> -> memref<128x128xf32, #tpu.memory_space<hbm>>
      tpu.enqueue_dma source(%arg10 : memref<128x128xf32, #tpu.memory_space<vmem>>) target(%dma_start3A_294 : memref<128x128xf32, #tpu.memory_space<hbm>>) target_semaphore(%run_scoped3A : memref<!tpu.dma_semaphore, #tpu.memory_space<semaphore_mem>>)
      %dma_wait3A_295 = arith.constant 0 : i32
      %dma_wait3A_296 = tpu.memref_slice %arg7[%add3A_283, %dma_wait3A_295] : memref<65536x128xf32, #tpu.memory_space<hbm>> -> memref<128x128xf32, #tpu.memory_space<hbm>>
      %dma_wait3A_297 = arith.constant 0 : i32
      %dma_wait3A_298 = tpu.memref_slice %arg7[%add3A_283, %dma_wait3A_297] : memref<65536x128xf32, #tpu.memory_space<hbm>> -> memref<128x128xf32, #tpu.memory_space<hbm>>
      tpu.wait_dma2 semaphore(%run_scoped3A : memref<!tpu.dma_semaphore, #tpu.memory_space<semaphore_mem>>) src(%arg10 : memref<128x128xf32, #tpu.memory_space<vmem>>) dst(%dma_wait3A_298 : memref<128x128xf32, #tpu.memory_space<hbm>>)
      tpu.yield
    }) : () -> ()
    %dma_wait3A_284 = arith.constant 1920 : i32
    %dma_wait3A_285 = tpu.memref_slice %arg9[%dma_wait3A_284] : memref<2048xi32, #tpu.memory_space<vmem>> -> memref<128xi32, #tpu.memory_space<vmem>>
    %dma_wait3A_286 = arith.constant 0 : i32
    %dma_wait3A_287 = arith.constant 0 : i32
    %dma_wait3A_288 = tpu.memref_slice %arg3[%dma_wait3A_286, %dma_wait3A_287] : memref<65536x128xf32, #tpu.memory_space<hbm>> -> memref<65536x128xf32, #tpu.memory_space<hbm>>
    tpu.wait_indirect_dma semaphore(%arg13 : memref<!tpu.dma_semaphore, #tpu.memory_space<semaphore_mem>>) src(%dma_wait3A_288 : memref<65536x128xf32, #tpu.memory_space<hbm>>) dst(%arg11 : memref<128x128xf32, #tpu.memory_space<vmem>>)
    %add3A_289 = arith.constant 1920 : i32
    %add3A_290 = arith.addi %mul3A_4, %add3A_289 : i32
    "tpu.region"() ({
      %run_scoped3A = tpu.sem_alloc : memref<!tpu.dma_semaphore, #tpu.memory_space<semaphore_mem>>
      %dma_start3A_291 = arith.constant 0 : i32
      %dma_start3A_292 = tpu.memref_slice %arg7[%add3A_290, %dma_start3A_291] : memref<65536x128xf32, #tpu.memory_space<hbm>> -> memref<128x128xf32, #tpu.memory_space<hbm>>
      %dma_start3A_293 = arith.constant 0 : i32
      %dma_start3A_294 = tpu.memref_slice %arg7[%add3A_290, %dma_start3A_293] : memref<65536x128xf32, #tpu.memory_space<hbm>> -> memref<128x128xf32, #tpu.memory_space<hbm>>
      tpu.enqueue_dma source(%arg11 : memref<128x128xf32, #tpu.memory_space<vmem>>) target(%dma_start3A_294 : memref<128x128xf32, #tpu.memory_space<hbm>>) target_semaphore(%run_scoped3A : memref<!tpu.dma_semaphore, #tpu.memory_space<semaphore_mem>>)
      %dma_wait3A_295 = arith.constant 0 : i32
      %dma_wait3A_296 = tpu.memref_slice %arg7[%add3A_290, %dma_wait3A_295] : memref<65536x128xf32, #tpu.memory_space<hbm>> -> memref<128x128xf32, #tpu.memory_space<hbm>>
      %dma_wait3A_297 = arith.constant 0 : i32
      %dma_wait3A_298 = tpu.memref_slice %arg7[%add3A_290, %dma_wait3A_297] : memref<65536x128xf32, #tpu.memory_space<hbm>> -> memref<128x128xf32, #tpu.memory_space<hbm>>
      tpu.wait_dma2 semaphore(%run_scoped3A : memref<!tpu.dma_semaphore, #tpu.memory_space<semaphore_mem>>) src(%arg11 : memref<128x128xf32, #tpu.memory_space<vmem>>) dst(%dma_wait3A_298 : memref<128x128xf32, #tpu.memory_space<hbm>>)
      tpu.yield
    }) : () -> ()
    return
  }
}

#map = affine_map<(d0, d1) -> (0)>
module attributes {stable_mosaic.version = 14 : i64} {
  func.func @_ballquery_kernel(%arg0: i32, %arg1: i32, %arg2: memref<196608xf32, #tpu.memory_space<hbm>>, %arg3: memref<6144xf32, #tpu.memory_space<hbm>>, %arg4: memref<32768xi32, #tpu.memory_space<hbm>>, %arg5: memref<65536xi32, #tpu.memory_space<hbm>>, %arg6: memref<49152xf32, #tpu.memory_space<vmem>>, %arg7: memref<16384xf32, #tpu.memory_space<vmem>>, %arg8: memref<192xf32, #tpu.memory_space<vmem>>, %arg9: memref<1024xi32, #tpu.memory_space<vmem>>, %arg10: memref<2048xi32, #tpu.memory_space<vmem>>) attributes {dimension_semantics = [#tpu.dimension_semantics<core_parallel>, #tpu.dimension_semantics<subcore_parallel>], iteration_bounds = array<i64: 2, 16>, scalar_prefetch = 0 : i64, scratch_operands = 5 : i64, tpu.core_type = #tpu.core_type<sc_vector_subcore>, window_params = [{transform_indices = #map}, {transform_indices = #map}, {transform_indices = #map}, {transform_indices = #map}]} {
    %mul3A = arith.constant 2 : i32
    %mul3A_0 = arith.muli %arg1, %mul3A : i32
    %add3A = arith.addi %mul3A_0, %arg0 : i32
    %jit3A = arith.constant 8 : i32
    %div3A = arith.divsi %add3A, %jit3A : i32
    %sign3A = arith.constant 0 : i32
    %sign3A_1 = arith.cmpi sgt, %add3A, %sign3A : i32
    %sign3A_2 = arith.extui %sign3A_1 : i1 to i32
    %sign3A_3 = arith.constant 0 : i32
    %sign3A_4 = arith.cmpi slt, %add3A, %sign3A_3 : i32
    %sign3A_5 = arith.extui %sign3A_4 : i1 to i32
    %sign3A_6 = arith.subi %sign3A_2, %sign3A_5 : i32
    %sign3A_7 = arith.constant 0 : i32
    %sign3A_8 = arith.cmpi sgt, %jit3A, %sign3A_7 : i32
    %sign3A_9 = arith.extui %sign3A_8 : i1 to i32
    %sign3A_10 = arith.constant 0 : i32
    %sign3A_11 = arith.cmpi slt, %jit3A, %sign3A_10 : i32
    %sign3A_12 = arith.extui %sign3A_11 : i1 to i32
    %sign3A_13 = arith.subi %sign3A_9, %sign3A_12 : i32
    %ne3A = arith.cmpi ne, %sign3A_6, %sign3A_13 : i32
    %rem3A = arith.remsi %add3A, %jit3A : i32
    %ne3A_14 = arith.constant 0 : i32
    %ne3A_15 = arith.cmpi ne, %rem3A, %ne3A_14 : i32
    %and3A = arith.andi %ne3A, %ne3A_15 : i1
    %sub3A = arith.constant 1 : i32
    %sub3A_16 = arith.subi %div3A, %sub3A : i32
    %select_n3A = arith.select %and3A, %sub3A_16, %div3A : i32
    %jit3A_17 = arith.constant 8 : i32
    %eq3A = arith.constant 0 : i32
    %eq3A_18 = arith.cmpi eq, %jit3A_17, %eq3A : i32
    %jit3A_19 = arith.constant 1 : i32
    %select_n3A_20 = arith.select %eq3A_18, %jit3A_19, %jit3A_17 : i32
    %rem3A_21 = arith.remsi %add3A, %select_n3A_20 : i32
    %ne3A_22 = arith.constant 0 : i32
    %ne3A_23 = arith.cmpi ne, %rem3A_21, %ne3A_22 : i32
    %lt3A = arith.constant 0 : i32
    %lt3A_24 = arith.cmpi slt, %rem3A_21, %lt3A : i32
    %lt3A_25 = arith.constant 0 : i32
    %lt3A_26 = arith.cmpi slt, %select_n3A_20, %lt3A_25 : i32
    %ne3A_27 = arith.xori %lt3A_24, %lt3A_26 : i1
    %and3A_28 = arith.andi %ne3A_27, %ne3A_23 : i1
    %add3A_29 = arith.addi %rem3A_21, %select_n3A_20 : i32
    %select_n3A_30 = arith.select %and3A_28, %add3A_29, %rem3A_21 : i32
    %mul3A_31 = arith.constant 64 : i32
    %mul3A_32 = arith.muli %select_n3A_30, %mul3A_31 : i32
    %mul3A_33 = arith.constant 16384 : i32
    %mul3A_34 = arith.muli %select_n3A, %mul3A_33 : i32
    %mul3A_35 = arith.constant 3 : i32
    %mul3A_36 = arith.muli %mul3A_34, %mul3A_35 : i32
    "tpu.region"() ({
      %run_scoped3A = tpu.sem_alloc : memref<!tpu.dma_semaphore, #tpu.memory_space<semaphore_mem>>
      %dma_start3A = tpu.memref_slice %arg2[%mul3A_36] : memref<196608xf32, #tpu.memory_space<hbm>> -> memref<49152xf32, #tpu.memory_space<hbm>>
      %dma_start3A_64 = tpu.memref_slice %arg2[%mul3A_36] : memref<196608xf32, #tpu.memory_space<hbm>> -> memref<49152xf32, #tpu.memory_space<hbm>>
      tpu.enqueue_dma source(%dma_start3A_64 : memref<49152xf32, #tpu.memory_space<hbm>>) target(%arg6 : memref<49152xf32, #tpu.memory_space<vmem>>) target_semaphore(%run_scoped3A : memref<!tpu.dma_semaphore, #tpu.memory_space<semaphore_mem>>)
      %dma_wait3A = tpu.memref_slice %arg2[%mul3A_36] : memref<196608xf32, #tpu.memory_space<hbm>> -> memref<49152xf32, #tpu.memory_space<hbm>>
      %dma_wait3A_65 = tpu.memref_slice %arg2[%mul3A_36] : memref<196608xf32, #tpu.memory_space<hbm>> -> memref<49152xf32, #tpu.memory_space<hbm>>
      tpu.wait_dma2 semaphore(%run_scoped3A : memref<!tpu.dma_semaphore, #tpu.memory_space<semaphore_mem>>) src(%dma_wait3A_65 : memref<49152xf32, #tpu.memory_space<hbm>>) dst(%arg6 : memref<49152xf32, #tpu.memory_space<vmem>>)
      tpu.yield
    }) : () -> ()
    %mul3A_37 = arith.constant 512 : i32
    %mul3A_38 = arith.muli %select_n3A, %mul3A_37 : i32
    %add3A_39 = arith.addi %mul3A_38, %mul3A_32 : i32
    %mul3A_40 = arith.constant 3 : i32
    %mul3A_41 = arith.muli %add3A_39, %mul3A_40 : i32
    "tpu.region"() ({
      %run_scoped3A = tpu.sem_alloc : memref<!tpu.dma_semaphore, #tpu.memory_space<semaphore_mem>>
      %dma_start3A = tpu.memref_slice %arg3[%mul3A_41] : memref<6144xf32, #tpu.memory_space<hbm>> -> memref<192xf32, #tpu.memory_space<hbm>>
      %dma_start3A_64 = tpu.memref_slice %arg3[%mul3A_41] : memref<6144xf32, #tpu.memory_space<hbm>> -> memref<192xf32, #tpu.memory_space<hbm>>
      tpu.enqueue_dma source(%dma_start3A_64 : memref<192xf32, #tpu.memory_space<hbm>>) target(%arg8 : memref<192xf32, #tpu.memory_space<vmem>>) target_semaphore(%run_scoped3A : memref<!tpu.dma_semaphore, #tpu.memory_space<semaphore_mem>>)
      %dma_wait3A = tpu.memref_slice %arg3[%mul3A_41] : memref<6144xf32, #tpu.memory_space<hbm>> -> memref<192xf32, #tpu.memory_space<hbm>>
      %dma_wait3A_65 = tpu.memref_slice %arg3[%mul3A_41] : memref<6144xf32, #tpu.memory_space<hbm>> -> memref<192xf32, #tpu.memory_space<hbm>>
      tpu.wait_dma2 semaphore(%run_scoped3A : memref<!tpu.dma_semaphore, #tpu.memory_space<semaphore_mem>>) src(%dma_wait3A_65 : memref<192xf32, #tpu.memory_space<hbm>>) dst(%arg8 : memref<192xf32, #tpu.memory_space<vmem>>)
      tpu.yield
    }) : () -> ()
    %iota3A = tpu.iota {dimensions = array<i32: 0>} : vector<16xi32>
    %mul3A_42 = arith.constant 16384 : i32
    %mul3A_43 = arith.muli %select_n3A, %mul3A_42 : i32
    %scan3A = arith.constant 0 : i32
    %scan3A_44 = arith.constant 0 : i32
    %scan3A_45 = arith.constant 1024 : i32
    %scan3A_46 = arith.addi %scan3A_44, %scan3A_45 : i32
    %scan3A_47 = arith.constant 1 : i32
    %scan3A_48 = scf.for %scan3A_64 = %scan3A_44 to %scan3A_46 step %scan3A_47 iter_args(%scan3A_65 = %scan3A) -> (i32)  : i32 {
      %mul3A_66 = arith.constant 16 : i32
      %mul3A_67 = arith.muli %scan3A_64, %mul3A_66 : i32
      %add3A_68 = vector.broadcast %mul3A_67 : i32 to vector<16xi32>
      %add3A_69 = arith.addi %add3A_68, %iota3A : vector<16xi32>
      %mul3A_70 = arith.constant 3 : i32
      %mul3A_71 = vector.broadcast %mul3A_70 : i32 to vector<16xi32>
      %mul3A_72 = arith.muli %add3A_69, %mul3A_71 : vector<16xi32>
      %gather3A = tpu.vector_load_idx %arg6[%mul3A_72] : memref<49152xf32, #tpu.memory_space<vmem>>[vector<16xi32>], vector<16xf32>,
      %add3A_73 = arith.constant 1 : i32
      %add3A_74 = vector.broadcast %add3A_73 : i32 to vector<16xi32>
      %add3A_75 = arith.addi %mul3A_72, %add3A_74 : vector<16xi32>
      %gather3A_76 = tpu.vector_load_idx %arg6[%add3A_75] : memref<49152xf32, #tpu.memory_space<vmem>>[vector<16xi32>], vector<16xf32>,
      %add3A_77 = arith.constant 2 : i32
      %add3A_78 = vector.broadcast %add3A_77 : i32 to vector<16xi32>
      %add3A_79 = arith.addi %mul3A_72, %add3A_78 : vector<16xi32>
      %gather3A_80 = tpu.vector_load_idx %arg6[%add3A_79] : memref<49152xf32, #tpu.memory_space<vmem>>[vector<16xi32>], vector<16xf32>,
      %mul3A_81 = arith.mulf %gather3A, %gather3A : vector<16xf32>
      %mul3A_82 = arith.mulf %gather3A_76, %gather3A_76 : vector<16xf32>
      %add3A_83 = arith.addf %mul3A_81, %mul3A_82 : vector<16xf32>
      %mul3A_84 = arith.mulf %gather3A_80, %gather3A_80 : vector<16xf32>
      %add3A_85 = arith.addf %add3A_83, %mul3A_84 : vector<16xf32>
      tpu.vector_store_idx %arg7[%add3A_69], %add3A_85 : memref<16384xf32, #tpu.memory_space<vmem>>[vector<16xi32>], vector<16xf32>,
      %bitcast3A = vector.bitcast %gather3A : vector<16xf32> to vector<16xi32>
      %shift_right_arithmetic3A = arith.constant 16 : i32
      %shift_right_arithmetic3A_86 = vector.broadcast %shift_right_arithmetic3A : i32 to vector<16xi32>
      %shift_right_arithmetic3A_87 = arith.shrsi %bitcast3A, %shift_right_arithmetic3A_86 : vector<16xi32>
      %and3A_88 = arith.constant 1 : i32
      %and3A_89 = vector.broadcast %and3A_88 : i32 to vector<16xi32>
      %and3A_90 = arith.andi %shift_right_arithmetic3A_87, %and3A_89 : vector<16xi32>
      %add3A_91 = arith.constant 32767 : i32
      %add3A_92 = vector.broadcast %add3A_91 : i32 to vector<16xi32>
      %add3A_93 = arith.addi %bitcast3A, %add3A_92 : vector<16xi32>
      %add3A_94 = arith.addi %add3A_93, %and3A_90 : vector<16xi32>
      %and3A_95 = arith.constant -65536 : i32
      %and3A_96 = vector.broadcast %and3A_95 : i32 to vector<16xi32>
      %and3A_97 = arith.andi %add3A_94, %and3A_96 : vector<16xi32>
      %bitcast3A_98 = vector.bitcast %and3A_97 : vector<16xi32> to vector<16xf32>
      tpu.vector_store_idx %arg6[%mul3A_72], %bitcast3A_98 : memref<49152xf32, #tpu.memory_space<vmem>>[vector<16xi32>], vector<16xf32>,
      %add3A_99 = arith.constant 1 : i32
      %add3A_100 = vector.broadcast %add3A_99 : i32 to vector<16xi32>
      %add3A_101 = arith.addi %mul3A_72, %add3A_100 : vector<16xi32>
      %bitcast3A_102 = vector.bitcast %gather3A_76 : vector<16xf32> to vector<16xi32>
      %shift_right_arithmetic3A_103 = arith.constant 16 : i32
      %shift_right_arithmetic3A_104 = vector.broadcast %shift_right_arithmetic3A_103 : i32 to vector<16xi32>
      %shift_right_arithmetic3A_105 = arith.shrsi %bitcast3A_102, %shift_right_arithmetic3A_104 : vector<16xi32>
      %and3A_106 = arith.constant 1 : i32
      %and3A_107 = vector.broadcast %and3A_106 : i32 to vector<16xi32>
      %and3A_108 = arith.andi %shift_right_arithmetic3A_105, %and3A_107 : vector<16xi32>
      %add3A_109 = arith.constant 32767 : i32
      %add3A_110 = vector.broadcast %add3A_109 : i32 to vector<16xi32>
      %add3A_111 = arith.addi %bitcast3A_102, %add3A_110 : vector<16xi32>
      %add3A_112 = arith.addi %add3A_111, %and3A_108 : vector<16xi32>
      %and3A_113 = arith.constant -65536 : i32
      %and3A_114 = vector.broadcast %and3A_113 : i32 to vector<16xi32>
      %and3A_115 = arith.andi %add3A_112, %and3A_114 : vector<16xi32>
      %bitcast3A_116 = vector.bitcast %and3A_115 : vector<16xi32> to vector<16xf32>
      tpu.vector_store_idx %arg6[%add3A_101], %bitcast3A_116 : memref<49152xf32, #tpu.memory_space<vmem>>[vector<16xi32>], vector<16xf32>,
      %add3A_117 = arith.constant 2 : i32
      %add3A_118 = vector.broadcast %add3A_117 : i32 to vector<16xi32>
      %add3A_119 = arith.addi %mul3A_72, %add3A_118 : vector<16xi32>
      %bitcast3A_120 = vector.bitcast %gather3A_80 : vector<16xf32> to vector<16xi32>
      %shift_right_arithmetic3A_121 = arith.constant 16 : i32
      %shift_right_arithmetic3A_122 = vector.broadcast %shift_right_arithmetic3A_121 : i32 to vector<16xi32>
      %shift_right_arithmetic3A_123 = arith.shrsi %bitcast3A_120, %shift_right_arithmetic3A_122 : vector<16xi32>
      %and3A_124 = arith.constant 1 : i32
      %and3A_125 = vector.broadcast %and3A_124 : i32 to vector<16xi32>
      %and3A_126 = arith.andi %shift_right_arithmetic3A_123, %and3A_125 : vector<16xi32>
      %add3A_127 = arith.constant 32767 : i32
      %add3A_128 = vector.broadcast %add3A_127 : i32 to vector<16xi32>
      %add3A_129 = arith.addi %bitcast3A_120, %add3A_128 : vector<16xi32>
      %add3A_130 = arith.addi %add3A_129, %and3A_126 : vector<16xi32>
      %and3A_131 = arith.constant -65536 : i32
      %and3A_132 = vector.broadcast %and3A_131 : i32 to vector<16xi32>
      %and3A_133 = arith.andi %add3A_130, %and3A_132 : vector<16xi32>
      %bitcast3A_134 = vector.bitcast %and3A_133 : vector<16xi32> to vector<16xf32>
      tpu.vector_store_idx %arg6[%add3A_119], %bitcast3A_134 : memref<49152xf32, #tpu.memory_space<vmem>>[vector<16xi32>], vector<16xf32>,
      %scan3A_135 = arith.constant 0 : i32
      scf.yield %scan3A_135 : i32
    }
    %scan3A_49 = arith.constant 1024 : i32
    %broadcast_in_dim3A = arith.constant 0 : i32
    %broadcast_in_dim3A_50 = vector.broadcast %broadcast_in_dim3A : i32 to vector<16xi32>
    %scan3A_51 = arith.constant 0.00999999977 : f32
    %scan3A_52 = arith.constant 4.000000e-02 : f32
    %scan3A_53 = arith.constant 0 : i32
    %scan3A_54 = arith.constant 0 : i32
    %scan3A_55 = arith.constant 64 : i32
    %scan3A_56 = arith.addi %scan3A_54, %scan3A_55 : i32
    %scan3A_57 = arith.constant 1 : i32
    %scan3A_58 = scf.for %scan3A_64 = %scan3A_54 to %scan3A_56 step %scan3A_57 iter_args(%scan3A_65 = %scan3A_53) -> (i32)  : i32 {
      %mul3A_66 = arith.constant 3 : i32
      %mul3A_67 = arith.muli %mul3A_66, %scan3A_64 : i32
      %broadcast_in_dim3A_68 = vector.broadcast %mul3A_67 : i32 to vector<16xi32>
      %gather3A = tpu.vector_load_idx %arg8[%broadcast_in_dim3A_68] : memref<192xf32, #tpu.memory_space<vmem>>[vector<16xi32>], vector<16xf32>,
      %add3A_69 = arith.constant 1 : i32
      %add3A_70 = vector.broadcast %add3A_69 : i32 to vector<16xi32>
      %add3A_71 = arith.addi %broadcast_in_dim3A_68, %add3A_70 : vector<16xi32>
      %gather3A_72 = tpu.vector_load_idx %arg8[%add3A_71] : memref<192xf32, #tpu.memory_space<vmem>>[vector<16xi32>], vector<16xf32>,
      %add3A_73 = arith.constant 2 : i32
      %add3A_74 = vector.broadcast %add3A_73 : i32 to vector<16xi32>
      %add3A_75 = arith.addi %broadcast_in_dim3A_68, %add3A_74 : vector<16xi32>
      %gather3A_76 = tpu.vector_load_idx %arg8[%add3A_75] : memref<192xf32, #tpu.memory_space<vmem>>[vector<16xi32>], vector<16xf32>,
      %mul3A_77 = arith.mulf %gather3A, %gather3A : vector<16xf32>
      %mul3A_78 = arith.mulf %gather3A_72, %gather3A_72 : vector<16xf32>
      %add3A_79 = arith.addf %mul3A_77, %mul3A_78 : vector<16xf32>
      %mul3A_80 = arith.mulf %gather3A_76, %gather3A_76 : vector<16xf32>
      %add3A_81 = arith.addf %add3A_79, %mul3A_80 : vector<16xf32>
      %bitcast3A = vector.bitcast %gather3A : vector<16xf32> to vector<16xi32>
      %shift_right_arithmetic3A = arith.constant 16 : i32
      %shift_right_arithmetic3A_82 = vector.broadcast %shift_right_arithmetic3A : i32 to vector<16xi32>
      %shift_right_arithmetic3A_83 = arith.shrsi %bitcast3A, %shift_right_arithmetic3A_82 : vector<16xi32>
      %and3A_84 = arith.constant 1 : i32
      %and3A_85 = vector.broadcast %and3A_84 : i32 to vector<16xi32>
      %and3A_86 = arith.andi %shift_right_arithmetic3A_83, %and3A_85 : vector<16xi32>
      %add3A_87 = arith.constant 32767 : i32
      %add3A_88 = vector.broadcast %add3A_87 : i32 to vector<16xi32>
      %add3A_89 = arith.addi %bitcast3A, %add3A_88 : vector<16xi32>
      %add3A_90 = arith.addi %add3A_89, %and3A_86 : vector<16xi32>
      %and3A_91 = arith.constant -65536 : i32
      %and3A_92 = vector.broadcast %and3A_91 : i32 to vector<16xi32>
      %and3A_93 = arith.andi %add3A_90, %and3A_92 : vector<16xi32>
      %bitcast3A_94 = vector.bitcast %and3A_93 : vector<16xi32> to vector<16xf32>
      %bitcast3A_95 = vector.bitcast %gather3A_72 : vector<16xf32> to vector<16xi32>
      %shift_right_arithmetic3A_96 = arith.constant 16 : i32
      %shift_right_arithmetic3A_97 = vector.broadcast %shift_right_arithmetic3A_96 : i32 to vector<16xi32>
      %shift_right_arithmetic3A_98 = arith.shrsi %bitcast3A_95, %shift_right_arithmetic3A_97 : vector<16xi32>
      %and3A_99 = arith.constant 1 : i32
      %and3A_100 = vector.broadcast %and3A_99 : i32 to vector<16xi32>
      %and3A_101 = arith.andi %shift_right_arithmetic3A_98, %and3A_100 : vector<16xi32>
      %add3A_102 = arith.constant 32767 : i32
      %add3A_103 = vector.broadcast %add3A_102 : i32 to vector<16xi32>
      %add3A_104 = arith.addi %bitcast3A_95, %add3A_103 : vector<16xi32>
      %add3A_105 = arith.addi %add3A_104, %and3A_101 : vector<16xi32>
      %and3A_106 = arith.constant -65536 : i32
      %and3A_107 = vector.broadcast %and3A_106 : i32 to vector<16xi32>
      %and3A_108 = arith.andi %add3A_105, %and3A_107 : vector<16xi32>
      %bitcast3A_109 = vector.bitcast %and3A_108 : vector<16xi32> to vector<16xf32>
      %bitcast3A_110 = vector.bitcast %gather3A_76 : vector<16xf32> to vector<16xi32>
      %shift_right_arithmetic3A_111 = arith.constant 16 : i32
      %shift_right_arithmetic3A_112 = vector.broadcast %shift_right_arithmetic3A_111 : i32 to vector<16xi32>
      %shift_right_arithmetic3A_113 = arith.shrsi %bitcast3A_110, %shift_right_arithmetic3A_112 : vector<16xi32>
      %and3A_114 = arith.constant 1 : i32
      %and3A_115 = vector.broadcast %and3A_114 : i32 to vector<16xi32>
      %and3A_116 = arith.andi %shift_right_arithmetic3A_113, %and3A_115 : vector<16xi32>
      %add3A_117 = arith.constant 32767 : i32
      %add3A_118 = vector.broadcast %add3A_117 : i32 to vector<16xi32>
      %add3A_119 = arith.addi %bitcast3A_110, %add3A_118 : vector<16xi32>
      %add3A_120 = arith.addi %add3A_119, %and3A_116 : vector<16xi32>
      %and3A_121 = arith.constant -65536 : i32
      %and3A_122 = vector.broadcast %and3A_121 : i32 to vector<16xi32>
      %and3A_123 = arith.andi %add3A_120, %and3A_122 : vector<16xi32>
      %bitcast3A_124 = vector.bitcast %and3A_123 : vector<16xi32> to vector<16xf32>
      %while3A = arith.constant 0 : i32
      %while3A_125:3 = scf.while (%while3A_178 = %while3A, %while3A_179 = %broadcast_in_dim3A_50, %while3A_180 = %broadcast_in_dim3A_50) : (i32, vector<16xi32>, vector<16xi32>) -> (i32, vector<16xi32>, vector<16xi32>) {
        %lt3A_181 = arith.constant 16384 : i32
        %lt3A_182 = arith.cmpi slt, %while3A_178, %lt3A_181 : i32
        %lt3A_183 = arith.constant 16 : i32
        %lt3A_184 = vector.broadcast %lt3A_183 : i32 to vector<16xi32>
        %lt3A_185 = arith.cmpi slt, %while3A_179, %lt3A_184 : vector<16xi32>
        %lt3A_186 = arith.constant 32 : i32
        %lt3A_187 = vector.broadcast %lt3A_186 : i32 to vector<16xi32>
        %lt3A_188 = arith.cmpi slt, %while3A_180, %lt3A_187 : vector<16xi32>
        %or3A = arith.ori %lt3A_185, %lt3A_188 : vector<16xi1>
        %reduce_or3A = arith.constant 1.000000e+00 : f32
        %reduce_or3A_189 = arith.constant 0.000000e+00 : f32
        %reduce_or3A_190 = vector.broadcast %reduce_or3A : f32 to vector<16xf32>
        %reduce_or3A_191 = vector.broadcast %reduce_or3A_189 : f32 to vector<16xf32>
        %reduce_or3A_192 = arith.select %or3A, %reduce_or3A_190, %reduce_or3A_191 : vector<16xi1>, vector<16xf32>
        %reduce_or3A_193 = arith.constant true
        %reduce_or3A_194 = vector.broadcast %reduce_or3A_193 : i1 to vector<16xi1>
        %reduce_or3A_195 = tpu.scan <max>, %reduce_or3A_192 masked %reduce_or3A_194 : vector<16xf32>, vector<16xi1> -> vector<16xf32>
        %reduce_or3A_196 = vector.extract %reduce_or3A_195[15] : f32 from vector<16xf32>
        %reduce_or3A_197 = arith.constant 0.000000e+00 : f32
        %reduce_or3A_198 = arith.cmpf ogt, %reduce_or3A_196, %reduce_or3A_197 : f32
        %and3A_199 = arith.andi %lt3A_182, %reduce_or3A_198 : i1
        scf.condition(%and3A_199) %while3A_178, %while3A_179, %while3A_180 : i32, vector<16xi32>, vector<16xi32>
      } do {
      ^bb0(%while3A_178: i32, %while3A_179: vector<16xi32>, %while3A_180: vector<16xi32>):
        %add3A_181 = arith.constant 0 : i32
        %add3A_182 = arith.addi %while3A_178, %add3A_181 : i32
        %add3A_183 = vector.broadcast %add3A_182 : i32 to vector<16xi32>
        %add3A_184 = arith.addi %add3A_183, %iota3A : vector<16xi32>
        %mul3A_185 = arith.constant 3 : i32
        %mul3A_186 = vector.broadcast %mul3A_185 : i32 to vector<16xi32>
        %mul3A_187 = arith.muli %add3A_184, %mul3A_186 : vector<16xi32>
        %gather3A_188 = tpu.vector_load_idx %arg6[%mul3A_187] : memref<49152xf32, #tpu.memory_space<vmem>>[vector<16xi32>], vector<16xf32>,
        %add3A_189 = arith.constant 1 : i32
        %add3A_190 = vector.broadcast %add3A_189 : i32 to vector<16xi32>
        %add3A_191 = arith.addi %mul3A_187, %add3A_190 : vector<16xi32>
        %gather3A_192 = tpu.vector_load_idx %arg6[%add3A_191] : memref<49152xf32, #tpu.memory_space<vmem>>[vector<16xi32>], vector<16xf32>,
        %add3A_193 = arith.constant 2 : i32
        %add3A_194 = vector.broadcast %add3A_193 : i32 to vector<16xi32>
        %add3A_195 = arith.addi %mul3A_187, %add3A_194 : vector<16xi32>
        %gather3A_196 = tpu.vector_load_idx %arg6[%add3A_195] : memref<49152xf32, #tpu.memory_space<vmem>>[vector<16xi32>], vector<16xf32>,
        %gather3A_197 = tpu.vector_load_idx %arg7[%add3A_184] : memref<16384xf32, #tpu.memory_space<vmem>>[vector<16xi32>], vector<16xf32>,
        %mul3A_198 = arith.mulf %bitcast3A_94, %gather3A_188 : vector<16xf32>
        %mul3A_199 = arith.mulf %bitcast3A_109, %gather3A_192 : vector<16xf32>
        %add3A_200 = arith.addf %mul3A_198, %mul3A_199 : vector<16xf32>
        %mul3A_201 = arith.mulf %bitcast3A_124, %gather3A_196 : vector<16xf32>
        %add3A_202 = arith.addf %add3A_200, %mul3A_201 : vector<16xf32>
        %add3A_203 = arith.addf %add3A_81, %gather3A_197 : vector<16xf32>
        %mul3A_204 = arith.constant 2.000000e+00 : f32
        %mul3A_205 = vector.broadcast %mul3A_204 : f32 to vector<16xf32>
        %mul3A_206 = arith.mulf %mul3A_205, %add3A_202 : vector<16xf32>
        %sub3A_207 = arith.subf %add3A_203, %mul3A_206 : vector<16xf32>
        %le3A = vector.broadcast %scan3A_51 : f32 to vector<16xf32>
        %le3A_208 = arith.cmpf ole, %sub3A_207, %le3A : vector<16xf32>
        %le3A_209 = vector.broadcast %scan3A_52 : f32 to vector<16xf32>
        %le3A_210 = arith.cmpf ole, %sub3A_207, %le3A_209 : vector<16xf32>
        %add3A_211 = vector.broadcast %mul3A_43 : i32 to vector<16xi32>
        %add3A_212 = arith.addi %add3A_184, %add3A_211 : vector<16xi32>
        %add3A_213 = arith.constant 16 : i32
        %add3A_214 = arith.addi %while3A_178, %add3A_213 : i32
        %add3A_215 = vector.broadcast %add3A_214 : i32 to vector<16xi32>
        %add3A_216 = arith.addi %add3A_215, %iota3A : vector<16xi32>
        %mul3A_217 = arith.constant 3 : i32
        %mul3A_218 = vector.broadcast %mul3A_217 : i32 to vector<16xi32>
        %mul3A_219 = arith.muli %add3A_216, %mul3A_218 : vector<16xi32>
        %gather3A_220 = tpu.vector_load_idx %arg6[%mul3A_219] : memref<49152xf32, #tpu.memory_space<vmem>>[vector<16xi32>], vector<16xf32>,
        %add3A_221 = arith.constant 1 : i32
        %add3A_222 = vector.broadcast %add3A_221 : i32 to vector<16xi32>
        %add3A_223 = arith.addi %mul3A_219, %add3A_222 : vector<16xi32>
        %gather3A_224 = tpu.vector_load_idx %arg6[%add3A_223] : memref<49152xf32, #tpu.memory_space<vmem>>[vector<16xi32>], vector<16xf32>,
        %add3A_225 = arith.constant 2 : i32
        %add3A_226 = vector.broadcast %add3A_225 : i32 to vector<16xi32>
        %add3A_227 = arith.addi %mul3A_219, %add3A_226 : vector<16xi32>
        %gather3A_228 = tpu.vector_load_idx %arg6[%add3A_227] : memref<49152xf32, #tpu.memory_space<vmem>>[vector<16xi32>], vector<16xf32>,
        %gather3A_229 = tpu.vector_load_idx %arg7[%add3A_216] : memref<16384xf32, #tpu.memory_space<vmem>>[vector<16xi32>], vector<16xf32>,
        %mul3A_230 = arith.mulf %bitcast3A_94, %gather3A_220 : vector<16xf32>
        %mul3A_231 = arith.mulf %bitcast3A_109, %gather3A_224 : vector<16xf32>
        %add3A_232 = arith.addf %mul3A_230, %mul3A_231 : vector<16xf32>
        %mul3A_233 = arith.mulf %bitcast3A_124, %gather3A_228 : vector<16xf32>
        %add3A_234 = arith.addf %add3A_232, %mul3A_233 : vector<16xf32>
        %add3A_235 = arith.addf %add3A_81, %gather3A_229 : vector<16xf32>
        %mul3A_236 = arith.constant 2.000000e+00 : f32
        %mul3A_237 = vector.broadcast %mul3A_236 : f32 to vector<16xf32>
        %mul3A_238 = arith.mulf %mul3A_237, %add3A_234 : vector<16xf32>
        %sub3A_239 = arith.subf %add3A_235, %mul3A_238 : vector<16xf32>
        %le3A_240 = vector.broadcast %scan3A_51 : f32 to vector<16xf32>
        %le3A_241 = arith.cmpf ole, %sub3A_239, %le3A_240 : vector<16xf32>
        %le3A_242 = vector.broadcast %scan3A_52 : f32 to vector<16xf32>
        %le3A_243 = arith.cmpf ole, %sub3A_239, %le3A_242 : vector<16xf32>
        %add3A_244 = vector.broadcast %mul3A_43 : i32 to vector<16xi32>
        %add3A_245 = arith.addi %add3A_216, %add3A_244 : vector<16xi32>
        %add3A_246 = arith.constant 32 : i32
        %add3A_247 = arith.addi %while3A_178, %add3A_246 : i32
        %add3A_248 = vector.broadcast %add3A_247 : i32 to vector<16xi32>
        %add3A_249 = arith.addi %add3A_248, %iota3A : vector<16xi32>
        %mul3A_250 = arith.constant 3 : i32
        %mul3A_251 = vector.broadcast %mul3A_250 : i32 to vector<16xi32>
        %mul3A_252 = arith.muli %add3A_249, %mul3A_251 : vector<16xi32>
        %gather3A_253 = tpu.vector_load_idx %arg6[%mul3A_252] : memref<49152xf32, #tpu.memory_space<vmem>>[vector<16xi32>], vector<16xf32>,
        %add3A_254 = arith.constant 1 : i32
        %add3A_255 = vector.broadcast %add3A_254 : i32 to vector<16xi32>
        %add3A_256 = arith.addi %mul3A_252, %add3A_255 : vector<16xi32>
        %gather3A_257 = tpu.vector_load_idx %arg6[%add3A_256] : memref<49152xf32, #tpu.memory_space<vmem>>[vector<16xi32>], vector<16xf32>,
        %add3A_258 = arith.constant 2 : i32
        %add3A_259 = vector.broadcast %add3A_258 : i32 to vector<16xi32>
        %add3A_260 = arith.addi %mul3A_252, %add3A_259 : vector<16xi32>
        %gather3A_261 = tpu.vector_load_idx %arg6[%add3A_260] : memref<49152xf32, #tpu.memory_space<vmem>>[vector<16xi32>], vector<16xf32>,
        %gather3A_262 = tpu.vector_load_idx %arg7[%add3A_249] : memref<16384xf32, #tpu.memory_space<vmem>>[vector<16xi32>], vector<16xf32>,
        %mul3A_263 = arith.mulf %bitcast3A_94, %gather3A_253 : vector<16xf32>
        %mul3A_264 = arith.mulf %bitcast3A_109, %gather3A_257 : vector<16xf32>
        %add3A_265 = arith.addf %mul3A_263, %mul3A_264 : vector<16xf32>
        %mul3A_266 = arith.mulf %bitcast3A_124, %gather3A_261 : vector<16xf32>
        %add3A_267 = arith.addf %add3A_265, %mul3A_266 : vector<16xf32>
        %add3A_268 = arith.addf %add3A_81, %gather3A_262 : vector<16xf32>
        %mul3A_269 = arith.constant 2.000000e+00 : f32
        %mul3A_270 = vector.broadcast %mul3A_269 : f32 to vector<16xf32>
        %mul3A_271 = arith.mulf %mul3A_270, %add3A_267 : vector<16xf32>
        %sub3A_272 = arith.subf %add3A_268, %mul3A_271 : vector<16xf32>
        %le3A_273 = vector.broadcast %scan3A_51 : f32 to vector<16xf32>
        %le3A_274 = arith.cmpf ole, %sub3A_272, %le3A_273 : vector<16xf32>
        %le3A_275 = vector.broadcast %scan3A_52 : f32 to vector<16xf32>
        %le3A_276 = arith.cmpf ole, %sub3A_272, %le3A_275 : vector<16xf32>
        %add3A_277 = vector.broadcast %mul3A_43 : i32 to vector<16xi32>
        %add3A_278 = arith.addi %add3A_249, %add3A_277 : vector<16xi32>
        %add3A_279 = arith.constant 48 : i32
        %add3A_280 = arith.addi %while3A_178, %add3A_279 : i32
        %add3A_281 = vector.broadcast %add3A_280 : i32 to vector<16xi32>
        %add3A_282 = arith.addi %add3A_281, %iota3A : vector<16xi32>
        %mul3A_283 = arith.constant 3 : i32
        %mul3A_284 = vector.broadcast %mul3A_283 : i32 to vector<16xi32>
        %mul3A_285 = arith.muli %add3A_282, %mul3A_284 : vector<16xi32>
        %gather3A_286 = tpu.vector_load_idx %arg6[%mul3A_285] : memref<49152xf32, #tpu.memory_space<vmem>>[vector<16xi32>], vector<16xf32>,
        %add3A_287 = arith.constant 1 : i32
        %add3A_288 = vector.broadcast %add3A_287 : i32 to vector<16xi32>
        %add3A_289 = arith.addi %mul3A_285, %add3A_288 : vector<16xi32>
        %gather3A_290 = tpu.vector_load_idx %arg6[%add3A_289] : memref<49152xf32, #tpu.memory_space<vmem>>[vector<16xi32>], vector<16xf32>,
        %add3A_291 = arith.constant 2 : i32
        %add3A_292 = vector.broadcast %add3A_291 : i32 to vector<16xi32>
        %add3A_293 = arith.addi %mul3A_285, %add3A_292 : vector<16xi32>
        %gather3A_294 = tpu.vector_load_idx %arg6[%add3A_293] : memref<49152xf32, #tpu.memory_space<vmem>>[vector<16xi32>], vector<16xf32>,
        %gather3A_295 = tpu.vector_load_idx %arg7[%add3A_282] : memref<16384xf32, #tpu.memory_space<vmem>>[vector<16xi32>], vector<16xf32>,
        %mul3A_296 = arith.mulf %bitcast3A_94, %gather3A_286 : vector<16xf32>
        %mul3A_297 = arith.mulf %bitcast3A_109, %gather3A_290 : vector<16xf32>
        %add3A_298 = arith.addf %mul3A_296, %mul3A_297 : vector<16xf32>
        %mul3A_299 = arith.mulf %bitcast3A_124, %gather3A_294 : vector<16xf32>
        %add3A_300 = arith.addf %add3A_298, %mul3A_299 : vector<16xf32>
        %add3A_301 = arith.addf %add3A_81, %gather3A_295 : vector<16xf32>
        %mul3A_302 = arith.constant 2.000000e+00 : f32
        %mul3A_303 = vector.broadcast %mul3A_302 : f32 to vector<16xf32>
        %mul3A_304 = arith.mulf %mul3A_303, %add3A_300 : vector<16xf32>
        %sub3A_305 = arith.subf %add3A_301, %mul3A_304 : vector<16xf32>
        %le3A_306 = vector.broadcast %scan3A_51 : f32 to vector<16xf32>
        %le3A_307 = arith.cmpf ole, %sub3A_305, %le3A_306 : vector<16xf32>
        %le3A_308 = vector.broadcast %scan3A_52 : f32 to vector<16xf32>
        %le3A_309 = arith.cmpf ole, %sub3A_305, %le3A_308 : vector<16xf32>
        %add3A_310 = vector.broadcast %mul3A_43 : i32 to vector<16xi32>
        %add3A_311 = arith.addi %add3A_282, %add3A_310 : vector<16xi32>
        %add3A_312 = arith.constant 64 : i32
        %add3A_313 = arith.addi %while3A_178, %add3A_312 : i32
        %add3A_314 = vector.broadcast %add3A_313 : i32 to vector<16xi32>
        %add3A_315 = arith.addi %add3A_314, %iota3A : vector<16xi32>
        %mul3A_316 = arith.constant 3 : i32
        %mul3A_317 = vector.broadcast %mul3A_316 : i32 to vector<16xi32>
        %mul3A_318 = arith.muli %add3A_315, %mul3A_317 : vector<16xi32>
        %gather3A_319 = tpu.vector_load_idx %arg6[%mul3A_318] : memref<49152xf32, #tpu.memory_space<vmem>>[vector<16xi32>], vector<16xf32>,
        %add3A_320 = arith.constant 1 : i32
        %add3A_321 = vector.broadcast %add3A_320 : i32 to vector<16xi32>
        %add3A_322 = arith.addi %mul3A_318, %add3A_321 : vector<16xi32>
        %gather3A_323 = tpu.vector_load_idx %arg6[%add3A_322] : memref<49152xf32, #tpu.memory_space<vmem>>[vector<16xi32>], vector<16xf32>,
        %add3A_324 = arith.constant 2 : i32
        %add3A_325 = vector.broadcast %add3A_324 : i32 to vector<16xi32>
        %add3A_326 = arith.addi %mul3A_318, %add3A_325 : vector<16xi32>
        %gather3A_327 = tpu.vector_load_idx %arg6[%add3A_326] : memref<49152xf32, #tpu.memory_space<vmem>>[vector<16xi32>], vector<16xf32>,
        %gather3A_328 = tpu.vector_load_idx %arg7[%add3A_315] : memref<16384xf32, #tpu.memory_space<vmem>>[vector<16xi32>], vector<16xf32>,
        %mul3A_329 = arith.mulf %bitcast3A_94, %gather3A_319 : vector<16xf32>
        %mul3A_330 = arith.mulf %bitcast3A_109, %gather3A_323 : vector<16xf32>
        %add3A_331 = arith.addf %mul3A_329, %mul3A_330 : vector<16xf32>
        %mul3A_332 = arith.mulf %bitcast3A_124, %gather3A_327 : vector<16xf32>
        %add3A_333 = arith.addf %add3A_331, %mul3A_332 : vector<16xf32>
        %add3A_334 = arith.addf %add3A_81, %gather3A_328 : vector<16xf32>
        %mul3A_335 = arith.constant 2.000000e+00 : f32
        %mul3A_336 = vector.broadcast %mul3A_335 : f32 to vector<16xf32>
        %mul3A_337 = arith.mulf %mul3A_336, %add3A_333 : vector<16xf32>
        %sub3A_338 = arith.subf %add3A_334, %mul3A_337 : vector<16xf32>
        %le3A_339 = vector.broadcast %scan3A_51 : f32 to vector<16xf32>
        %le3A_340 = arith.cmpf ole, %sub3A_338, %le3A_339 : vector<16xf32>
        %le3A_341 = vector.broadcast %scan3A_52 : f32 to vector<16xf32>
        %le3A_342 = arith.cmpf ole, %sub3A_338, %le3A_341 : vector<16xf32>
        %add3A_343 = vector.broadcast %mul3A_43 : i32 to vector<16xi32>
        %add3A_344 = arith.addi %add3A_315, %add3A_343 : vector<16xi32>
        %add3A_345 = arith.constant 80 : i32
        %add3A_346 = arith.addi %while3A_178, %add3A_345 : i32
        %add3A_347 = vector.broadcast %add3A_346 : i32 to vector<16xi32>
        %add3A_348 = arith.addi %add3A_347, %iota3A : vector<16xi32>
        %mul3A_349 = arith.constant 3 : i32
        %mul3A_350 = vector.broadcast %mul3A_349 : i32 to vector<16xi32>
        %mul3A_351 = arith.muli %add3A_348, %mul3A_350 : vector<16xi32>
        %gather3A_352 = tpu.vector_load_idx %arg6[%mul3A_351] : memref<49152xf32, #tpu.memory_space<vmem>>[vector<16xi32>], vector<16xf32>,
        %add3A_353 = arith.constant 1 : i32
        %add3A_354 = vector.broadcast %add3A_353 : i32 to vector<16xi32>
        %add3A_355 = arith.addi %mul3A_351, %add3A_354 : vector<16xi32>
        %gather3A_356 = tpu.vector_load_idx %arg6[%add3A_355] : memref<49152xf32, #tpu.memory_space<vmem>>[vector<16xi32>], vector<16xf32>,
        %add3A_357 = arith.constant 2 : i32
        %add3A_358 = vector.broadcast %add3A_357 : i32 to vector<16xi32>
        %add3A_359 = arith.addi %mul3A_351, %add3A_358 : vector<16xi32>
        %gather3A_360 = tpu.vector_load_idx %arg6[%add3A_359] : memref<49152xf32, #tpu.memory_space<vmem>>[vector<16xi32>], vector<16xf32>,
        %gather3A_361 = tpu.vector_load_idx %arg7[%add3A_348] : memref<16384xf32, #tpu.memory_space<vmem>>[vector<16xi32>], vector<16xf32>,
        %mul3A_362 = arith.mulf %bitcast3A_94, %gather3A_352 : vector<16xf32>
        %mul3A_363 = arith.mulf %bitcast3A_109, %gather3A_356 : vector<16xf32>
        %add3A_364 = arith.addf %mul3A_362, %mul3A_363 : vector<16xf32>
        %mul3A_365 = arith.mulf %bitcast3A_124, %gather3A_360 : vector<16xf32>
        %add3A_366 = arith.addf %add3A_364, %mul3A_365 : vector<16xf32>
        %add3A_367 = arith.addf %add3A_81, %gather3A_361 : vector<16xf32>
        %mul3A_368 = arith.constant 2.000000e+00 : f32
        %mul3A_369 = vector.broadcast %mul3A_368 : f32 to vector<16xf32>
        %mul3A_370 = arith.mulf %mul3A_369, %add3A_366 : vector<16xf32>
        %sub3A_371 = arith.subf %add3A_367, %mul3A_370 : vector<16xf32>
        %le3A_372 = vector.broadcast %scan3A_51 : f32 to vector<16xf32>
        %le3A_373 = arith.cmpf ole, %sub3A_371, %le3A_372 : vector<16xf32>
        %le3A_374 = vector.broadcast %scan3A_52 : f32 to vector<16xf32>
        %le3A_375 = arith.cmpf ole, %sub3A_371, %le3A_374 : vector<16xf32>
        %add3A_376 = vector.broadcast %mul3A_43 : i32 to vector<16xi32>
        %add3A_377 = arith.addi %add3A_348, %add3A_376 : vector<16xi32>
        %add3A_378 = arith.constant 96 : i32
        %add3A_379 = arith.addi %while3A_178, %add3A_378 : i32
        %add3A_380 = vector.broadcast %add3A_379 : i32 to vector<16xi32>
        %add3A_381 = arith.addi %add3A_380, %iota3A : vector<16xi32>
        %mul3A_382 = arith.constant 3 : i32
        %mul3A_383 = vector.broadcast %mul3A_382 : i32 to vector<16xi32>
        %mul3A_384 = arith.muli %add3A_381, %mul3A_383 : vector<16xi32>
        %gather3A_385 = tpu.vector_load_idx %arg6[%mul3A_384] : memref<49152xf32, #tpu.memory_space<vmem>>[vector<16xi32>], vector<16xf32>,
        %add3A_386 = arith.constant 1 : i32
        %add3A_387 = vector.broadcast %add3A_386 : i32 to vector<16xi32>
        %add3A_388 = arith.addi %mul3A_384, %add3A_387 : vector<16xi32>
        %gather3A_389 = tpu.vector_load_idx %arg6[%add3A_388] : memref<49152xf32, #tpu.memory_space<vmem>>[vector<16xi32>], vector<16xf32>,
        %add3A_390 = arith.constant 2 : i32
        %add3A_391 = vector.broadcast %add3A_390 : i32 to vector<16xi32>
        %add3A_392 = arith.addi %mul3A_384, %add3A_391 : vector<16xi32>
        %gather3A_393 = tpu.vector_load_idx %arg6[%add3A_392] : memref<49152xf32, #tpu.memory_space<vmem>>[vector<16xi32>], vector<16xf32>,
        %gather3A_394 = tpu.vector_load_idx %arg7[%add3A_381] : memref<16384xf32, #tpu.memory_space<vmem>>[vector<16xi32>], vector<16xf32>,
        %mul3A_395 = arith.mulf %bitcast3A_94, %gather3A_385 : vector<16xf32>
        %mul3A_396 = arith.mulf %bitcast3A_109, %gather3A_389 : vector<16xf32>
        %add3A_397 = arith.addf %mul3A_395, %mul3A_396 : vector<16xf32>
        %mul3A_398 = arith.mulf %bitcast3A_124, %gather3A_393 : vector<16xf32>
        %add3A_399 = arith.addf %add3A_397, %mul3A_398 : vector<16xf32>
        %add3A_400 = arith.addf %add3A_81, %gather3A_394 : vector<16xf32>
        %mul3A_401 = arith.constant 2.000000e+00 : f32
        %mul3A_402 = vector.broadcast %mul3A_401 : f32 to vector<16xf32>
        %mul3A_403 = arith.mulf %mul3A_402, %add3A_399 : vector<16xf32>
        %sub3A_404 = arith.subf %add3A_400, %mul3A_403 : vector<16xf32>
        %le3A_405 = vector.broadcast %scan3A_51 : f32 to vector<16xf32>
        %le3A_406 = arith.cmpf ole, %sub3A_404, %le3A_405 : vector<16xf32>
        %le3A_407 = vector.broadcast %scan3A_52 : f32 to vector<16xf32>
        %le3A_408 = arith.cmpf ole, %sub3A_404, %le3A_407 : vector<16xf32>
        %add3A_409 = vector.broadcast %mul3A_43 : i32 to vector<16xi32>
        %add3A_410 = arith.addi %add3A_381, %add3A_409 : vector<16xi32>
        %add3A_411 = arith.constant 112 : i32
        %add3A_412 = arith.addi %while3A_178, %add3A_411 : i32
        %add3A_413 = vector.broadcast %add3A_412 : i32 to vector<16xi32>
        %add3A_414 = arith.addi %add3A_413, %iota3A : vector<16xi32>
        %mul3A_415 = arith.constant 3 : i32
        %mul3A_416 = vector.broadcast %mul3A_415 : i32 to vector<16xi32>
        %mul3A_417 = arith.muli %add3A_414, %mul3A_416 : vector<16xi32>
        %gather3A_418 = tpu.vector_load_idx %arg6[%mul3A_417] : memref<49152xf32, #tpu.memory_space<vmem>>[vector<16xi32>], vector<16xf32>,
        %add3A_419 = arith.constant 1 : i32
        %add3A_420 = vector.broadcast %add3A_419 : i32 to vector<16xi32>
        %add3A_421 = arith.addi %mul3A_417, %add3A_420 : vector<16xi32>
        %gather3A_422 = tpu.vector_load_idx %arg6[%add3A_421] : memref<49152xf32, #tpu.memory_space<vmem>>[vector<16xi32>], vector<16xf32>,
        %add3A_423 = arith.constant 2 : i32
        %add3A_424 = vector.broadcast %add3A_423 : i32 to vector<16xi32>
        %add3A_425 = arith.addi %mul3A_417, %add3A_424 : vector<16xi32>
        %gather3A_426 = tpu.vector_load_idx %arg6[%add3A_425] : memref<49152xf32, #tpu.memory_space<vmem>>[vector<16xi32>], vector<16xf32>,
        %gather3A_427 = tpu.vector_load_idx %arg7[%add3A_414] : memref<16384xf32, #tpu.memory_space<vmem>>[vector<16xi32>], vector<16xf32>,
        %mul3A_428 = arith.mulf %bitcast3A_94, %gather3A_418 : vector<16xf32>
        %mul3A_429 = arith.mulf %bitcast3A_109, %gather3A_422 : vector<16xf32>
        %add3A_430 = arith.addf %mul3A_428, %mul3A_429 : vector<16xf32>
        %mul3A_431 = arith.mulf %bitcast3A_124, %gather3A_426 : vector<16xf32>
        %add3A_432 = arith.addf %add3A_430, %mul3A_431 : vector<16xf32>
        %add3A_433 = arith.addf %add3A_81, %gather3A_427 : vector<16xf32>
        %mul3A_434 = arith.constant 2.000000e+00 : f32
        %mul3A_435 = vector.broadcast %mul3A_434 : f32 to vector<16xf32>
        %mul3A_436 = arith.mulf %mul3A_435, %add3A_432 : vector<16xf32>
        %sub3A_437 = arith.subf %add3A_433, %mul3A_436 : vector<16xf32>
        %le3A_438 = vector.broadcast %scan3A_51 : f32 to vector<16xf32>
        %le3A_439 = arith.cmpf ole, %sub3A_437, %le3A_438 : vector<16xf32>
        %le3A_440 = vector.broadcast %scan3A_52 : f32 to vector<16xf32>
        %le3A_441 = arith.cmpf ole, %sub3A_437, %le3A_440 : vector<16xf32>
        %add3A_442 = vector.broadcast %mul3A_43 : i32 to vector<16xi32>
        %add3A_443 = arith.addi %add3A_414, %add3A_442 : vector<16xi32>
        %all_reduce_population_count3A = tpu.all_reduce %le3A_208 {dim = 0 : i64, kind = #tpu.reduction_kind<sum>} : vector<16xi1> -> vector<16xi32>
        %all_reduce_population_count3A_444 = tpu.all_reduce %le3A_241 {dim = 0 : i64, kind = #tpu.reduction_kind<sum>} : vector<16xi1> -> vector<16xi32>
        %all_reduce_population_count3A_445 = tpu.all_reduce %le3A_274 {dim = 0 : i64, kind = #tpu.reduction_kind<sum>} : vector<16xi1> -> vector<16xi32>
        %all_reduce_population_count3A_446 = tpu.all_reduce %le3A_307 {dim = 0 : i64, kind = #tpu.reduction_kind<sum>} : vector<16xi1> -> vector<16xi32>
        %all_reduce_population_count3A_447 = tpu.all_reduce %le3A_340 {dim = 0 : i64, kind = #tpu.reduction_kind<sum>} : vector<16xi1> -> vector<16xi32>
        %all_reduce_population_count3A_448 = tpu.all_reduce %le3A_373 {dim = 0 : i64, kind = #tpu.reduction_kind<sum>} : vector<16xi1> -> vector<16xi32>
        %all_reduce_population_count3A_449 = tpu.all_reduce %le3A_406 {dim = 0 : i64, kind = #tpu.reduction_kind<sum>} : vector<16xi1> -> vector<16xi32>
        %all_reduce_population_count3A_450 = tpu.all_reduce %le3A_439 {dim = 0 : i64, kind = #tpu.reduction_kind<sum>} : vector<16xi1> -> vector<16xi32>
        %all_reduce_population_count3A_451 = tpu.all_reduce %le3A_210 {dim = 0 : i64, kind = #tpu.reduction_kind<sum>} : vector<16xi1> -> vector<16xi32>
        %all_reduce_population_count3A_452 = tpu.all_reduce %le3A_243 {dim = 0 : i64, kind = #tpu.reduction_kind<sum>} : vector<16xi1> -> vector<16xi32>
        %all_reduce_population_count3A_453 = tpu.all_reduce %le3A_276 {dim = 0 : i64, kind = #tpu.reduction_kind<sum>} : vector<16xi1> -> vector<16xi32>
        %all_reduce_population_count3A_454 = tpu.all_reduce %le3A_309 {dim = 0 : i64, kind = #tpu.reduction_kind<sum>} : vector<16xi1> -> vector<16xi32>
        %all_reduce_population_count3A_455 = tpu.all_reduce %le3A_342 {dim = 0 : i64, kind = #tpu.reduction_kind<sum>} : vector<16xi1> -> vector<16xi32>
        %all_reduce_population_count3A_456 = tpu.all_reduce %le3A_375 {dim = 0 : i64, kind = #tpu.reduction_kind<sum>} : vector<16xi1> -> vector<16xi32>
        %all_reduce_population_count3A_457 = tpu.all_reduce %le3A_408 {dim = 0 : i64, kind = #tpu.reduction_kind<sum>} : vector<16xi1> -> vector<16xi32>
        %all_reduce_population_count3A_458 = tpu.all_reduce %le3A_441 {dim = 0 : i64, kind = #tpu.reduction_kind<sum>} : vector<16xi1> -> vector<16xi32>
        %or3A = arith.ori %le3A_208, %le3A_241 : vector<16xi1>
        %or3A_459 = arith.ori %le3A_274, %le3A_307 : vector<16xi1>
        %or3A_460 = arith.ori %le3A_340, %le3A_373 : vector<16xi1>
        %or3A_461 = arith.ori %le3A_406, %le3A_439 : vector<16xi1>
        %or3A_462 = arith.ori %or3A, %or3A_459 : vector<16xi1>
        %or3A_463 = arith.ori %or3A_460, %or3A_461 : vector<16xi1>
        %or3A_464 = arith.ori %or3A_462, %or3A_463 : vector<16xi1>
        %or3A_465 = arith.ori %le3A_210, %le3A_243 : vector<16xi1>
        %or3A_466 = arith.ori %le3A_276, %le3A_309 : vector<16xi1>
        %or3A_467 = arith.ori %le3A_342, %le3A_375 : vector<16xi1>
        %or3A_468 = arith.ori %le3A_408, %le3A_441 : vector<16xi1>
        %or3A_469 = arith.ori %or3A_465, %or3A_466 : vector<16xi1>
        %or3A_470 = arith.ori %or3A_467, %or3A_468 : vector<16xi1>
        %or3A_471 = arith.ori %or3A_469, %or3A_470 : vector<16xi1>
        %lt3A_472 = arith.constant 16 : i32
        %lt3A_473 = vector.broadcast %lt3A_472 : i32 to vector<16xi32>
        %lt3A_474 = arith.cmpi slt, %while3A_179, %lt3A_473 : vector<16xi32>
        %and3A_475 = arith.andi %or3A_464, %lt3A_474 : vector<16xi1>
        %reduce_or3A = arith.constant 1.000000e+00 : f32
        %reduce_or3A_476 = arith.constant 0.000000e+00 : f32
        %reduce_or3A_477 = vector.broadcast %reduce_or3A : f32 to vector<16xf32>
        %reduce_or3A_478 = vector.broadcast %reduce_or3A_476 : f32 to vector<16xf32>
        %reduce_or3A_479 = arith.select %and3A_475, %reduce_or3A_477, %reduce_or3A_478 : vector<16xi1>, vector<16xf32>
        %reduce_or3A_480 = arith.constant true
        %reduce_or3A_481 = vector.broadcast %reduce_or3A_480 : i1 to vector<16xi1>
        %reduce_or3A_482 = tpu.scan <max>, %reduce_or3A_479 masked %reduce_or3A_481 : vector<16xf32>, vector<16xi1> -> vector<16xf32>
        %reduce_or3A_483 = vector.extract %reduce_or3A_482[15] : f32 from vector<16xf32>
        %reduce_or3A_484 = arith.constant 0.000000e+00 : f32
        %reduce_or3A_485 = arith.cmpf ogt, %reduce_or3A_483, %reduce_or3A_484 : f32
        %lt3A_486 = arith.constant 32 : i32
        %lt3A_487 = vector.broadcast %lt3A_486 : i32 to vector<16xi32>
        %lt3A_488 = arith.cmpi slt, %while3A_180, %lt3A_487 : vector<16xi32>
        %and3A_489 = arith.andi %or3A_471, %lt3A_488 : vector<16xi1>
        %reduce_or3A_490 = arith.constant 1.000000e+00 : f32
        %reduce_or3A_491 = arith.constant 0.000000e+00 : f32
        %reduce_or3A_492 = vector.broadcast %reduce_or3A_490 : f32 to vector<16xf32>
        %reduce_or3A_493 = vector.broadcast %reduce_or3A_491 : f32 to vector<16xf32>
        %reduce_or3A_494 = arith.select %and3A_489, %reduce_or3A_492, %reduce_or3A_493 : vector<16xi1>, vector<16xf32>
        %reduce_or3A_495 = arith.constant true
        %reduce_or3A_496 = vector.broadcast %reduce_or3A_495 : i1 to vector<16xi1>
        %reduce_or3A_497 = tpu.scan <max>, %reduce_or3A_494 masked %reduce_or3A_496 : vector<16xf32>, vector<16xi1> -> vector<16xf32>
        %reduce_or3A_498 = vector.extract %reduce_or3A_497[15] : f32 from vector<16xf32>
        %reduce_or3A_499 = arith.constant 0.000000e+00 : f32
        %reduce_or3A_500 = arith.cmpf ogt, %reduce_or3A_498, %reduce_or3A_499 : f32
        %convert_element_type3A = arith.extui %reduce_or3A_500 : i1 to i32
        %cond3A = arith.constant 0 : i32
        %cond3A_501 = arith.cmpi ne, %convert_element_type3A, %cond3A : i32
        scf.if %cond3A_501 {
          %convert_element_type3A_523 = arith.extui %le3A_210 : vector<16xi1> to vector<16xi32>
          %broadcast_in_dim3A_524 = arith.constant true
          %broadcast_in_dim3A_525 = vector.broadcast %broadcast_in_dim3A_524 : i1 to vector<16xi1>
          %masked_cumsum3A = tpu.scan <sum>, %convert_element_type3A_523 masked %broadcast_in_dim3A_525 : vector<16xi32>, vector<16xi1> -> vector<16xi32>
          %add3A_526 = arith.addi %while3A_180, %masked_cumsum3A : vector<16xi32>
          %sub3A_527 = arith.subi %add3A_526, %convert_element_type3A_523 : vector<16xi32>
          %mul3A_528 = arith.constant 32 : i32
          %mul3A_529 = arith.muli %scan3A_64, %mul3A_528 : i32
          %add3A_530 = vector.broadcast %mul3A_529 : i32 to vector<16xi32>
          %add3A_531 = arith.addi %add3A_530, %sub3A_527 : vector<16xi32>
          %lt3A_532 = arith.constant 32 : i32
          %lt3A_533 = vector.broadcast %lt3A_532 : i32 to vector<16xi32>
          %lt3A_534 = arith.cmpi slt, %sub3A_527, %lt3A_533 : vector<16xi32>
          %and3A_535 = arith.andi %le3A_210, %lt3A_534 : vector<16xi1>
          tpu.vector_store_idx %arg10[%add3A_531], %add3A_212 masked %and3A_535 : memref<2048xi32, #tpu.memory_space<vmem>>[vector<16xi32>], vector<16xi32>, vector<16xi1>
          %add3A_536 = arith.addi %while3A_180, %all_reduce_population_count3A_451 : vector<16xi32>
          %convert_element_type3A_537 = arith.extui %le3A_243 : vector<16xi1> to vector<16xi32>
          %broadcast_in_dim3A_538 = arith.constant true
          %broadcast_in_dim3A_539 = vector.broadcast %broadcast_in_dim3A_538 : i1 to vector<16xi1>
          %masked_cumsum3A_540 = tpu.scan <sum>, %convert_element_type3A_537 masked %broadcast_in_dim3A_539 : vector<16xi32>, vector<16xi1> -> vector<16xi32>
          %add3A_541 = arith.addi %add3A_536, %masked_cumsum3A_540 : vector<16xi32>
          %sub3A_542 = arith.subi %add3A_541, %convert_element_type3A_537 : vector<16xi32>
          %mul3A_543 = arith.constant 32 : i32
          %mul3A_544 = arith.muli %scan3A_64, %mul3A_543 : i32
          %add3A_545 = vector.broadcast %mul3A_544 : i32 to vector<16xi32>
          %add3A_546 = arith.addi %add3A_545, %sub3A_542 : vector<16xi32>
          %lt3A_547 = arith.constant 32 : i32
          %lt3A_548 = vector.broadcast %lt3A_547 : i32 to vector<16xi32>
          %lt3A_549 = arith.cmpi slt, %sub3A_542, %lt3A_548 : vector<16xi32>
          %and3A_550 = arith.andi %le3A_243, %lt3A_549 : vector<16xi1>
          tpu.vector_store_idx %arg10[%add3A_546], %add3A_245 masked %and3A_550 : memref<2048xi32, #tpu.memory_space<vmem>>[vector<16xi32>], vector<16xi32>, vector<16xi1>
          %add3A_551 = arith.addi %add3A_536, %all_reduce_population_count3A_452 : vector<16xi32>
          %convert_element_type3A_552 = arith.extui %le3A_276 : vector<16xi1> to vector<16xi32>
          %broadcast_in_dim3A_553 = arith.constant true
          %broadcast_in_dim3A_554 = vector.broadcast %broadcast_in_dim3A_553 : i1 to vector<16xi1>
          %masked_cumsum3A_555 = tpu.scan <sum>, %convert_element_type3A_552 masked %broadcast_in_dim3A_554 : vector<16xi32>, vector<16xi1> -> vector<16xi32>
          %add3A_556 = arith.addi %add3A_551, %masked_cumsum3A_555 : vector<16xi32>
          %sub3A_557 = arith.subi %add3A_556, %convert_element_type3A_552 : vector<16xi32>
          %mul3A_558 = arith.constant 32 : i32
          %mul3A_559 = arith.muli %scan3A_64, %mul3A_558 : i32
          %add3A_560 = vector.broadcast %mul3A_559 : i32 to vector<16xi32>
          %add3A_561 = arith.addi %add3A_560, %sub3A_557 : vector<16xi32>
          %lt3A_562 = arith.constant 32 : i32
          %lt3A_563 = vector.broadcast %lt3A_562 : i32 to vector<16xi32>
          %lt3A_564 = arith.cmpi slt, %sub3A_557, %lt3A_563 : vector<16xi32>
          %and3A_565 = arith.andi %le3A_276, %lt3A_564 : vector<16xi1>
          tpu.vector_store_idx %arg10[%add3A_561], %add3A_278 masked %and3A_565 : memref<2048xi32, #tpu.memory_space<vmem>>[vector<16xi32>], vector<16xi32>, vector<16xi1>
          %add3A_566 = arith.addi %add3A_551, %all_reduce_population_count3A_453 : vector<16xi32>
          %convert_element_type3A_567 = arith.extui %le3A_309 : vector<16xi1> to vector<16xi32>
          %broadcast_in_dim3A_568 = arith.constant true
          %broadcast_in_dim3A_569 = vector.broadcast %broadcast_in_dim3A_568 : i1 to vector<16xi1>
          %masked_cumsum3A_570 = tpu.scan <sum>, %convert_element_type3A_567 masked %broadcast_in_dim3A_569 : vector<16xi32>, vector<16xi1> -> vector<16xi32>
          %add3A_571 = arith.addi %add3A_566, %masked_cumsum3A_570 : vector<16xi32>
          %sub3A_572 = arith.subi %add3A_571, %convert_element_type3A_567 : vector<16xi32>
          %mul3A_573 = arith.constant 32 : i32
          %mul3A_574 = arith.muli %scan3A_64, %mul3A_573 : i32
          %add3A_575 = vector.broadcast %mul3A_574 : i32 to vector<16xi32>
          %add3A_576 = arith.addi %add3A_575, %sub3A_572 : vector<16xi32>
          %lt3A_577 = arith.constant 32 : i32
          %lt3A_578 = vector.broadcast %lt3A_577 : i32 to vector<16xi32>
          %lt3A_579 = arith.cmpi slt, %sub3A_572, %lt3A_578 : vector<16xi32>
          %and3A_580 = arith.andi %le3A_309, %lt3A_579 : vector<16xi1>
          tpu.vector_store_idx %arg10[%add3A_576], %add3A_311 masked %and3A_580 : memref<2048xi32, #tpu.memory_space<vmem>>[vector<16xi32>], vector<16xi32>, vector<16xi1>
          %add3A_581 = arith.addi %add3A_566, %all_reduce_population_count3A_454 : vector<16xi32>
          %convert_element_type3A_582 = arith.extui %le3A_342 : vector<16xi1> to vector<16xi32>
          %broadcast_in_dim3A_583 = arith.constant true
          %broadcast_in_dim3A_584 = vector.broadcast %broadcast_in_dim3A_583 : i1 to vector<16xi1>
          %masked_cumsum3A_585 = tpu.scan <sum>, %convert_element_type3A_582 masked %broadcast_in_dim3A_584 : vector<16xi32>, vector<16xi1> -> vector<16xi32>
          %add3A_586 = arith.addi %add3A_581, %masked_cumsum3A_585 : vector<16xi32>
          %sub3A_587 = arith.subi %add3A_586, %convert_element_type3A_582 : vector<16xi32>
          %mul3A_588 = arith.constant 32 : i32
          %mul3A_589 = arith.muli %scan3A_64, %mul3A_588 : i32
          %add3A_590 = vector.broadcast %mul3A_589 : i32 to vector<16xi32>
          %add3A_591 = arith.addi %add3A_590, %sub3A_587 : vector<16xi32>
          %lt3A_592 = arith.constant 32 : i32
          %lt3A_593 = vector.broadcast %lt3A_592 : i32 to vector<16xi32>
          %lt3A_594 = arith.cmpi slt, %sub3A_587, %lt3A_593 : vector<16xi32>
          %and3A_595 = arith.andi %le3A_342, %lt3A_594 : vector<16xi1>
          tpu.vector_store_idx %arg10[%add3A_591], %add3A_344 masked %and3A_595 : memref<2048xi32, #tpu.memory_space<vmem>>[vector<16xi32>], vector<16xi32>, vector<16xi1>
          %add3A_596 = arith.addi %add3A_581, %all_reduce_population_count3A_455 : vector<16xi32>
          %convert_element_type3A_597 = arith.extui %le3A_375 : vector<16xi1> to vector<16xi32>
          %broadcast_in_dim3A_598 = arith.constant true
          %broadcast_in_dim3A_599 = vector.broadcast %broadcast_in_dim3A_598 : i1 to vector<16xi1>
          %masked_cumsum3A_600 = tpu.scan <sum>, %convert_element_type3A_597 masked %broadcast_in_dim3A_599 : vector<16xi32>, vector<16xi1> -> vector<16xi32>
          %add3A_601 = arith.addi %add3A_596, %masked_cumsum3A_600 : vector<16xi32>
          %sub3A_602 = arith.subi %add3A_601, %convert_element_type3A_597 : vector<16xi32>
          %mul3A_603 = arith.constant 32 : i32
          %mul3A_604 = arith.muli %scan3A_64, %mul3A_603 : i32
          %add3A_605 = vector.broadcast %mul3A_604 : i32 to vector<16xi32>
          %add3A_606 = arith.addi %add3A_605, %sub3A_602 : vector<16xi32>
          %lt3A_607 = arith.constant 32 : i32
          %lt3A_608 = vector.broadcast %lt3A_607 : i32 to vector<16xi32>
          %lt3A_609 = arith.cmpi slt, %sub3A_602, %lt3A_608 : vector<16xi32>
          %and3A_610 = arith.andi %le3A_375, %lt3A_609 : vector<16xi1>
          tpu.vector_store_idx %arg10[%add3A_606], %add3A_377 masked %and3A_610 : memref<2048xi32, #tpu.memory_space<vmem>>[vector<16xi32>], vector<16xi32>, vector<16xi1>
          %add3A_611 = arith.addi %add3A_596, %all_reduce_population_count3A_456 : vector<16xi32>
          %convert_element_type3A_612 = arith.extui %le3A_408 : vector<16xi1> to vector<16xi32>
          %broadcast_in_dim3A_613 = arith.constant true
          %broadcast_in_dim3A_614 = vector.broadcast %broadcast_in_dim3A_613 : i1 to vector<16xi1>
          %masked_cumsum3A_615 = tpu.scan <sum>, %convert_element_type3A_612 masked %broadcast_in_dim3A_614 : vector<16xi32>, vector<16xi1> -> vector<16xi32>
          %add3A_616 = arith.addi %add3A_611, %masked_cumsum3A_615 : vector<16xi32>
          %sub3A_617 = arith.subi %add3A_616, %convert_element_type3A_612 : vector<16xi32>
          %mul3A_618 = arith.constant 32 : i32
          %mul3A_619 = arith.muli %scan3A_64, %mul3A_618 : i32
          %add3A_620 = vector.broadcast %mul3A_619 : i32 to vector<16xi32>
          %add3A_621 = arith.addi %add3A_620, %sub3A_617 : vector<16xi32>
          %lt3A_622 = arith.constant 32 : i32
          %lt3A_623 = vector.broadcast %lt3A_622 : i32 to vector<16xi32>
          %lt3A_624 = arith.cmpi slt, %sub3A_617, %lt3A_623 : vector<16xi32>
          %and3A_625 = arith.andi %le3A_408, %lt3A_624 : vector<16xi1>
          tpu.vector_store_idx %arg10[%add3A_621], %add3A_410 masked %and3A_625 : memref<2048xi32, #tpu.memory_space<vmem>>[vector<16xi32>], vector<16xi32>, vector<16xi1>
          %add3A_626 = arith.addi %add3A_611, %all_reduce_population_count3A_457 : vector<16xi32>
          %convert_element_type3A_627 = arith.extui %le3A_441 : vector<16xi1> to vector<16xi32>
          %broadcast_in_dim3A_628 = arith.constant true
          %broadcast_in_dim3A_629 = vector.broadcast %broadcast_in_dim3A_628 : i1 to vector<16xi1>
          %masked_cumsum3A_630 = tpu.scan <sum>, %convert_element_type3A_627 masked %broadcast_in_dim3A_629 : vector<16xi32>, vector<16xi1> -> vector<16xi32>
          %add3A_631 = arith.addi %add3A_626, %masked_cumsum3A_630 : vector<16xi32>
          %sub3A_632 = arith.subi %add3A_631, %convert_element_type3A_627 : vector<16xi32>
          %mul3A_633 = arith.constant 32 : i32
          %mul3A_634 = arith.muli %scan3A_64, %mul3A_633 : i32
          %add3A_635 = vector.broadcast %mul3A_634 : i32 to vector<16xi32>
          %add3A_636 = arith.addi %add3A_635, %sub3A_632 : vector<16xi32>
          %lt3A_637 = arith.constant 32 : i32
          %lt3A_638 = vector.broadcast %lt3A_637 : i32 to vector<16xi32>
          %lt3A_639 = arith.cmpi slt, %sub3A_632, %lt3A_638 : vector<16xi32>
          %and3A_640 = arith.andi %le3A_441, %lt3A_639 : vector<16xi1>
          tpu.vector_store_idx %arg10[%add3A_636], %add3A_443 masked %and3A_640 : memref<2048xi32, #tpu.memory_space<vmem>>[vector<16xi32>], vector<16xi32>, vector<16xi1>
          %add3A_641 = arith.addi %add3A_626, %all_reduce_population_count3A_458 : vector<16xi32>
        } else {
        }
        %convert_element_type3A_502 = arith.extui %reduce_or3A_485 : i1 to i32
        %cond3A_503 = arith.constant 0 : i32
        %cond3A_504 = arith.cmpi ne, %convert_element_type3A_502, %cond3A_503 : i32
        scf.if %cond3A_504 {
          %convert_element_type3A_523 = arith.extui %le3A_208 : vector<16xi1> to vector<16xi32>
          %broadcast_in_dim3A_524 = arith.constant true
          %broadcast_in_dim3A_525 = vector.broadcast %broadcast_in_dim3A_524 : i1 to vector<16xi1>
          %masked_cumsum3A = tpu.scan <sum>, %convert_element_type3A_523 masked %broadcast_in_dim3A_525 : vector<16xi32>, vector<16xi1> -> vector<16xi32>
          %add3A_526 = arith.addi %while3A_179, %masked_cumsum3A : vector<16xi32>
          %sub3A_527 = arith.subi %add3A_526, %convert_element_type3A_523 : vector<16xi32>
          %mul3A_528 = arith.constant 16 : i32
          %mul3A_529 = arith.muli %scan3A_64, %mul3A_528 : i32
          %add3A_530 = vector.broadcast %mul3A_529 : i32 to vector<16xi32>
          %add3A_531 = arith.addi %add3A_530, %sub3A_527 : vector<16xi32>
          %lt3A_532 = arith.constant 16 : i32
          %lt3A_533 = vector.broadcast %lt3A_532 : i32 to vector<16xi32>
          %lt3A_534 = arith.cmpi slt, %sub3A_527, %lt3A_533 : vector<16xi32>
          %and3A_535 = arith.andi %le3A_208, %lt3A_534 : vector<16xi1>
          tpu.vector_store_idx %arg9[%add3A_531], %add3A_212 masked %and3A_535 : memref<1024xi32, #tpu.memory_space<vmem>>[vector<16xi32>], vector<16xi32>, vector<16xi1>
          %add3A_536 = arith.addi %while3A_179, %all_reduce_population_count3A : vector<16xi32>
          %convert_element_type3A_537 = arith.extui %le3A_241 : vector<16xi1> to vector<16xi32>
          %broadcast_in_dim3A_538 = arith.constant true
          %broadcast_in_dim3A_539 = vector.broadcast %broadcast_in_dim3A_538 : i1 to vector<16xi1>
          %masked_cumsum3A_540 = tpu.scan <sum>, %convert_element_type3A_537 masked %broadcast_in_dim3A_539 : vector<16xi32>, vector<16xi1> -> vector<16xi32>
          %add3A_541 = arith.addi %add3A_536, %masked_cumsum3A_540 : vector<16xi32>
          %sub3A_542 = arith.subi %add3A_541, %convert_element_type3A_537 : vector<16xi32>
          %mul3A_543 = arith.constant 16 : i32
          %mul3A_544 = arith.muli %scan3A_64, %mul3A_543 : i32
          %add3A_545 = vector.broadcast %mul3A_544 : i32 to vector<16xi32>
          %add3A_546 = arith.addi %add3A_545, %sub3A_542 : vector<16xi32>
          %lt3A_547 = arith.constant 16 : i32
          %lt3A_548 = vector.broadcast %lt3A_547 : i32 to vector<16xi32>
          %lt3A_549 = arith.cmpi slt, %sub3A_542, %lt3A_548 : vector<16xi32>
          %and3A_550 = arith.andi %le3A_241, %lt3A_549 : vector<16xi1>
          tpu.vector_store_idx %arg9[%add3A_546], %add3A_245 masked %and3A_550 : memref<1024xi32, #tpu.memory_space<vmem>>[vector<16xi32>], vector<16xi32>, vector<16xi1>
          %add3A_551 = arith.addi %add3A_536, %all_reduce_population_count3A_444 : vector<16xi32>
          %convert_element_type3A_552 = arith.extui %le3A_274 : vector<16xi1> to vector<16xi32>
          %broadcast_in_dim3A_553 = arith.constant true
          %broadcast_in_dim3A_554 = vector.broadcast %broadcast_in_dim3A_553 : i1 to vector<16xi1>
          %masked_cumsum3A_555 = tpu.scan <sum>, %convert_element_type3A_552 masked %broadcast_in_dim3A_554 : vector<16xi32>, vector<16xi1> -> vector<16xi32>
          %add3A_556 = arith.addi %add3A_551, %masked_cumsum3A_555 : vector<16xi32>
          %sub3A_557 = arith.subi %add3A_556, %convert_element_type3A_552 : vector<16xi32>
          %mul3A_558 = arith.constant 16 : i32
          %mul3A_559 = arith.muli %scan3A_64, %mul3A_558 : i32
          %add3A_560 = vector.broadcast %mul3A_559 : i32 to vector<16xi32>
          %add3A_561 = arith.addi %add3A_560, %sub3A_557 : vector<16xi32>
          %lt3A_562 = arith.constant 16 : i32
          %lt3A_563 = vector.broadcast %lt3A_562 : i32 to vector<16xi32>
          %lt3A_564 = arith.cmpi slt, %sub3A_557, %lt3A_563 : vector<16xi32>
          %and3A_565 = arith.andi %le3A_274, %lt3A_564 : vector<16xi1>
          tpu.vector_store_idx %arg9[%add3A_561], %add3A_278 masked %and3A_565 : memref<1024xi32, #tpu.memory_space<vmem>>[vector<16xi32>], vector<16xi32>, vector<16xi1>
          %add3A_566 = arith.addi %add3A_551, %all_reduce_population_count3A_445 : vector<16xi32>
          %convert_element_type3A_567 = arith.extui %le3A_307 : vector<16xi1> to vector<16xi32>
          %broadcast_in_dim3A_568 = arith.constant true
          %broadcast_in_dim3A_569 = vector.broadcast %broadcast_in_dim3A_568 : i1 to vector<16xi1>
          %masked_cumsum3A_570 = tpu.scan <sum>, %convert_element_type3A_567 masked %broadcast_in_dim3A_569 : vector<16xi32>, vector<16xi1> -> vector<16xi32>
          %add3A_571 = arith.addi %add3A_566, %masked_cumsum3A_570 : vector<16xi32>
          %sub3A_572 = arith.subi %add3A_571, %convert_element_type3A_567 : vector<16xi32>
          %mul3A_573 = arith.constant 16 : i32
          %mul3A_574 = arith.muli %scan3A_64, %mul3A_573 : i32
          %add3A_575 = vector.broadcast %mul3A_574 : i32 to vector<16xi32>
          %add3A_576 = arith.addi %add3A_575, %sub3A_572 : vector<16xi32>
          %lt3A_577 = arith.constant 16 : i32
          %lt3A_578 = vector.broadcast %lt3A_577 : i32 to vector<16xi32>
          %lt3A_579 = arith.cmpi slt, %sub3A_572, %lt3A_578 : vector<16xi32>
          %and3A_580 = arith.andi %le3A_307, %lt3A_579 : vector<16xi1>
          tpu.vector_store_idx %arg9[%add3A_576], %add3A_311 masked %and3A_580 : memref<1024xi32, #tpu.memory_space<vmem>>[vector<16xi32>], vector<16xi32>, vector<16xi1>
          %add3A_581 = arith.addi %add3A_566, %all_reduce_population_count3A_446 : vector<16xi32>
          %convert_element_type3A_582 = arith.extui %le3A_340 : vector<16xi1> to vector<16xi32>
          %broadcast_in_dim3A_583 = arith.constant true
          %broadcast_in_dim3A_584 = vector.broadcast %broadcast_in_dim3A_583 : i1 to vector<16xi1>
          %masked_cumsum3A_585 = tpu.scan <sum>, %convert_element_type3A_582 masked %broadcast_in_dim3A_584 : vector<16xi32>, vector<16xi1> -> vector<16xi32>
          %add3A_586 = arith.addi %add3A_581, %masked_cumsum3A_585 : vector<16xi32>
          %sub3A_587 = arith.subi %add3A_586, %convert_element_type3A_582 : vector<16xi32>
          %mul3A_588 = arith.constant 16 : i32
          %mul3A_589 = arith.muli %scan3A_64, %mul3A_588 : i32
          %add3A_590 = vector.broadcast %mul3A_589 : i32 to vector<16xi32>
          %add3A_591 = arith.addi %add3A_590, %sub3A_587 : vector<16xi32>
          %lt3A_592 = arith.constant 16 : i32
          %lt3A_593 = vector.broadcast %lt3A_592 : i32 to vector<16xi32>
          %lt3A_594 = arith.cmpi slt, %sub3A_587, %lt3A_593 : vector<16xi32>
          %and3A_595 = arith.andi %le3A_340, %lt3A_594 : vector<16xi1>
          tpu.vector_store_idx %arg9[%add3A_591], %add3A_344 masked %and3A_595 : memref<1024xi32, #tpu.memory_space<vmem>>[vector<16xi32>], vector<16xi32>, vector<16xi1>
          %add3A_596 = arith.addi %add3A_581, %all_reduce_population_count3A_447 : vector<16xi32>
          %convert_element_type3A_597 = arith.extui %le3A_373 : vector<16xi1> to vector<16xi32>
          %broadcast_in_dim3A_598 = arith.constant true
          %broadcast_in_dim3A_599 = vector.broadcast %broadcast_in_dim3A_598 : i1 to vector<16xi1>
          %masked_cumsum3A_600 = tpu.scan <sum>, %convert_element_type3A_597 masked %broadcast_in_dim3A_599 : vector<16xi32>, vector<16xi1> -> vector<16xi32>
          %add3A_601 = arith.addi %add3A_596, %masked_cumsum3A_600 : vector<16xi32>
          %sub3A_602 = arith.subi %add3A_601, %convert_element_type3A_597 : vector<16xi32>
          %mul3A_603 = arith.constant 16 : i32
          %mul3A_604 = arith.muli %scan3A_64, %mul3A_603 : i32
          %add3A_605 = vector.broadcast %mul3A_604 : i32 to vector<16xi32>
          %add3A_606 = arith.addi %add3A_605, %sub3A_602 : vector<16xi32>
          %lt3A_607 = arith.constant 16 : i32
          %lt3A_608 = vector.broadcast %lt3A_607 : i32 to vector<16xi32>
          %lt3A_609 = arith.cmpi slt, %sub3A_602, %lt3A_608 : vector<16xi32>
          %and3A_610 = arith.andi %le3A_373, %lt3A_609 : vector<16xi1>
          tpu.vector_store_idx %arg9[%add3A_606], %add3A_377 masked %and3A_610 : memref<1024xi32, #tpu.memory_space<vmem>>[vector<16xi32>], vector<16xi32>, vector<16xi1>
          %add3A_611 = arith.addi %add3A_596, %all_reduce_population_count3A_448 : vector<16xi32>
          %convert_element_type3A_612 = arith.extui %le3A_406 : vector<16xi1> to vector<16xi32>
          %broadcast_in_dim3A_613 = arith.constant true
          %broadcast_in_dim3A_614 = vector.broadcast %broadcast_in_dim3A_613 : i1 to vector<16xi1>
          %masked_cumsum3A_615 = tpu.scan <sum>, %convert_element_type3A_612 masked %broadcast_in_dim3A_614 : vector<16xi32>, vector<16xi1> -> vector<16xi32>
          %add3A_616 = arith.addi %add3A_611, %masked_cumsum3A_615 : vector<16xi32>
          %sub3A_617 = arith.subi %add3A_616, %convert_element_type3A_612 : vector<16xi32>
          %mul3A_618 = arith.constant 16 : i32
          %mul3A_619 = arith.muli %scan3A_64, %mul3A_618 : i32
          %add3A_620 = vector.broadcast %mul3A_619 : i32 to vector<16xi32>
          %add3A_621 = arith.addi %add3A_620, %sub3A_617 : vector<16xi32>
          %lt3A_622 = arith.constant 16 : i32
          %lt3A_623 = vector.broadcast %lt3A_622 : i32 to vector<16xi32>
          %lt3A_624 = arith.cmpi slt, %sub3A_617, %lt3A_623 : vector<16xi32>
          %and3A_625 = arith.andi %le3A_406, %lt3A_624 : vector<16xi1>
          tpu.vector_store_idx %arg9[%add3A_621], %add3A_410 masked %and3A_625 : memref<1024xi32, #tpu.memory_space<vmem>>[vector<16xi32>], vector<16xi32>, vector<16xi1>
          %add3A_626 = arith.addi %add3A_611, %all_reduce_population_count3A_449 : vector<16xi32>
          %convert_element_type3A_627 = arith.extui %le3A_439 : vector<16xi1> to vector<16xi32>
          %broadcast_in_dim3A_628 = arith.constant true
          %broadcast_in_dim3A_629 = vector.broadcast %broadcast_in_dim3A_628 : i1 to vector<16xi1>
          %masked_cumsum3A_630 = tpu.scan <sum>, %convert_element_type3A_627 masked %broadcast_in_dim3A_629 : vector<16xi32>, vector<16xi1> -> vector<16xi32>
          %add3A_631 = arith.addi %add3A_626, %masked_cumsum3A_630 : vector<16xi32>
          %sub3A_632 = arith.subi %add3A_631, %convert_element_type3A_627 : vector<16xi32>
          %mul3A_633 = arith.constant 16 : i32
          %mul3A_634 = arith.muli %scan3A_64, %mul3A_633 : i32
          %add3A_635 = vector.broadcast %mul3A_634 : i32 to vector<16xi32>
          %add3A_636 = arith.addi %add3A_635, %sub3A_632 : vector<16xi32>
          %lt3A_637 = arith.constant 16 : i32
          %lt3A_638 = vector.broadcast %lt3A_637 : i32 to vector<16xi32>
          %lt3A_639 = arith.cmpi slt, %sub3A_632, %lt3A_638 : vector<16xi32>
          %and3A_640 = arith.andi %le3A_439, %lt3A_639 : vector<16xi1>
          tpu.vector_store_idx %arg9[%add3A_636], %add3A_443 masked %and3A_640 : memref<1024xi32, #tpu.memory_space<vmem>>[vector<16xi32>], vector<16xi32>, vector<16xi1>
          %add3A_641 = arith.addi %add3A_626, %all_reduce_population_count3A_450 : vector<16xi32>
        } else {
        }
        %add3A_505 = arith.addi %all_reduce_population_count3A, %all_reduce_population_count3A_444 : vector<16xi32>
        %add3A_506 = arith.addi %all_reduce_population_count3A_445, %all_reduce_population_count3A_446 : vector<16xi32>
        %add3A_507 = arith.addi %all_reduce_population_count3A_447, %all_reduce_population_count3A_448 : vector<16xi32>
        %add3A_508 = arith.addi %all_reduce_population_count3A_449, %all_reduce_population_count3A_450 : vector<16xi32>
        %add3A_509 = arith.addi %add3A_505, %add3A_506 : vector<16xi32>
        %add3A_510 = arith.addi %add3A_507, %add3A_508 : vector<16xi32>
        %add3A_511 = arith.addi %add3A_509, %add3A_510 : vector<16xi32>
        %add3A_512 = arith.addi %while3A_179, %add3A_511 : vector<16xi32>
        %add3A_513 = arith.addi %all_reduce_population_count3A_451, %all_reduce_population_count3A_452 : vector<16xi32>
        %add3A_514 = arith.addi %all_reduce_population_count3A_453, %all_reduce_population_count3A_454 : vector<16xi32>
        %add3A_515 = arith.addi %all_reduce_population_count3A_455, %all_reduce_population_count3A_456 : vector<16xi32>
        %add3A_516 = arith.addi %all_reduce_population_count3A_457, %all_reduce_population_count3A_458 : vector<16xi32>
        %add3A_517 = arith.addi %add3A_513, %add3A_514 : vector<16xi32>
        %add3A_518 = arith.addi %add3A_515, %add3A_516 : vector<16xi32>
        %add3A_519 = arith.addi %add3A_517, %add3A_518 : vector<16xi32>
        %add3A_520 = arith.addi %while3A_180, %add3A_519 : vector<16xi32>
        %add3A_521 = arith.constant 128 : i32
        %add3A_522 = arith.addi %while3A_178, %add3A_521 : i32
        scf.yield %add3A_522, %add3A_512, %add3A_520 : i32, vector<16xi32>, vector<16xi32>
      }
      %add3A_126 = arith.constant 16384 : i32
      %add3A_127 = arith.addi %mul3A_43, %add3A_126 : i32
      %sub3A_128 = arith.constant 1 : i32
      %sub3A_129 = arith.subi %add3A_127, %sub3A_128 : i32
      %broadcast_in_dim3A_130 = vector.broadcast %sub3A_129 : i32 to vector<16xi32>
      %mul3A_131 = arith.constant 16 : i32
      %mul3A_132 = arith.muli %scan3A_64, %mul3A_131 : i32
      %broadcast_in_dim3A_133 = vector.broadcast %mul3A_132 : i32 to vector<16xi32>
      %gather3A_134 = tpu.vector_load_idx %arg9[%broadcast_in_dim3A_133] : memref<1024xi32, #tpu.memory_space<vmem>>[vector<16xi32>], vector<16xi32>,
      %gt3A = arith.constant 0 : i32
      %gt3A_135 = vector.broadcast %gt3A : i32 to vector<16xi32>
      %gt3A_136 = arith.cmpi sgt, %while3A_125#1, %gt3A_135 : vector<16xi32>
      %select_n3A_137 = arith.select %gt3A_136, %gather3A_134, %broadcast_in_dim3A_130 : vector<16xi1>, vector<16xi32>
      %mul3A_138 = arith.constant 16 : i32
      %mul3A_139 = arith.muli %scan3A_64, %mul3A_138 : i32
      %add3A_140 = vector.broadcast %mul3A_139 : i32 to vector<16xi32>
      %add3A_141 = arith.addi %add3A_140, %iota3A : vector<16xi32>
      %gather3A_142 = tpu.vector_load_idx %arg9[%add3A_141] : memref<1024xi32, #tpu.memory_space<vmem>>[vector<16xi32>], vector<16xi32>,
      %lt3A_143 = arith.cmpi slt, %iota3A, %while3A_125#1 : vector<16xi32>
      %select_n3A_144 = arith.select %lt3A_143, %gather3A_142, %select_n3A_137 : vector<16xi1>, vector<16xi32>
      tpu.vector_store_idx %arg9[%add3A_141], %select_n3A_144 : memref<1024xi32, #tpu.memory_space<vmem>>[vector<16xi32>], vector<16xi32>,
      %mul3A_145 = arith.constant 32 : i32
      %mul3A_146 = arith.muli %scan3A_64, %mul3A_145 : i32
      %broadcast_in_dim3A_147 = vector.broadcast %mul3A_146 : i32 to vector<16xi32>
      %gather3A_148 = tpu.vector_load_idx %arg10[%broadcast_in_dim3A_147] : memref<2048xi32, #tpu.memory_space<vmem>>[vector<16xi32>], vector<16xi32>,
      %gt3A_149 = arith.constant 0 : i32
      %gt3A_150 = vector.broadcast %gt3A_149 : i32 to vector<16xi32>
      %gt3A_151 = arith.cmpi sgt, %while3A_125#2, %gt3A_150 : vector<16xi32>
      %select_n3A_152 = arith.select %gt3A_151, %gather3A_148, %broadcast_in_dim3A_130 : vector<16xi1>, vector<16xi32>
      %mul3A_153 = arith.constant 32 : i32
      %mul3A_154 = arith.muli %scan3A_64, %mul3A_153 : i32
      %add3A_155 = arith.constant 0 : i32
      %add3A_156 = arith.addi %mul3A_154, %add3A_155 : i32
      %add3A_157 = vector.broadcast %add3A_156 : i32 to vector<16xi32>
      %add3A_158 = arith.addi %add3A_157, %iota3A : vector<16xi32>
      %gather3A_159 = tpu.vector_load_idx %arg10[%add3A_158] : memref<2048xi32, #tpu.memory_space<vmem>>[vector<16xi32>], vector<16xi32>,
      %add3A_160 = arith.constant 0 : i32
      %add3A_161 = vector.broadcast %add3A_160 : i32 to vector<16xi32>
      %add3A_162 = arith.addi %add3A_161, %iota3A : vector<16xi32>
      %lt3A_163 = arith.cmpi slt, %add3A_162, %while3A_125#2 : vector<16xi32>
      %select_n3A_164 = arith.select %lt3A_163, %gather3A_159, %select_n3A_152 : vector<16xi1>, vector<16xi32>
      tpu.vector_store_idx %arg10[%add3A_158], %select_n3A_164 : memref<2048xi32, #tpu.memory_space<vmem>>[vector<16xi32>], vector<16xi32>,
      %mul3A_165 = arith.constant 32 : i32
      %mul3A_166 = arith.muli %scan3A_64, %mul3A_165 : i32
      %add3A_167 = arith.constant 16 : i32
      %add3A_168 = arith.addi %mul3A_166, %add3A_167 : i32
      %add3A_169 = vector.broadcast %add3A_168 : i32 to vector<16xi32>
      %add3A_170 = arith.addi %add3A_169, %iota3A : vector<16xi32>
      %gather3A_171 = tpu.vector_load_idx %arg10[%add3A_170] : memref<2048xi32, #tpu.memory_space<vmem>>[vector<16xi32>], vector<16xi32>,
      %add3A_172 = arith.constant 16 : i32
      %add3A_173 = vector.broadcast %add3A_172 : i32 to vector<16xi32>
      %add3A_174 = arith.addi %add3A_173, %iota3A : vector<16xi32>
      %lt3A_175 = arith.cmpi slt, %add3A_174, %while3A_125#2 : vector<16xi32>
      %select_n3A_176 = arith.select %lt3A_175, %gather3A_171, %select_n3A_152 : vector<16xi1>, vector<16xi32>
      tpu.vector_store_idx %arg10[%add3A_170], %select_n3A_176 : memref<2048xi32, #tpu.memory_space<vmem>>[vector<16xi32>], vector<16xi32>,
      %scan3A_177 = arith.constant 0 : i32
      scf.yield %scan3A_177 : i32
    }
    %scan3A_59 = arith.constant 64 : i32
    %mul3A_60 = arith.constant 1024 : i32
    %mul3A_61 = arith.muli %add3A, %mul3A_60 : i32
    "tpu.region"() ({
      %run_scoped3A = tpu.sem_alloc : memref<!tpu.dma_semaphore, #tpu.memory_space<semaphore_mem>>
      %dma_start3A = tpu.memref_slice %arg4[%mul3A_61] : memref<32768xi32, #tpu.memory_space<hbm>> -> memref<1024xi32, #tpu.memory_space<hbm>>
      %dma_start3A_64 = tpu.memref_slice %arg4[%mul3A_61] : memref<32768xi32, #tpu.memory_space<hbm>> -> memref<1024xi32, #tpu.memory_space<hbm>>
      tpu.enqueue_dma source(%arg9 : memref<1024xi32, #tpu.memory_space<vmem>>) target(%dma_start3A_64 : memref<1024xi32, #tpu.memory_space<hbm>>) target_semaphore(%run_scoped3A : memref<!tpu.dma_semaphore, #tpu.memory_space<semaphore_mem>>)
      %dma_wait3A = tpu.memref_slice %arg4[%mul3A_61] : memref<32768xi32, #tpu.memory_space<hbm>> -> memref<1024xi32, #tpu.memory_space<hbm>>
      %dma_wait3A_65 = tpu.memref_slice %arg4[%mul3A_61] : memref<32768xi32, #tpu.memory_space<hbm>> -> memref<1024xi32, #tpu.memory_space<hbm>>
      tpu.wait_dma2 semaphore(%run_scoped3A : memref<!tpu.dma_semaphore, #tpu.memory_space<semaphore_mem>>) src(%arg9 : memref<1024xi32, #tpu.memory_space<vmem>>) dst(%dma_wait3A_65 : memref<1024xi32, #tpu.memory_space<hbm>>)
      tpu.yield
    }) : () -> ()
    %mul3A_62 = arith.constant 2048 : i32
    %mul3A_63 = arith.muli %add3A, %mul3A_62 : i32
    "tpu.region"() ({
      %run_scoped3A = tpu.sem_alloc : memref<!tpu.dma_semaphore, #tpu.memory_space<semaphore_mem>>
      %dma_start3A = tpu.memref_slice %arg5[%mul3A_63] : memref<65536xi32, #tpu.memory_space<hbm>> -> memref<2048xi32, #tpu.memory_space<hbm>>
      %dma_start3A_64 = tpu.memref_slice %arg5[%mul3A_63] : memref<65536xi32, #tpu.memory_space<hbm>> -> memref<2048xi32, #tpu.memory_space<hbm>>
      tpu.enqueue_dma source(%arg10 : memref<2048xi32, #tpu.memory_space<vmem>>) target(%dma_start3A_64 : memref<2048xi32, #tpu.memory_space<hbm>>) target_semaphore(%run_scoped3A : memref<!tpu.dma_semaphore, #tpu.memory_space<semaphore_mem>>)
      %dma_wait3A = tpu.memref_slice %arg5[%mul3A_63] : memref<65536xi32, #tpu.memory_space<hbm>> -> memref<2048xi32, #tpu.memory_space<hbm>>
      %dma_wait3A_65 = tpu.memref_slice %arg5[%mul3A_63] : memref<65536xi32, #tpu.memory_space<hbm>> -> memref<2048xi32, #tpu.memory_space<hbm>>
      tpu.wait_dma2 semaphore(%run_scoped3A : memref<!tpu.dma_semaphore, #tpu.memory_space<semaphore_mem>>) src(%arg10 : memref<2048xi32, #tpu.memory_space<vmem>>) dst(%dma_wait3A_65 : memref<2048xi32, #tpu.memory_space<hbm>>)
      tpu.yield
    }) : () -> ()
    return
  }
}

module attributes {stable_mosaic.version = 14 : i64} {
  func.func @_u_kernel(%arg0: i32, %arg1: i32, %arg2: memref<1x128x2048xf32, #tpu.memory_space<vmem>>, %arg3: memref<2048x3xf32, #tpu.memory_space<vmem>>, %arg4: memref<128x128xbf16, #tpu.memory_space<vmem>>, %arg5: memref<3x128xbf16, #tpu.memory_space<vmem>>, %arg6: memref<1x128xf32, #tpu.memory_space<vmem>>, %arg7: memref<128x128xbf16, #tpu.memory_space<vmem>>, %arg8: memref<3x128xbf16, #tpu.memory_space<vmem>>, %arg9: memref<1x128xf32, #tpu.memory_space<vmem>>, %arg10: memref<2048x128xf32, #tpu.memory_space<vmem>>, %arg11: memref<2048x128xf32, #tpu.memory_space<vmem>>) attributes {dimension_semantics = [#tpu.dimension_semantics<arbitrary>, #tpu.dimension_semantics<arbitrary>], iteration_bounds = array<i64: 4, 8>, scalar_prefetch = 0 : i64, scratch_operands = 0 : i64, tpu.core_type = #tpu.core_type<tc>, window_params = [{transform_indices = @transform_0, window_bounds = array<i64: 1, 128, 2048>}, {transform_indices = @transform_1, window_bounds = array<i64: 2048, 3>}, {pipeline_mode = #tpu.pipeline_mode<synchronous>, transform_indices = @transform_2, window_bounds = array<i64: 128, 128>}, {pipeline_mode = #tpu.pipeline_mode<synchronous>, transform_indices = @transform_3, window_bounds = array<i64: 3, 128>}, {pipeline_mode = #tpu.pipeline_mode<synchronous>, transform_indices = @transform_4, window_bounds = array<i64: 1, 128>}, {pipeline_mode = #tpu.pipeline_mode<synchronous>, transform_indices = @transform_5, window_bounds = array<i64: 128, 128>}, {pipeline_mode = #tpu.pipeline_mode<synchronous>, transform_indices = @transform_6, window_bounds = array<i64: 3, 128>}, {pipeline_mode = #tpu.pipeline_mode<synchronous>, transform_indices = @transform_7, window_bounds = array<i64: 1, 128>}, {transform_indices = @transform_8, window_bounds = array<i64: 2048, 128>}, {transform_indices = @transform_9, window_bounds = array<i64: 2048, 128>}]} {
    %get3A = arith.constant 0 : index
    %get3A_0 = arith.constant 0 : index
    %get3A_1 = arith.constant 0 : index
    %get3A_2 = vector.load %arg2[%get3A, %get3A_0, %get3A_1] : memref<1x128x2048xf32, #tpu.memory_space<vmem>>, vector<1x128x2048xf32>
    %get3A_3 = vector.shape_cast %get3A_2 : vector<1x128x2048xf32> to vector<128x2048xf32>
    %convert_element_type3A = arith.truncf %get3A_3 : vector<128x2048xf32> to vector<128x2048xbf16>
    %get3A_4 = arith.constant 0 : index
    %get3A_5 = arith.constant 0 : index
    %get3A_6 = vector.load %arg3[%get3A_4, %get3A_5] : memref<2048x3xf32, #tpu.memory_space<vmem>>, vector<2048x3xf32>
    %convert_element_type3A_7 = arith.truncf %get3A_6 : vector<2048x3xf32> to vector<2048x3xbf16>
    %get3A_8 = arith.constant 0 : index
    %get3A_9 = arith.constant 0 : index
    %get3A_10 = vector.load %arg4[%get3A_8, %get3A_9] : memref<128x128xbf16, #tpu.memory_space<vmem>>, vector<128x128xbf16>
    %dot_general3A = arith.constant dense<0.000000e+00> : vector<2048x128xf32>
    %dot_general3A_11 = tpu.matmul %convert_element_type3A, %get3A_10, %dot_general3A {dimension_numbers = #tpu.dot_dimension_numbers<[0], [0], [1], [1], [0, 1, 1, 1], [], []>, transpose_lhs_hint = true} : vector<128x2048xbf16>, vector<128x128xbf16>, vector<2048x128xf32> -> vector<2048x128xf32>
    %get3A_12 = arith.constant 0 : index
    %get3A_13 = arith.constant 0 : index
    %get3A_14 = vector.load %arg5[%get3A_12, %get3A_13] : memref<3x128xbf16, #tpu.memory_space<vmem>>, vector<3x128xbf16>
    %dot_general3A_15 = arith.constant dense<0.000000e+00> : vector<2048x128xf32>
    %dot_general3A_16 = tpu.matmul %convert_element_type3A_7, %get3A_14, %dot_general3A_15 {dimension_numbers = #tpu.dot_dimension_numbers<[1], [0], [0], [1], [0, 0, 1, 1], [], []>, transpose_lhs_hint = false} : vector<2048x3xbf16>, vector<3x128xbf16>, vector<2048x128xf32> -> vector<2048x128xf32>
    %add3A = arith.addf %dot_general3A_11, %dot_general3A_16 : vector<2048x128xf32>
    %get3A_17 = arith.constant 0 : index
    %get3A_18 = arith.constant 0 : index
    %get3A_19 = vector.load %arg6[%get3A_17, %get3A_18] : memref<1x128xf32, #tpu.memory_space<vmem>>, vector<1x128xf32>
    %add3A_20 = vector.broadcast %get3A_19 : vector<1x128xf32> to vector<2048x128xf32>
    %add3A_21 = arith.addf %add3A, %add3A_20 : vector<2048x128xf32>
    %swap3A = arith.constant 0 : index
    %swap3A_22 = arith.constant 0 : index
    %swap3A_23 = vector.load %arg10[%swap3A, %swap3A_22] : memref<2048x128xf32, #tpu.memory_space<vmem>>, vector<2048x128xf32>
    tpu.vector_store %arg10[%swap3A, %swap3A_22], %add3A_21 {strides = array<i32>} : memref<2048x128xf32, #tpu.memory_space<vmem>>, vector<2048x128xf32>,
    %get3A_24 = arith.constant 0 : index
    %get3A_25 = arith.constant 0 : index
    %get3A_26 = vector.load %arg7[%get3A_24, %get3A_25] : memref<128x128xbf16, #tpu.memory_space<vmem>>, vector<128x128xbf16>
    %dot_general3A_27 = arith.constant dense<0.000000e+00> : vector<2048x128xf32>
    %dot_general3A_28 = tpu.matmul %convert_element_type3A, %get3A_26, %dot_general3A_27 {dimension_numbers = #tpu.dot_dimension_numbers<[0], [0], [1], [1], [0, 1, 1, 1], [], []>, transpose_lhs_hint = true} : vector<128x2048xbf16>, vector<128x128xbf16>, vector<2048x128xf32> -> vector<2048x128xf32>
    %get3A_29 = arith.constant 0 : index
    %get3A_30 = arith.constant 0 : index
    %get3A_31 = vector.load %arg8[%get3A_29, %get3A_30] : memref<3x128xbf16, #tpu.memory_space<vmem>>, vector<3x128xbf16>
    %dot_general3A_32 = arith.constant dense<0.000000e+00> : vector<2048x128xf32>
    %dot_general3A_33 = tpu.matmul %convert_element_type3A_7, %get3A_31, %dot_general3A_32 {dimension_numbers = #tpu.dot_dimension_numbers<[1], [0], [0], [1], [0, 0, 1, 1], [], []>, transpose_lhs_hint = false} : vector<2048x3xbf16>, vector<3x128xbf16>, vector<2048x128xf32> -> vector<2048x128xf32>
    %add3A_34 = arith.addf %dot_general3A_28, %dot_general3A_33 : vector<2048x128xf32>
    %get3A_35 = arith.constant 0 : index
    %get3A_36 = arith.constant 0 : index
    %get3A_37 = vector.load %arg9[%get3A_35, %get3A_36] : memref<1x128xf32, #tpu.memory_space<vmem>>, vector<1x128xf32>
    %add3A_38 = vector.broadcast %get3A_37 : vector<1x128xf32> to vector<2048x128xf32>
    %add3A_39 = arith.addf %add3A_34, %add3A_38 : vector<2048x128xf32>
    %swap3A_40 = arith.constant 0 : index
    %swap3A_41 = arith.constant 0 : index
    %swap3A_42 = vector.load %arg11[%swap3A_40, %swap3A_41] : memref<2048x128xf32, #tpu.memory_space<vmem>>, vector<2048x128xf32>
    tpu.vector_store %arg11[%swap3A_40, %swap3A_41], %add3A_39 {strides = array<i32>} : memref<2048x128xf32, #tpu.memory_space<vmem>>, vector<2048x128xf32>,
    return
  }
  func.func @transform_0(%arg0: i32, %arg1: i32) -> (i32, i32, i32) {
    %c0_i32 = arith.constant 0 : i32
    %c0_i32_0 = arith.constant 0 : i32
    return %arg0, %c0_i32, %arg1 : i32, i32, i32
  }
  func.func @transform_1(%arg0: i32, %arg1: i32) -> (i32, i32) {
    %mul3A = arith.constant 8 : i32
    %mul3A_0 = arith.muli %arg0, %mul3A : i32
    %add3A = arith.addi %mul3A_0, %arg1 : i32
    %c0_i32 = arith.constant 0 : i32
    %c0_i32_1 = arith.constant 0 : i32
    return %add3A, %c0_i32 : i32, i32
  }
  func.func @transform_2(%arg0: i32, %arg1: i32) -> (i32, i32) {
    %c0_i32 = arith.constant 0 : i32
    %c0_i32_0 = arith.constant 0 : i32
    %c0_i32_1 = arith.constant 0 : i32
    return %c0_i32, %c0_i32_0 : i32, i32
  }
  func.func @transform_3(%arg0: i32, %arg1: i32) -> (i32, i32) {
    %c0_i32 = arith.constant 0 : i32
    %c0_i32_0 = arith.constant 0 : i32
    %c0_i32_1 = arith.constant 0 : i32
    return %c0_i32, %c0_i32_0 : i32, i32
  }
  func.func @transform_4(%arg0: i32, %arg1: i32) -> (i32, i32) {
    %c0_i32 = arith.constant 0 : i32
    %c0_i32_0 = arith.constant 0 : i32
    %c0_i32_1 = arith.constant 0 : i32
    return %c0_i32, %c0_i32_0 : i32, i32
  }
  func.func @transform_5(%arg0: i32, %arg1: i32) -> (i32, i32) {
    %c0_i32 = arith.constant 0 : i32
    %c0_i32_0 = arith.constant 0 : i32
    %c0_i32_1 = arith.constant 0 : i32
    return %c0_i32, %c0_i32_0 : i32, i32
  }
  func.func @transform_6(%arg0: i32, %arg1: i32) -> (i32, i32) {
    %c0_i32 = arith.constant 0 : i32
    %c0_i32_0 = arith.constant 0 : i32
    %c0_i32_1 = arith.constant 0 : i32
    return %c0_i32, %c0_i32_0 : i32, i32
  }
  func.func @transform_7(%arg0: i32, %arg1: i32) -> (i32, i32) {
    %c0_i32 = arith.constant 0 : i32
    %c0_i32_0 = arith.constant 0 : i32
    %c0_i32_1 = arith.constant 0 : i32
    return %c0_i32, %c0_i32_0 : i32, i32
  }
  func.func @transform_8(%arg0: i32, %arg1: i32) -> (i32, i32) {
    %mul3A = arith.constant 8 : i32
    %mul3A_0 = arith.muli %arg0, %mul3A : i32
    %add3A = arith.addi %mul3A_0, %arg1 : i32
    %c0_i32 = arith.constant 0 : i32
    %c0_i32_1 = arith.constant 0 : i32
    return %add3A, %c0_i32 : i32, i32
  }
  func.func @transform_9(%arg0: i32, %arg1: i32) -> (i32, i32) {
    %mul3A = arith.constant 8 : i32
    %mul3A_0 = arith.muli %arg0, %mul3A : i32
    %add3A = arith.addi %mul3A_0, %arg1 : i32
    %c0_i32 = arith.constant 0 : i32
    %c0_i32_1 = arith.constant 0 : i32
    return %add3A, %c0_i32 : i32, i32
  }
}

module attributes {stable_mosaic.version = 14 : i64} {
  func.func @_head_kernel(%arg0: i32, %arg1: memref<1024x128xf32, #tpu.memory_space<vmem>>, %arg2: memref<32x3xf32, #tpu.memory_space<vmem>>, %arg3: memref<3x128xf32, #tpu.memory_space<vmem>>, %arg4: memref<128x256xbf16, #tpu.memory_space<vmem>>, %arg5: memref<1x256xf32, #tpu.memory_space<vmem>>, %arg6: memref<32x256xf32, #tpu.memory_space<vmem>>) attributes {dimension_semantics = [#tpu.dimension_semantics<arbitrary>], iteration_bounds = array<i64: 64>, scalar_prefetch = 0 : i64, scratch_operands = 0 : i64, tpu.core_type = #tpu.core_type<tc>, window_params = [{transform_indices = @transform_0, window_bounds = array<i64: 1024, 128>}, {transform_indices = @transform_1, window_bounds = array<i64: 32, 3>}, {pipeline_mode = #tpu.pipeline_mode<synchronous>, transform_indices = @transform_2, window_bounds = array<i64: 3, 128>}, {pipeline_mode = #tpu.pipeline_mode<synchronous>, transform_indices = @transform_3, window_bounds = array<i64: 128, 256>}, {pipeline_mode = #tpu.pipeline_mode<synchronous>, transform_indices = @transform_4, window_bounds = array<i64: 1, 256>}, {transform_indices = @transform_5, window_bounds = array<i64: 32, 256>}]} {
    %get3A = arith.constant 0 : index
    %get3A_0 = arith.constant 0 : index
    %get3A_1 = vector.load %arg1[%get3A, %get3A_0] : memref<1024x128xf32, #tpu.memory_space<vmem>>, vector<1024x128xf32>
    %get3A_2 = arith.constant 0 : index
    %get3A_3 = arith.constant 0 : index
    %get3A_4 = vector.load %arg2[%get3A_2, %get3A_3] : memref<32x3xf32, #tpu.memory_space<vmem>>, vector<32x3xf32>
    %get3A_5 = arith.constant 0 : index
    %get3A_6 = arith.constant 0 : index
    %get3A_7 = vector.load %arg3[%get3A_5, %get3A_6] : memref<3x128xf32, #tpu.memory_space<vmem>>, vector<3x128xf32>
    %dot_general3A = arith.constant dense<0.000000e+00> : vector<32x128xf32>
    %dot_general3A_8 = tpu.matmul %get3A_4, %get3A_7, %dot_general3A {dimension_numbers = #tpu.dot_dimension_numbers<[1], [0], [0], [1], [0, 0, 1, 1], [], []>, transpose_lhs_hint = false} : vector<32x3xf32>, vector<3x128xf32>, vector<32x128xf32> -> vector<32x128xf32>
    %reshape3A = vector.shape_cast %get3A_1 : vector<1024x128xf32> to vector<32x32x128xf32>
    %broadcast_in_dim3A = vector.shape_cast %dot_general3A_8 : vector<32x128xf32> to vector<32x1x128xf32>
    %sub3A = vector.broadcast %broadcast_in_dim3A : vector<32x1x128xf32> to vector<32x32x128xf32>
    %sub3A_9 = arith.subf %reshape3A, %sub3A : vector<32x32x128xf32>
    %max3A = arith.constant 0.000000e+00 : f32
    %max3A_10 = vector.broadcast %max3A : f32 to vector<32x32x128xf32>
    %max3A_11 = arith.maximumf %sub3A_9, %max3A_10 : vector<32x32x128xf32>
    %reshape3A_12 = vector.shape_cast %max3A_11 : vector<32x32x128xf32> to vector<1024x128xf32>
    %convert_element_type3A = arith.truncf %reshape3A_12 : vector<1024x128xf32> to vector<1024x128xbf16>
    %get3A_13 = arith.constant 0 : index
    %get3A_14 = arith.constant 0 : index
    %get3A_15 = vector.load %arg4[%get3A_13, %get3A_14] : memref<128x256xbf16, #tpu.memory_space<vmem>>, vector<128x256xbf16>
    %dot_general3A_16 = arith.constant dense<0.000000e+00> : vector<1024x256xf32>
    %dot_general3A_17 = tpu.matmul %convert_element_type3A, %get3A_15, %dot_general3A_16 {dimension_numbers = #tpu.dot_dimension_numbers<[1], [0], [0], [1], [0, 0, 1, 1], [], []>, transpose_lhs_hint = false} : vector<1024x128xbf16>, vector<128x256xbf16>, vector<1024x256xf32> -> vector<1024x256xf32>
    %get3A_18 = arith.constant 0 : index
    %get3A_19 = arith.constant 0 : index
    %get3A_20 = vector.load %arg5[%get3A_18, %get3A_19] : memref<1x256xf32, #tpu.memory_space<vmem>>, vector<1x256xf32>
    %add3A = vector.broadcast %get3A_20 : vector<1x256xf32> to vector<1024x256xf32>
    %add3A_21 = arith.addf %dot_general3A_17, %add3A : vector<1024x256xf32>
    %max3A_22 = arith.constant 0.000000e+00 : f32
    %max3A_23 = vector.broadcast %max3A_22 : f32 to vector<1024x256xf32>
    %max3A_24 = arith.maximumf %add3A_21, %max3A_23 : vector<1024x256xf32>
    %reshape3A_25 = vector.shape_cast %max3A_24 : vector<1024x256xf32> to vector<32x32x256xf32>
    %reduce_max3A = arith.constant dense<0xFF800000> : vector<32x256xf32>
    %reduce_max3A_26 = vector.multi_reduction <maximumf>, %reshape3A_25, %reduce_max3A [1] : vector<32x32x256xf32> to vector<32x256xf32>
    %swap3A = arith.constant 0 : index
    %swap3A_27 = arith.constant 0 : index
    %swap3A_28 = vector.load %arg6[%swap3A, %swap3A_27] : memref<32x256xf32, #tpu.memory_space<vmem>>, vector<32x256xf32>
    tpu.vector_store %arg6[%swap3A, %swap3A_27], %reduce_max3A_26 {strides = array<i32>} : memref<32x256xf32, #tpu.memory_space<vmem>>, vector<32x256xf32>,
    return
  }
  func.func @transform_0(%arg0: i32) -> (i32, i32) {
    %c0_i32 = arith.constant 0 : i32
    %c0_i32_0 = arith.constant 0 : i32
    return %arg0, %c0_i32 : i32, i32
  }
  func.func @transform_1(%arg0: i32) -> (i32, i32) {
    %c0_i32 = arith.constant 0 : i32
    %c0_i32_0 = arith.constant 0 : i32
    return %arg0, %c0_i32 : i32, i32
  }
  func.func @transform_2(%arg0: i32) -> (i32, i32) {
    %c0_i32 = arith.constant 0 : i32
    %c0_i32_0 = arith.constant 0 : i32
    %c0_i32_1 = arith.constant 0 : i32
    return %c0_i32, %c0_i32_0 : i32, i32
  }
  func.func @transform_3(%arg0: i32) -> (i32, i32) {
    %c0_i32 = arith.constant 0 : i32
    %c0_i32_0 = arith.constant 0 : i32
    %c0_i32_1 = arith.constant 0 : i32
    return %c0_i32, %c0_i32_0 : i32, i32
  }
  func.func @transform_4(%arg0: i32) -> (i32, i32) {
    %c0_i32 = arith.constant 0 : i32
    %c0_i32_0 = arith.constant 0 : i32
    %c0_i32_1 = arith.constant 0 : i32
    return %c0_i32, %c0_i32_0 : i32, i32
  }
  func.func @transform_5(%arg0: i32) -> (i32, i32) {
    %c0_i32 = arith.constant 0 : i32
    %c0_i32_0 = arith.constant 0 : i32
    return %arg0, %c0_i32 : i32, i32
  }
}

module attributes {stable_mosaic.version = 14 : i64} {
  func.func @_head_kernel(%arg0: i32, %arg1: memref<512x128xf32, #tpu.memory_space<vmem>>, %arg2: memref<32x3xf32, #tpu.memory_space<vmem>>, %arg3: memref<3x128xf32, #tpu.memory_space<vmem>>, %arg4: memref<128x128xbf16, #tpu.memory_space<vmem>>, %arg5: memref<1x128xf32, #tpu.memory_space<vmem>>, %arg6: memref<32x128xf32, #tpu.memory_space<vmem>>) attributes {dimension_semantics = [#tpu.dimension_semantics<arbitrary>], iteration_bounds = array<i64: 64>, scalar_prefetch = 0 : i64, scratch_operands = 0 : i64, tpu.core_type = #tpu.core_type<tc>, window_params = [{transform_indices = @transform_0, window_bounds = array<i64: 512, 128>}, {transform_indices = @transform_1, window_bounds = array<i64: 32, 3>}, {pipeline_mode = #tpu.pipeline_mode<synchronous>, transform_indices = @transform_2, window_bounds = array<i64: 3, 128>}, {pipeline_mode = #tpu.pipeline_mode<synchronous>, transform_indices = @transform_3, window_bounds = array<i64: 128, 128>}, {pipeline_mode = #tpu.pipeline_mode<synchronous>, transform_indices = @transform_4, window_bounds = array<i64: 1, 128>}, {transform_indices = @transform_5, window_bounds = array<i64: 32, 128>}]} {
    %get3A = arith.constant 0 : index
    %get3A_0 = arith.constant 0 : index
    %get3A_1 = vector.load %arg1[%get3A, %get3A_0] : memref<512x128xf32, #tpu.memory_space<vmem>>, vector<512x128xf32>
    %get3A_2 = arith.constant 0 : index
    %get3A_3 = arith.constant 0 : index
    %get3A_4 = vector.load %arg2[%get3A_2, %get3A_3] : memref<32x3xf32, #tpu.memory_space<vmem>>, vector<32x3xf32>
    %get3A_5 = arith.constant 0 : index
    %get3A_6 = arith.constant 0 : index
    %get3A_7 = vector.load %arg3[%get3A_5, %get3A_6] : memref<3x128xf32, #tpu.memory_space<vmem>>, vector<3x128xf32>
    %dot_general3A = arith.constant dense<0.000000e+00> : vector<32x128xf32>
    %dot_general3A_8 = tpu.matmul %get3A_4, %get3A_7, %dot_general3A {dimension_numbers = #tpu.dot_dimension_numbers<[1], [0], [0], [1], [0, 0, 1, 1], [], []>, transpose_lhs_hint = false} : vector<32x3xf32>, vector<3x128xf32>, vector<32x128xf32> -> vector<32x128xf32>
    %reshape3A = vector.shape_cast %get3A_1 : vector<512x128xf32> to vector<32x16x128xf32>
    %broadcast_in_dim3A = vector.shape_cast %dot_general3A_8 : vector<32x128xf32> to vector<32x1x128xf32>
    %sub3A = vector.broadcast %broadcast_in_dim3A : vector<32x1x128xf32> to vector<32x16x128xf32>
    %sub3A_9 = arith.subf %reshape3A, %sub3A : vector<32x16x128xf32>
    %max3A = arith.constant 0.000000e+00 : f32
    %max3A_10 = vector.broadcast %max3A : f32 to vector<32x16x128xf32>
    %max3A_11 = arith.maximumf %sub3A_9, %max3A_10 : vector<32x16x128xf32>
    %reshape3A_12 = vector.shape_cast %max3A_11 : vector<32x16x128xf32> to vector<512x128xf32>
    %convert_element_type3A = arith.truncf %reshape3A_12 : vector<512x128xf32> to vector<512x128xbf16>
    %get3A_13 = arith.constant 0 : index
    %get3A_14 = arith.constant 0 : index
    %get3A_15 = vector.load %arg4[%get3A_13, %get3A_14] : memref<128x128xbf16, #tpu.memory_space<vmem>>, vector<128x128xbf16>
    %dot_general3A_16 = arith.constant dense<0.000000e+00> : vector<512x128xf32>
    %dot_general3A_17 = tpu.matmul %convert_element_type3A, %get3A_15, %dot_general3A_16 {dimension_numbers = #tpu.dot_dimension_numbers<[1], [0], [0], [1], [0, 0, 1, 1], [], []>, transpose_lhs_hint = false} : vector<512x128xbf16>, vector<128x128xbf16>, vector<512x128xf32> -> vector<512x128xf32>
    %get3A_18 = arith.constant 0 : index
    %get3A_19 = arith.constant 0 : index
    %get3A_20 = vector.load %arg5[%get3A_18, %get3A_19] : memref<1x128xf32, #tpu.memory_space<vmem>>, vector<1x128xf32>
    %add3A = vector.broadcast %get3A_20 : vector<1x128xf32> to vector<512x128xf32>
    %add3A_21 = arith.addf %dot_general3A_17, %add3A : vector<512x128xf32>
    %max3A_22 = arith.constant 0.000000e+00 : f32
    %max3A_23 = vector.broadcast %max3A_22 : f32 to vector<512x128xf32>
    %max3A_24 = arith.maximumf %add3A_21, %max3A_23 : vector<512x128xf32>
    %reshape3A_25 = vector.shape_cast %max3A_24 : vector<512x128xf32> to vector<32x16x128xf32>
    %reduce_max3A = arith.constant dense<0xFF800000> : vector<32x128xf32>
    %reduce_max3A_26 = vector.multi_reduction <maximumf>, %reshape3A_25, %reduce_max3A [1] : vector<32x16x128xf32> to vector<32x128xf32>
    %swap3A = arith.constant 0 : index
    %swap3A_27 = arith.constant 0 : index
    %swap3A_28 = vector.load %arg6[%swap3A, %swap3A_27] : memref<32x128xf32, #tpu.memory_space<vmem>>, vector<32x128xf32>
    tpu.vector_store %arg6[%swap3A, %swap3A_27], %reduce_max3A_26 {strides = array<i32>} : memref<32x128xf32, #tpu.memory_space<vmem>>, vector<32x128xf32>,
    return
  }
  func.func @transform_0(%arg0: i32) -> (i32, i32) {
    %c0_i32 = arith.constant 0 : i32
    %c0_i32_0 = arith.constant 0 : i32
    return %arg0, %c0_i32 : i32, i32
  }
  func.func @transform_1(%arg0: i32) -> (i32, i32) {
    %c0_i32 = arith.constant 0 : i32
    %c0_i32_0 = arith.constant 0 : i32
    return %arg0, %c0_i32 : i32, i32
  }
  func.func @transform_2(%arg0: i32) -> (i32, i32) {
    %c0_i32 = arith.constant 0 : i32
    %c0_i32_0 = arith.constant 0 : i32
    %c0_i32_1 = arith.constant 0 : i32
    return %c0_i32, %c0_i32_0 : i32, i32
  }
  func.func @transform_3(%arg0: i32) -> (i32, i32) {
    %c0_i32 = arith.constant 0 : i32
    %c0_i32_0 = arith.constant 0 : i32
    %c0_i32_1 = arith.constant 0 : i32
    return %c0_i32, %c0_i32_0 : i32, i32
  }
  func.func @transform_4(%arg0: i32) -> (i32, i32) {
    %c0_i32 = arith.constant 0 : i32
    %c0_i32_0 = arith.constant 0 : i32
    %c0_i32_1 = arith.constant 0 : i32
    return %c0_i32, %c0_i32_0 : i32, i32
  }
  func.func @transform_5(%arg0: i32) -> (i32, i32) {
    %c0_i32 = arith.constant 0 : i32
    %c0_i32_0 = arith.constant 0 : i32
    return %arg0, %c0_i32 : i32, i32
  }
}

</mosaic_0001>

<sc_bundles>
// kernel: kernel.10.cloned.1.call-start
scs
__scs_entry_jumppad:
0x0: {  	(pc) =	sbr.rel $0x88, $3  }
0x1: {  	(tag) =	ssettag $0x0;
	lr =	simm.s32 $0x1  }
0x2: {  	[smem:$0x3F96] =	sst lr;
	_ =	strace $0xD0000000  }
0x3: {  	_ = 	snop  }
0x4: {  	_ = 	snop  }
0x5: {  	_ = 	snop  }
0x6: {  	_ = 	snop  }
0x7: {  	_ = 	snop  }
__scs_overlays_trampoline_lowered:
0x8: {  	[smem:$0x3FA5] =	sst s0  }
0x9: {  	[smem:$0x3FA6] =	sst s1  }
0xa: {  	[smem:$0x3FA7] =	sst s2  }
0xb: {  	[smem:$0x3FA8] =	sst s3  }
0xc: {  	[smem:$0x3FA9] =	sst s4  }
0xd: {  	[smem:$0x3FAA] =	sst s5  }
0xe: {  	[smem:$0x3FAB] =	sst s6  }
0xf: {  	[smem:$0x3FAC] =	sst s7  }
0x10: {  	[smem:$0x3FAD] =	sst s8  }
0x11: {  	[smem:$0x3FAE] =	sst s9;
	s0 =	simm.s32 @!p0 $0x0  }
0x12: {  	s1 =	sld [smem:$0x3F94];
	s0 =	simm.s32 @p0 $0x1  }
0x13: {  	[smem:$0x3FAF] =	sst s0;
	s0 =	simm.s32 @!p1 $0x0  }
0x14: {  	s2 =	sld [smem:$0x3F93];
	s0 =	simm.s32 @p1 $0x1  }
0x15: {  	[smem:$0x3FB0] =	sst s0;
	s0 =	simm.s32 @!p2 $0x0  }
0x16: {  	s3 =	sld [smem:$0x3FDB];
	s0 =	simm.s32 @p2 $0x1  }
0x17: {  	s4 =	simm.s32 $0x1BF5;
	[smem:$0x3FB2] =	sst s0  }
0x18: {  	s0 =	sld [smem:$0x3F95];
	_ =	swait.ge [sflag:s4], $0x0  }
0x19: {  	s7 =	sld [smem:$0x3F96]  }
0x1a: {  	s8 =	sadd.s32 $0xFFFFE003, lr  }
0x1b: {  	s9 =	sadd.s32 $0xFFFFFEF7, lr;
	s5 =	simm.s32 $0xFFFFFFFF;
	p2 =	slt.u32 s8, $0xFFFFF086  }
0x1c: {  	p1 =	slt.u32 s9, $0xF7A;
	s5 =	simm.s32 @!p2 $0x0  }
0x1d: {  	s5 =	simm.s32 @p1 $0x1;
	p0 =	seq.s32 s7, s2  }
0x1e: {  	s7 =	smul.u32 @!p0 $0xF7A, s2;
	p2 =	seq.s32 @!p0 s5, $0x0  }
0x1f: {  	s9 =	smul.u32 $0xF7A, s1;
	s8 =	simm.s32 @!p0 $0x1BF5;
	p2 =	por !p2, p0  }
0x20: {  	[sflag:s8] =	ssyncset.s32 @!p0 $0xFFFFF086;
	s6 =	sadd.s32 @!p0 s3, s7;
	s7 =	simm.s32 @!p0 $0x108  }
0x21: {  	s3 =	sadd.s32 s3, s9;
	s6 =	sadd.s32 @!p0 $0x88, s6;
	s7 =	simm.s32 @p2 $0x1082  }
0x22: {  	[simem:s7], [sflag:s8] =	dma.local @!p0 [hbm:s6], $0xF7A  }
0x23: {  	s9 =	sor.u32 $0xD0000000, s2;
	s6 =	simm.s32 $0x108;
	_ =	swait.ge @!p0 [sflag:s8], $0x0  }
0x24: {  	s3 =	sadd.s32 $0x88, s3;
	s6 =	simm.s32 @!p1 $0x1082;
	[sflag:s4] =	ssyncset.s32 $0xFFFFF086  }
0x25: {  	[simem:s6], [sflag:s4] =	dma.local [hbm:s3], $0xF7A  }
0x26: {  	[smem:$0x3F96] =	sst s1;
	(tag) =	ssettag s2;
	_ =	strace s9  }
0x27: {  	s1 =	sld [smem:$0x3FA6]  }
0x28: {  	s2 =	sld [smem:$0x3FA7]  }
0x29: {  	s4 =	sld [smem:$0x3FA9]  }
0x2a: {  	p0 =	seq.s32 s5, $0x0;
	s5 =	sld [smem:$0x3FAA]  }
0x2b: {  	s6 =	sld [smem:$0x3FAB]  }
0x2c: {  	s7 =	sld [smem:$0x3FAC]  }
0x2d: {  	s3 =	simm.s32 $0x108;
	s8 =	sld [smem:$0x3FAD]  }
0x2e: {  	s3 =	simm.s32 @!p0 $0x1082;
	s9 =	sld [smem:$0x3FAE]  }
0x2f: {  	lr =	sadd.s32 s0, s3;
	s0 =	sld [smem:$0x3FA5]  }
0x30: {  	s3 =	sld [smem:$0x3FA8]  }
0x31: {  	[smem:$0x3FB1] =	sst s10  }
0x32: {  	s10 =	sld [smem:$0x3FAF];
	_ =	sdelay $0x3  }
0x33: {  	p0 =	seq.s32 s10, $0x1;
	s10 =	sld [smem:$0x3FB1];
	_ =	sdelay $0x3  }
0x34: {  	[smem:$0x3FB1] =	sst s10  }
0x35: {  	s10 =	sld [smem:$0x3FB0];
	_ =	sdelay $0x3  }
0x36: {  	p1 =	seq.s32 s10, $0x1;
	s10 =	sld [smem:$0x3FB1];
	_ =	sdelay $0x3  }
0x37: {  	[smem:$0x3FB1] =	sst s10  }
0x38: {  	s10 =	sld [smem:$0x3FB2]  }
0x39: {  	_ = 	snop;
	(pc) =	sbr.ind lr, $3  }
0x3a: {  	_ = 	snop  }
0x3b: {  	_ = 	snop  }
0x3c: {  	p2 =	seq.s32 s10, $0x1;
	s10 =	sld [smem:$0x3FB1]  }
0x3d: {  	_ =	shalt  }
0x3e: {  	_ =	shalt  }
0x3f: {  	_ =	shalt  }
0x40: {  	_ =	shalt  }
0x41: {  	_ =	shalt  }
0x42: {  	_ =	shalt  }
0x43: {  	_ =	shalt  }
0x44: {  	_ =	shalt  }
0x45: {  	_ =	shalt  }
0x46: {  	_ =	shalt  }
0x47: {  	_ =	shalt  }
0x48: {  	_ =	shalt  }
0x49: {  	_ =	shalt  }
0x4a: {  	_ =	shalt  }
0x4b: {  	_ =	shalt  }
0x4c: {  	_ =	shalt  }
0x4d: {  	_ =	shalt  }
0x4e: {  	_ =	shalt  }
0x4f: {  	_ =	shalt  }
0x50: {  	_ =	shalt  }
0x51: {  	_ =	shalt  }
0x52: {  	_ =	shalt  }
0x53: {  	_ =	shalt  }
0x54: {  	_ =	shalt  }
0x55: {  	_ =	shalt  }
0x56: {  	_ =	shalt  }
0x57: {  	_ =	shalt  }
0x58: {  	_ =	shalt  }
0x59: {  	_ =	shalt  }
0x5a: {  	_ =	shalt  }
0x5b: {  	_ =	shalt  }
0x5c: {  	_ =	shalt  }
0x5d: {  	_ =	shalt  }
0x5e: {  	_ =	shalt  }
0x5f: {  	_ =	shalt  }
0x60: {  	_ =	shalt  }
0x61: {  	_ =	shalt  }
0x62: {  	_ =	shalt  }
0x63: {  	_ =	shalt  }
0x64: {  	_ =	shalt  }
0x65: {  	_ =	shalt  }
0x66: {  	_ =	shalt  }
0x67: {  	_ =	shalt  }
0x68: {  	_ =	shalt  }
0x69: {  	_ =	shalt  }
0x6a: {  	_ =	shalt  }
0x6b: {  	_ =	shalt  }
0x6c: {  	_ =	shalt  }
0x6d: {  	_ =	shalt  }
0x6e: {  	_ =	shalt  }
0x6f: {  	_ =	shalt  }
0x70: {  	_ =	shalt  }
0x71: {  	_ =	shalt  }
0x72: {  	_ =	shalt  }
0x73: {  	_ =	shalt  }
0x74: {  	_ =	shalt  }
0x75: {  	_ =	shalt  }
0x76: {  	_ =	shalt  }
0x77: {  	_ =	shalt  }
0x78: {  	_ =	shalt  }
0x79: {  	_ =	shalt  }
0x7a: {  	_ =	shalt  }
0x7b: {  	_ =	shalt  }
0x7c: {  	_ =	shalt  }
0x7d: {  	_ =	shalt  }
0x7e: {  	_ =	shalt  }
0x7f: {  	_ =	shalt  }
0x80: {  	_ =	shalt  }
0x81: {  	_ =	shalt  }
0x82: {  	_ =	shalt  }
0x83: {  	_ =	shalt  }
0x84: {  	_ =	shalt  }
0x85: {  	_ =	shalt  }
0x86: {  	_ =	shalt  }
0x87: {  	_ =	shalt  }
.Lfunc_end0:
.L_simem_size_0:
called_computation.1_lowered:
.L_overlay_start_0:
0x88: {  	s2 =	sld [smem:$0x3FD9]  }
0x89: {  	s3 =	sld [smem:$0x3FFE];
	_ =	sdelay $0x1  }
0x8a: {  	s1 =	srdreg.scid  }
0x8b: {  	s0 =	sand.u32 $0x1, s1  }
0x8c: {  	s16 =	sshll.u32 s0, $0xA;
	s2 =	sadd.s32 s3, s2  }
0x8d: {  	s2 =	sadd.s32 s2, s16  }
0x8e: {  	[smem:$0x3FBD] =	sst s2  }
0x8f: {  	_ = 	snop  }
0x90: {  	(tm) =	ssettm $0x1  }
0x91: {  	s17 =	sld [smem:$0x3FFB];
	_ =	sdelay $0x3  }
0x92: {  	_ =	strace s17  }
0x93: {  	s2 =	sld [smem:$0x3FFC];
	_ =	sdelay $0x3  }
0x94: {  	_ =	strace s2  }
0x95: {  	s2 =	sld [smem:$0x3FFD];
	_ =	sdelay $0x3  }
0x96: {  	_ =	strace s2  }
0x97: {  	_ =	strace $0x8FFFFFFF  }
0x98: {  	s18 =	sld [smem:$0x3FDB];
	_ =	sdelay $0x1  }
0x99: {  	s19 =	simm.s32 $_scs_section_size  }
0x9a: {  	s4 =	simm.s32 $_size__tile_overlayer_lowered;
	s5 =	simm.s32 $_tile_overlayer_lowered  }
0x9b: {  	s22 =	simm.s32 $0x1BFF;
	s21 =	sshll.u32 s5, $0x1;
	s2 =	sadd.s32 s19, s18  }
0x9c: {  	s6 =	simm.s32 $0x0;
	s20 =	sshll.u32 s4, $0x1;
	s4 =	sadd.s32 s21, s2  }
0x9d: {  	[timem:s6], [sflag:s22] =	dma.local [hbm:s4], s20  }
0x9e: {  	_ =	swait.ge [sflag:s22], s20  }
0x9f: {  	s3 =	ssub.s32 $0x0, s20;
	[sflag:s22] =	ssyncset.done $0x0  }
0xa0: {  	[sflag:s22] =	ssyncadd.s32 s3;
	_ =	sdelay $0x1  }
0xa1: {  	s23 =	simm.s32 $0x1B8B  }
0xa2: {  	_ =	swait.ge [sflag:s23], $0x1  }
0xa3: {  	[sflag:s23] =	ssyncset.done $0x0  }
0xa4: {  	s25 =	simm.s32 $0x1B8E;
	s24 =	sld [smem:$0x3FFE];
	[sflag:s23] =	ssyncadd.s32 $0xFFFFFFFF  }
0xa5: {  	s26 =	simm.s32 $execute0_lowered;
	[smem:$0x3FD2] =	sst s25  }
0xa6: {  	s4 =	sshll.u32 s26, $0x1;
	_ =	strace $0x80000049;
	[dreg:$0x1] =	wrdreg $0xFFFFFFFF  }
0xa7: {  	s28 =	simm.s32 $_size_execute0_lowered;
	s2 =	sadd.s32 s2, s4;
	[dreg:$0x0] =	wrdreg $0x0  }
0xa8: {  	s4 =	sshll.u32 s28, $0x1;
	[dreg:$0x2] =	wrdreg s2  }
0xa9: {  	[dreg:$0x3] =	wrdreg s4  }
0xaa: {  	[dreg:$0x4] =	wrdreg $0xC0  }
0xab: {  	_ =	task [dreg:s6], $0x5FFFF  }
0xac: {  	[dreg:$0x1] =	wrdreg $0xFFFFFFFF  }
0xad: {  	[dreg:$0x0] =	wrdreg $0x60  }
0xae: {  	[dreg:$0x2] =	wrdreg s24  }
0xaf: {  	[dreg:$0x3] =	wrdreg $0x9  }
0xb0: {  	_ =	task.clear_ibuf [dreg:s6], $0x4FFFF;
	_ =	strace $0x90000049  }
0xb1: {  	s29 =	simm.s32 $0x9;
	_ =	strace $0x8000004B  }
0xb2: {  	_ =	swait.ge [sflag:s29], $0x1  }
0xb3: {  	[sflag:s29] =	ssyncadd.s32 $0xFFFFFFFF  }
0xb4: {  	_ =	strace $0x9000004B  }
0xb5: {  	_ =	sfence  }
0xb6: {  	s30 =	sld [smem:$0x0];
	_ =	sdelay $0x2  }
0xb7: {  	s31 =	sshll.u32 s1, $0xD;
	s1 =	sshrl.u32 s1, $0x2  }
0xb8: {  	s3 =	sand.u32 $0x4000, s31;
	s1 =	sadd.s32 s1, s30  }
0xb9: {  	s0 =	sor.u32 s3, s0;
	s1 =	sshll.u32 s1, $0x11  }
0xba: {  	s0 =	sor.u32 s1, s0  }
0xbb: {  	s0 =	sadd.s32 $0x8F2B, s0  }
0xbc: {  	[sflag:s0] =	ssyncadd.remote.s32 $0x1  }
0xbd: {  	_ =	sfence.sel $0xFFFF  }
0xbe: {  	[dreg:$0x0] =	wrdreg $0xFFFFFFFF;
	(pc) =	sbr.abs _section_cstart, $3  }
0xbf: {  	[dreg:$0x1] =	wrdreg $0xFFFFFFFF  }
0xc0: {  	_ =	task.clear_ibuf [dreg:s6], $0x2FFFF;
	_ =	strace $0x9FFFFFFF  }
0xc1: {  	(tm) =	ssettm $0x7FFFFFFF  }
tec
execute0_lowered:
.L_overlay_start_1:
0x0: {  	(tag) =	ssettag $0x1  }
0x1: {  	s0 =	srdreg.scid;
	s2 =	stileid.u32  }
0x2: {  	s0 =	sand.u32 $0x1, s0;
	s3 =	sshll.u32 s2, $0x1  }
0x3: {  	s1 =	rddreg [dreg:$0x0];
	s2 =	simm.s32 $0x0;
	s3 =	sor.u32 s0, s3  }
0x4: {  	[smem:$0x7FF] =	sst s2;
	s4 =	sshll.u32 s3, $0x7  }
0x5: {  	_ =	strace $0x8000004A;
	s5 =	sshll.u32 s3, $0x8;
	s4 =	sadd.s32 s4, s1  }
0x6: {  	s6 =	sshll.u32 s3, $0xE;
	s5 =	sadd.s32 s5, s1;
	s4 =	sadd.s32 $0x102E00, s4  }
0x7: {  	s6 =	sadd.s32 s6, s1;
	s19 =	sadd.s32 $0x103E00, s5;
	[dreg:$0x2] =	wrdreg s4  }
0x8: {  	s20 =	sadd.s32 $0x305E00, s6;
	[dreg:$0x3] =	wrdreg s19  }
0x9: {  	s21 =	sadd.s32 $0x306600, s6;
	[dreg:$0x4] =	wrdreg s20  }
0xa: {  	s22 =	sadd.s32 $0x306E00, s6;
	[dreg:$0x5] =	wrdreg s21  }
0xb: {  	s23 =	sadd.s32 $0x307600, s6;
	[dreg:$0x6] =	wrdreg s22  }
0xc: {  	s24 =	sadd.s32 $0x307E00, s6;
	[dreg:$0x7] =	wrdreg s23  }
0xd: {  	s25 =	sadd.s32 $0x308600, s6;
	[dreg:$0x8] =	wrdreg s24  }
0xe: {  	s3 =	sshll.u32 s3, $0xF;
	s26 =	sadd.s32 $0x308E00, s6;
	[dreg:$0x9] =	wrdreg s25  }
0xf: {  	s3 =	sadd.s32 s3, s1;
	s5 =	sadd.s32 $0x309600, s6;
	[dreg:$0xa] =	wrdreg s26  }
0x10: {  	s6 =	sadd.s32 $0x2A00, s3;
	[dreg:$0xb] =	wrdreg s5  }
0x11: {  	s7 =	sadd.s32 $0x3200, s3;
	[dreg:$0xc] =	wrdreg s6  }
0x12: {  	s8 =	sadd.s32 $0x3A00, s3;
	[dreg:$0xd] =	wrdreg s7  }
0x13: {  	s9 =	sadd.s32 $0x4200, s3;
	[dreg:$0xe] =	wrdreg s8  }
0x14: {  	s10 =	sadd.s32 $0x4A00, s3;
	[dreg:$0xf] =	wrdreg s9  }
0x15: {  	s11 =	sadd.s32 $0x5200, s3;
	[dreg:$0x10] =	wrdreg s10  }
0x16: {  	s12 =	sadd.s32 $0x5A00, s3;
	[dreg:$0x11] =	wrdreg s11  }
0x17: {  	s31 =	simm.s32 $0x200;
	s13 =	sadd.s32 $0x6200, s3;
	[dreg:$0x12] =	wrdreg s12  }
0x18: {  	s30 =	simm.s32 $0x280;
	s14 =	sadd.s32 $0x6A00, s3;
	[dreg:$0x13] =	wrdreg s13  }
0x19: {  	s29 =	simm.s32 $0x300;
	s15 =	sadd.s32 $0x7200, s3;
	[dreg:$0x14] =	wrdreg s14  }
0x1a: {  	s28 =	simm.s32 $0x380;
	s16 =	sadd.s32 $0x7A00, s3;
	[dreg:$0x15] =	wrdreg s15  }
0x1b: {  	p0 =	por $0x0, $0x0;
	s17 =	sadd.s32 $0x8200, s3;
	[dreg:$0x16] =	wrdreg s16  }
0x1c: {  	s0 =	ssub.s32 $0x2, s0;
	s18 =	sadd.s32 $0x8A00, s3;
	[dreg:$0x17] =	wrdreg s17  }
0x1d: {  	s23 =	sadd.s32 $0x105E00, s1;
	s4 =	sadd.s32 $0x205E00, s1;
	[dreg:$0x18] =	wrdreg s18  }
0x1e: {  	s19 =	sadd.s32 $0x9200, s3;
	s20 =	sshrl.u32 s0, $0x1;
	s21 =	sadd.s32 $0x9A00, s3  }
0x1f: {  	s22 =	sadd.s32 $0xA200, s3;
	s3 =	simm.s32 $0x3;
	s25 =	simm.s32 $0x400  }
0x20: {  	s9 =	simm.s32 $0x80;
	s7 =	simm.s32 $0xC00;
	s5 =	simm.s32 $0x4C00  }
0x21: {  	s8 =	simm.s32 $0x1;
	s24 =	simm.s32 $0x100;
	s6 =	simm.s32 $0x2  }
0x22: {  	s26 =	simm.s32 $0x180;
	s18 =	simm.s32 $0x780;
	s17 =	simm.s32 $0x800  }
0x23: {  	s16 =	simm.s32 $0x880;
	s15 =	simm.s32 $0x900;
	s0 =	ssub.s32 s0, s20  }
0x24: {  	s14 =	simm.s32 $0x980;
	[dreg:$0x19] =	wrdreg s19;
	s0 =	smax.u32 s0, $0x1  }
0x25: {  	s13 =	simm.s32 $0xA00;
	[dreg:$0x1a] =	wrdreg s21;
	p1 =	sne.s32 s0, $0x1  }
.Ltmp0:
0x26: {  	s12 =	simm.s32 $0xA80;
	[dreg:$0x1b] =	wrdreg s22;
	(pc) =	sbr.rel @!p1 .LBB2_3-.Ltmp0, $4  }
0x27: {  	s11 =	simm.s32 $0xB00;
	s10 =	simm.s32 $0xB80;
	[dreg:$0x1c] =	wrdreg s24  }
0x28: {  	[dreg:$0x1d] =	wrdreg s26;
	s26 =	simm.s32 $0x480;
	s24 =	simm.s32 $0x500  }
0x29: {  	s22 =	simm.s32 $0x580;
	s21 =	simm.s32 $0x600;
	s20 =	simm.s32 $0x680  }
0x2a: {  	s19 =	simm.s32 $0x700;
	s1 =	sadd.s32 $0xFFFFFFFF, s0;
	s0 =	rddreg [dreg:$0x2]  }
0x2b: {  	[tilespmem:s2], [sflag:$0x3] =	stream.linear.gather [hbm4b:s0+s2], $0x400, $0x38;
	[tilespmem:$0x8C00] =	vst v63  }
0x2c: {  	_ =	swait.ge [sflag:s3], $0x400  }
0x2d: {  	[sflag:s3] =	ssyncset.done $0x0  }
0x2e: {  	s0 =	rddreg [dreg:$0x3];
	[sflag:s3] =	ssyncadd.s32 $0xFFFFFC00  }
0x2f: {  	[tilespmem:s25], [sflag:$0x3] =	stream.linear.gather [hbm4b:s0+s2], $0x800, $0x38;
	[tilespmem:$0x8C00] =	vst v63  }
0x30: {  	_ =	swait.ge [sflag:s3], $0x800  }
0x31: {  	[sflag:s3] =	ssyncset.done $0x0  }
0x32: {  	[sflag:s3] =	ssyncadd.s32 $0xFFFFF800  }
0x33: {  	[tilespmem:s7], [sflag:$0x1] =	stream.indirect.gather [hbm4b:s23+s9], $0x80, s2, s9, $0xb8;
	[tilespmem:$0x8C00] =	vst v63  }
0x34: {  	_ = 	snop  }
0x35: {  	[tilespmem:s5], [sflag:$0x2] =	stream.indirect.gather [hbm4b:s23+s9], $0x80, s9, s9, $0xb8;
	[tilespmem:$0x8C00] =	vst v63  }
0x36: {  	_ =	swait.ge [sflag:s8], $0x4000  }
0x37: {  	[sflag:s8] =	ssyncset.done $0x0  }
0x38: {  	s0 =	rddreg [dreg:$0x4];
	[sflag:s8] =	ssyncadd.s32 $0xFFFFC000  }
0x39: {  	[hbm4b:s0+s2] =	stream.linear.scatter [tilespmem:s7], [sflag:$0x3], $0x4000, $0x38;
	[tilespmem:$0x8C00] =	vst v63  }
0x3a: {  	_ =	swait.ge [sflag:s3], $0x4000  }
0x3b: {  	[sflag:s3] =	ssyncset.done $0x0  }
0x3c: {  	s0 =	rddreg [dreg:$0x1c];
	[sflag:s3] =	ssyncadd.s32 $0xFFFFC000  }
0x3d: {  	[tilespmem:s7], [sflag:$0x1] =	stream.indirect.gather [hbm4b:s23+s9], $0x80, s0, s9, $0xb8;
	[tilespmem:$0x8C00] =	vst v63  }
0x3e: {  	_ =	swait.ge [sflag:s6], $0x4000  }
0x3f: {  	[sflag:s6] =	ssyncset.done $0x0  }
0x40: {  	s0 =	rddreg [dreg:$0x5];
	[sflag:s6] =	ssyncadd.s32 $0xFFFFC000  }
0x41: {  	[hbm4b:s0+s2] =	stream.linear.scatter [tilespmem:s5], [sflag:$0x3], $0x4000, $0x38;
	[tilespmem:$0x8C00] =	vst v63  }
0x42: {  	_ =	swait.ge [sflag:s3], $0x4000  }
0x43: {  	[sflag:s3] =	ssyncset.done $0x0  }
0x44: {  	s0 =	rddreg [dreg:$0x1d];
	[sflag:s3] =	ssyncadd.s32 $0xFFFFC000  }
0x45: {  	[tilespmem:s5], [sflag:$0x2] =	stream.indirect.gather [hbm4b:s23+s9], $0x80, s0, s9, $0xb8;
	[tilespmem:$0x8C00] =	vst v63  }
0x46: {  	_ =	swait.ge [sflag:s8], $0x4000  }
0x47: {  	[sflag:s8] =	ssyncset.done $0x0  }
0x48: {  	s0 =	rddreg [dreg:$0x6];
	[sflag:s8] =	ssyncadd.s32 $0xFFFFC000  }
0x49: {  	[hbm4b:s0+s2] =	stream.linear.scatter [tilespmem:s7], [sflag:$0x3], $0x4000, $0x38;
	[tilespmem:$0x8C00] =	vst v63  }
0x4a: {  	_ =	swait.ge [sflag:s3], $0x4000  }
0x4b: {  	[sflag:s3] =	ssyncset.done $0x0  }
0x4c: {  	[sflag:s3] =	ssyncadd.s32 $0xFFFFC000  }
0x4d: {  	[tilespmem:s7], [sflag:$0x1] =	stream.indirect.gather [hbm4b:s23+s9], $0x80, s31, s9, $0xb8;
	[tilespmem:$0x8C00] =	vst v63  }
0x4e: {  	_ =	swait.ge [sflag:s6], $0x4000  }
0x4f: {  	[sflag:s6] =	ssyncset.done $0x0  }
0x50: {  	s0 =	rddreg [dreg:$0x7];
	[sflag:s6] =	ssyncadd.s32 $0xFFFFC000  }
0x51: {  	[hbm4b:s0+s2] =	stream.linear.scatter [tilespmem:s5], [sflag:$0x3], $0x4000, $0x38;
	[tilespmem:$0x8C00] =	vst v63  }
0x52: {  	_ =	swait.ge [sflag:s3], $0x4000  }
0x53: {  	[sflag:s3] =	ssyncset.done $0x0  }
0x54: {  	[sflag:s3] =	ssyncadd.s32 $0xFFFFC000  }
0x55: {  	[tilespmem:s5], [sflag:$0x2] =	stream.indirect.gather [hbm4b:s23+s9], $0x80, s30, s9, $0xb8;
	[tilespmem:$0x8C00] =	vst v63  }
0x56: {  	_ =	swait.ge [sflag:s8], $0x4000  }
0x57: {  	[sflag:s8] =	ssyncset.done $0x0  }
0x58: {  	s0 =	rddreg [dreg:$0x8];
	[sflag:s8] =	ssyncadd.s32 $0xFFFFC000  }
0x59: {  	[hbm4b:s0+s2] =	stream.linear.scatter [tilespmem:s7], [sflag:$0x3], $0x4000, $0x38;
	[tilespmem:$0x8C00] =	vst v63  }
0x5a: {  	_ =	swait.ge [sflag:s3], $0x4000  }
0x5b: {  	[sflag:s3] =	ssyncset.done $0x0  }
0x5c: {  	[sflag:s3] =	ssyncadd.s32 $0xFFFFC000  }
0x5d: {  	[tilespmem:s7], [sflag:$0x1] =	stream.indirect.gather [hbm4b:s23+s9], $0x80, s29, s9, $0xb8;
	[tilespmem:$0x8C00] =	vst v63  }
0x5e: {  	_ =	swait.ge [sflag:s6], $0x4000  }
0x5f: {  	[sflag:s6] =	ssyncset.done $0x0  }
0x60: {  	s0 =	rddreg [dreg:$0x9];
	[sflag:s6] =	ssyncadd.s32 $0xFFFFC000  }
0x61: {  	[hbm4b:s0+s2] =	stream.linear.scatter [tilespmem:s5], [sflag:$0x3], $0x4000, $0x38;
	[tilespmem:$0x8C00] =	vst v63  }
0x62: {  	_ =	swait.ge [sflag:s3], $0x4000  }
0x63: {  	[sflag:s3] =	ssyncset.done $0x0  }
0x64: {  	[sflag:s3] =	ssyncadd.s32 $0xFFFFC000  }
0x65: {  	[tilespmem:s5], [sflag:$0x2] =	stream.indirect.gather [hbm4b:s23+s9], $0x80, s28, s9, $0xb8;
	[tilespmem:$0x8C00] =	vst v63  }
0x66: {  	_ =	swait.ge [sflag:s8], $0x4000  }
0x67: {  	[sflag:s8] =	ssyncset.done $0x0  }
0x68: {  	s0 =	rddreg [dreg:$0xa];
	[sflag:s8] =	ssyncadd.s32 $0xFFFFC000  }
0x69: {  	[hbm4b:s0+s2] =	stream.linear.scatter [tilespmem:s7], [sflag:$0x3], $0x4000, $0x38;
	[tilespmem:$0x8C00] =	vst v63  }
0x6a: {  	_ =	swait.ge [sflag:s3], $0x4000  }
0x6b: {  	[sflag:s3] =	ssyncset.done $0x0  }
0x6c: {  	[sflag:s3] =	ssyncadd.s32 $0xFFFFC000  }
0x6d: {  	[tilespmem:s7], [sflag:$0x1] =	stream.indirect.gather [hbm4b:s4+s9], $0x80, s25, s9, $0xb8;
	[tilespmem:$0x8C00] =	vst v63  }
0x6e: {  	_ =	swait.ge [sflag:s6], $0x4000  }
0x6f: {  	[sflag:s6] =	ssyncset.done $0x0  }
0x70: {  	s0 =	rddreg [dreg:$0xb];
	[sflag:s6] =	ssyncadd.s32 $0xFFFFC000  }
0x71: {  	[hbm4b:s0+s2] =	stream.linear.scatter [tilespmem:s5], [sflag:$0x3], $0x4000, $0x38;
	[tilespmem:$0x8C00] =	vst v63  }
0x72: {  	_ =	swait.ge [sflag:s3], $0x4000  }
0x73: {  	[sflag:s3] =	ssyncset.done $0x0  }
0x74: {  	[sflag:s3] =	ssyncadd.s32 $0xFFFFC000  }
0x75: {  	[tilespmem:s5], [sflag:$0x2] =	stream.indirect.gather [hbm4b:s4+s9], $0x80, s26, s9, $0xb8;
	[tilespmem:$0x8C00] =	vst v63  }
0x76: {  	_ =	swait.ge [sflag:s8], $0x4000  }
0x77: {  	[sflag:s8] =	ssyncset.done $0x0  }
0x78: {  	s0 =	rddreg [dreg:$0xc];
	[sflag:s8] =	ssyncadd.s32 $0xFFFFC000  }
0x79: {  	[hbm4b:s0+s2] =	stream.linear.scatter [tilespmem:s7], [sflag:$0x3], $0x4000, $0x38;
	[tilespmem:$0x8C00] =	vst v63  }
0x7a: {  	_ =	swait.ge [sflag:s3], $0x4000  }
0x7b: {  	[sflag:s3] =	ssyncset.done $0x0  }
0x7c: {  	[sflag:s3] =	ssyncadd.s32 $0xFFFFC000  }
0x7d: {  	[tilespmem:s7], [sflag:$0x1] =	stream.indirect.gather [hbm4b:s4+s9], $0x80, s24, s9, $0xb8;
	[tilespmem:$0x8C00] =	vst v63  }
0x7e: {  	_ =	swait.ge [sflag:s6], $0x4000  }
0x7f: {  	[sflag:s6] =	ssyncset.done $0x0  }
0x80: {  	s0 =	rddreg [dreg:$0xd];
	[sflag:s6] =	ssyncadd.s32 $0xFFFFC000  }
0x81: {  	[hbm4b:s0+s2] =	stream.linear.scatter [tilespmem:s5], [sflag:$0x3], $0x4000, $0x38;
	[tilespmem:$0x8C00] =	vst v63  }
0x82: {  	_ =	swait.ge [sflag:s3], $0x4000  }
0x83: {  	[sflag:s3] =	ssyncset.done $0x0  }
0x84: {  	[sflag:s3] =	ssyncadd.s32 $0xFFFFC000  }
0x85: {  	[tilespmem:s5], [sflag:$0x2] =	stream.indirect.gather [hbm4b:s4+s9], $0x80, s22, s9, $0xb8;
	[tilespmem:$0x8C00] =	vst v63  }
0x86: {  	_ =	swait.ge [sflag:s8], $0x4000  }
0x87: {  	[sflag:s8] =	ssyncset.done $0x0  }
0x88: {  	s0 =	rddreg [dreg:$0xe];
	[sflag:s8] =	ssyncadd.s32 $0xFFFFC000  }
0x89: {  	[hbm4b:s0+s2] =	stream.linear.scatter [tilespmem:s7], [sflag:$0x3], $0x4000, $0x38;
	[tilespmem:$0x8C00] =	vst v63  }
0x8a: {  	_ =	swait.ge [sflag:s3], $0x4000  }
0x8b: {  	[sflag:s3] =	ssyncset.done $0x0  }
0x8c: {  	[sflag:s3] =	ssyncadd.s32 $0xFFFFC000  }
0x8d: {  	[tilespmem:s7], [sflag:$0x1] =	stream.indirect.gather [hbm4b:s4+s9], $0x80, s21, s9, $0xb8;
	[tilespmem:$0x8C00] =	vst v63  }
0x8e: {  	_ =	swait.ge [sflag:s6], $0x4000  }
0x8f: {  	[sflag:s6] =	ssyncset.done $0x0  }
0x90: {  	s0 =	rddreg [dreg:$0xf];
	[sflag:s6] =	ssyncadd.s32 $0xFFFFC000  }
0x91: {  	[hbm4b:s0+s2] =	stream.linear.scatter [tilespmem:s5], [sflag:$0x3], $0x4000, $0x38;
	[tilespmem:$0x8C00] =	vst v63  }
0x92: {  	_ =	swait.ge [sflag:s3], $0x4000  }
0x93: {  	[sflag:s3] =	ssyncset.done $0x0  }
0x94: {  	[sflag:s3] =	ssyncadd.s32 $0xFFFFC000  }
0x95: {  	[tilespmem:s5], [sflag:$0x2] =	stream.indirect.gather [hbm4b:s4+s9], $0x80, s20, s9, $0xb8;
	[tilespmem:$0x8C00] =	vst v63  }
0x96: {  	_ =	swait.ge [sflag:s8], $0x4000  }
0x97: {  	[sflag:s8] =	ssyncset.done $0x0  }
0x98: {  	s0 =	rddreg [dreg:$0x10];
	[sflag:s8] =	ssyncadd.s32 $0xFFFFC000  }
0x99: {  	[hbm4b:s0+s2] =	stream.linear.scatter [tilespmem:s7], [sflag:$0x3], $0x4000, $0x38;
	[tilespmem:$0x8C00] =	vst v63  }
0x9a: {  	_ =	swait.ge [sflag:s3], $0x4000  }
0x9b: {  	[sflag:s3] =	ssyncset.done $0x0  }
0x9c: {  	[sflag:s3] =	ssyncadd.s32 $0xFFFFC000  }
0x9d: {  	[tilespmem:s7], [sflag:$0x1] =	stream.indirect.gather [hbm4b:s4+s9], $0x80, s19, s9, $0xb8;
	[tilespmem:$0x8C00] =	vst v63  }
0x9e: {  	_ =	swait.ge [sflag:s6], $0x4000  }
0x9f: {  	[sflag:s6] =	ssyncset.done $0x0  }
0xa0: {  	s0 =	rddreg [dreg:$0x11];
	[sflag:s6] =	ssyncadd.s32 $0xFFFFC000  }
0xa1: {  	[hbm4b:s0+s2] =	stream.linear.scatter [tilespmem:s5], [sflag:$0x3], $0x4000, $0x38;
	[tilespmem:$0x8C00] =	vst v63  }
0xa2: {  	_ =	swait.ge [sflag:s3], $0x4000  }
0xa3: {  	[sflag:s3] =	ssyncset.done $0x0  }
0xa4: {  	[sflag:s3] =	ssyncadd.s32 $0xFFFFC000  }
0xa5: {  	[tilespmem:s5], [sflag:$0x2] =	stream.indirect.gather [hbm4b:s4+s9], $0x80, s18, s9, $0xb8;
	[tilespmem:$0x8C00] =	vst v63  }
0xa6: {  	_ =	swait.ge [sflag:s8], $0x4000  }
0xa7: {  	[sflag:s8] =	ssyncset.done $0x0  }
0xa8: {  	s0 =	rddreg [dreg:$0x12];
	[sflag:s8] =	ssyncadd.s32 $0xFFFFC000  }
0xa9: {  	[hbm4b:s0+s2] =	stream.linear.scatter [tilespmem:s7], [sflag:$0x3], $0x4000, $0x38;
	[tilespmem:$0x8C00] =	vst v63  }
0xaa: {  	_ =	swait.ge [sflag:s3], $0x4000  }
0xab: {  	[sflag:s3] =	ssyncset.done $0x0  }
0xac: {  	[sflag:s3] =	ssyncadd.s32 $0xFFFFC000  }
0xad: {  	[tilespmem:s7], [sflag:$0x1] =	stream.indirect.gather [hbm4b:s4+s9], $0x80, s17, s9, $0xb8;
	[tilespmem:$0x8C00] =	vst v63  }
0xae: {  	_ =	swait.ge [sflag:s6], $0x4000  }
0xaf: {  	[sflag:s6] =	ssyncset.done $0x0  }
0xb0: {  	s0 =	rddreg [dreg:$0x13];
	[sflag:s6] =	ssyncadd.s32 $0xFFFFC000  }
0xb1: {  	[hbm4b:s0+s2] =	stream.linear.scatter [tilespmem:s5], [sflag:$0x3], $0x4000, $0x38;
	[tilespmem:$0x8C00] =	vst v63  }
0xb2: {  	_ =	swait.ge [sflag:s3], $0x4000  }
0xb3: {  	[sflag:s3] =	ssyncset.done $0x0  }
0xb4: {  	[sflag:s3] =	ssyncadd.s32 $0xFFFFC000  }
0xb5: {  	[tilespmem:s5], [sflag:$0x2] =	stream.indirect.gather [hbm4b:s4+s9], $0x80, s16, s9, $0xb8;
	[tilespmem:$0x8C00] =	vst v63  }
0xb6: {  	_ =	swait.ge [sflag:s8], $0x4000  }
0xb7: {  	[sflag:s8] =	ssyncset.done $0x0  }
0xb8: {  	s0 =	rddreg [dreg:$0x14];
	[sflag:s8] =	ssyncadd.s32 $0xFFFFC000  }
0xb9: {  	[hbm4b:s0+s2] =	stream.linear.scatter [tilespmem:s7], [sflag:$0x3], $0x4000, $0x38;
	[tilespmem:$0x8C00] =	vst v63  }
0xba: {  	_ =	swait.ge [sflag:s3], $0x4000  }
0xbb: {  	[sflag:s3] =	ssyncset.done $0x0  }
0xbc: {  	[sflag:s3] =	ssyncadd.s32 $0xFFFFC000  }
0xbd: {  	[tilespmem:s7], [sflag:$0x1] =	stream.indirect.gather [hbm4b:s4+s9], $0x80, s15, s9, $0xb8;
	[tilespmem:$0x8C00] =	vst v63  }
0xbe: {  	_ =	swait.ge [sflag:s6], $0x4000  }
0xbf: {  	[sflag:s6] =	ssyncset.done $0x0  }
0xc0: {  	s0 =	rddreg [dreg:$0x15];
	[sflag:s6] =	ssyncadd.s32 $0xFFFFC000  }
0xc1: {  	[hbm4b:s0+s2] =	stream.linear.scatter [tilespmem:s5], [sflag:$0x3], $0x4000, $0x38;
	[tilespmem:$0x8C00] =	vst v63  }
0xc2: {  	_ =	swait.ge [sflag:s3], $0x4000  }
0xc3: {  	[sflag:s3] =	ssyncset.done $0x0  }
0xc4: {  	[sflag:s3] =	ssyncadd.s32 $0xFFFFC000  }
0xc5: {  	[tilespmem:s5], [sflag:$0x2] =	stream.indirect.gather [hbm4b:s4+s9], $0x80, s14, s9, $0xb8;
	[tilespmem:$0x8C00] =	vst v63  }
0xc6: {  	_ =	swait.ge [sflag:s8], $0x4000  }
0xc7: {  	[sflag:s8] =	ssyncset.done $0x0  }
0xc8: {  	s0 =	rddreg [dreg:$0x16];
	[sflag:s8] =	ssyncadd.s32 $0xFFFFC000  }
0xc9: {  	[hbm4b:s0+s2] =	stream.linear.scatter [tilespmem:s7], [sflag:$0x3], $0x4000, $0x38;
	[tilespmem:$0x8C00] =	vst v63  }
0xca: {  	_ =	swait.ge [sflag:s3], $0x4000  }
0xcb: {  	[sflag:s3] =	ssyncset.done $0x0  }
0xcc: {  	[sflag:s3] =	ssyncadd.s32 $0xFFFFC000  }
0xcd: {  	[tilespmem:s7], [sflag:$0x1] =	stream.indirect.gather [hbm4b:s4+s9], $0x80, s13, s9, $0xb8;
	[tilespmem:$0x8C00] =	vst v63  }
0xce: {  	_ =	swait.ge [sflag:s6], $0x4000  }
0xcf: {  	[sflag:s6] =	ssyncset.done $0x0  }
0xd0: {  	s0 =	rddreg [dreg:$0x17];
	[sflag:s6] =	ssyncadd.s32 $0xFFFFC000  }
0xd1: {  	[hbm4b:s0+s2] =	stream.linear.scatter [tilespmem:s5], [sflag:$0x3], $0x4000, $0x38;
	[tilespmem:$0x8C00] =	vst v63  }
0xd2: {  	_ =	swait.ge [sflag:s3], $0x4000  }
0xd3: {  	[sflag:s3] =	ssyncset.done $0x0  }
0xd4: {  	[sflag:s3] =	ssyncadd.s32 $0xFFFFC000  }
0xd5: {  	[tilespmem:s5], [sflag:$0x2] =	stream.indirect.gather [hbm4b:s4+s9], $0x80, s12, s9, $0xb8;
	[tilespmem:$0x8C00] =	vst v63  }
0xd6: {  	_ =	swait.ge [sflag:s8], $0x4000  }
0xd7: {  	[sflag:s8] =	ssyncset.done $0x0  }
0xd8: {  	s0 =	rddreg [dreg:$0x18];
	[sflag:s8] =	ssyncadd.s32 $0xFFFFC000  }
0xd9: {  	[hbm4b:s0+s2] =	stream.linear.scatter [tilespmem:s7], [sflag:$0x3], $0x4000, $0x38;
	[tilespmem:$0x8C00] =	vst v63  }
0xda: {  	_ =	swait.ge [sflag:s3], $0x4000  }
0xdb: {  	[sflag:s3] =	ssyncset.done $0x0  }
0xdc: {  	[sflag:s3] =	ssyncadd.s32 $0xFFFFC000  }
0xdd: {  	[tilespmem:s7], [sflag:$0x1] =	stream.indirect.gather [hbm4b:s4+s9], $0x80, s11, s9, $0xb8;
	[tilespmem:$0x8C00] =	vst v63  }
0xde: {  	_ =	swait.ge [sflag:s6], $0x4000  }
0xdf: {  	[sflag:s6] =	ssyncset.done $0x0  }
0xe0: {  	s0 =	rddreg [dreg:$0x19];
	[sflag:s6] =	ssyncadd.s32 $0xFFFFC000  }
0xe1: {  	[hbm4b:s0+s2] =	stream.linear.scatter [tilespmem:s5], [sflag:$0x3], $0x4000, $0x38;
	[tilespmem:$0x8C00] =	vst v63  }
0xe2: {  	_ =	swait.ge [sflag:s3], $0x4000  }
0xe3: {  	[sflag:s3] =	ssyncset.done $0x0  }
0xe4: {  	[sflag:s3] =	ssyncadd.s32 $0xFFFFC000  }
0xe5: {  	[tilespmem:s5], [sflag:$0x2] =	stream.indirect.gather [hbm4b:s4+s9], $0x80, s10, s9, $0xb8;
	[tilespmem:$0x8C00] =	vst v63  }
0xe6: {  	_ =	swait.ge [sflag:s8], $0x4000  }
0xe7: {  	[sflag:s8] =	ssyncset.done $0x0  }
0xe8: {  	s0 =	rddreg [dreg:$0x1a];
	[sflag:s8] =	ssyncadd.s32 $0xFFFFC000  }
0xe9: {  	[hbm4b:s0+s2] =	stream.linear.scatter [tilespmem:s7], [sflag:$0x3], $0x4000, $0x38;
	[tilespmem:$0x8C00] =	vst v63  }
0xea: {  	_ =	swait.ge [sflag:s3], $0x4000  }
0xeb: {  	[sflag:s3] =	ssyncset.done $0x0  }
0xec: {  	[sflag:s3] =	ssyncadd.s32 $0xFFFFC000  }
0xed: {  	p1 =	sne.s32 s1, $0x1;
	_ =	swait.ge [sflag:s6], $0x4000  }
.Ltmp1:
0xee: {  	[sflag:s6] =	ssyncset.done $0x0;
	(pc) =	sbr.rel @!p1 .LBB2_3-.Ltmp1, $4  }
0xef: {  	s0 =	rddreg [dreg:$0x1b];
	[sflag:s6] =	ssyncadd.s32 $0xFFFFC000  }
0xf0: {  	[hbm4b:s0+s2] =	stream.linear.scatter [tilespmem:s5], [sflag:$0x3], $0x4000, $0x38;
	[tilespmem:$0x8C00] =	vst v63  }
0xf1: {  	s1 =	sadd.s32 $0xFFFFFFFF, s1;
	_ =	swait.ge [sflag:s3], $0x4000  }
0xf2: {  	p0 =	por $0x1, $0x1;
	s0 =	rddreg [dreg:$0x2];
	[sflag:s3] =	ssyncset.done $0x0  }
.LBB2_2:
0xf3: {  	[sflag:s3] =	ssyncadd.s32 $0xFFFFC000  }
0xf4: {  	[tilespmem:s2], [sflag:$0x3] =	stream.linear.gather [hbm4b:s0+s2], $0x400, $0x38;
	[tilespmem:$0x8C00] =	vst v63  }
0xf5: {  	_ =	swait.ge [sflag:s3], $0x400  }
0xf6: {  	[sflag:s3] =	ssyncset.done $0x0  }
0xf7: {  	s0 =	rddreg [dreg:$0x3];
	[sflag:s3] =	ssyncadd.s32 $0xFFFFFC00  }
0xf8: {  	[tilespmem:s25], [sflag:$0x3] =	stream.linear.gather [hbm4b:s0+s2], $0x800, $0x38;
	[tilespmem:$0x8C00] =	vst v63  }
0xf9: {  	_ =	swait.ge [sflag:s3], $0x800  }
0xfa: {  	[sflag:s3] =	ssyncset.done $0x0  }
0xfb: {  	[sflag:s3] =	ssyncadd.s32 $0xFFFFF800  }
0xfc: {  	[tilespmem:s7], [sflag:$0x1] =	stream.indirect.gather [hbm4b:s23+s9], $0x80, s2, s9, $0xb8;
	[tilespmem:$0x8C00] =	vst v63  }
0xfd: {  	_ = 	snop  }
0xfe: {  	[tilespmem:s5], [sflag:$0x2] =	stream.indirect.gather [hbm4b:s23+s9], $0x80, s9, s9, $0xb8;
	[tilespmem:$0x8C00] =	vst v63  }
0xff: {  	_ =	swait.ge [sflag:s8], $0x4000  }
0x100: {  	[sflag:s8] =	ssyncset.done $0x0  }
0x101: {  	s0 =	rddreg [dreg:$0x4];
	[sflag:s8] =	ssyncadd.s32 $0xFFFFC000  }
0x102: {  	[hbm4b:s0+s2] =	stream.linear.scatter [tilespmem:s7], [sflag:$0x3], $0x4000, $0x38;
	[tilespmem:$0x8C00] =	vst v63  }
0x103: {  	_ =	swait.ge [sflag:s3], $0x4000  }
0x104: {  	[sflag:s3] =	ssyncset.done $0x0  }
0x105: {  	s0 =	rddreg [dreg:$0x1c];
	[sflag:s3] =	ssyncadd.s32 $0xFFFFC000  }
0x106: {  	[tilespmem:s7], [sflag:$0x1] =	stream.indirect.gather [hbm4b:s23+s9], $0x80, s0, s9, $0xb8;
	[tilespmem:$0x8C00] =	vst v63  }
0x107: {  	_ =	swait.ge [sflag:s6], $0x4000  }
0x108: {  	[sflag:s6] =	ssyncset.done $0x0  }
0x109: {  	s0 =	rddreg [dreg:$0x5];
	[sflag:s6] =	ssyncadd.s32 $0xFFFFC000  }
0x10a: {  	[hbm4b:s0+s2] =	stream.linear.scatter [tilespmem:s5], [sflag:$0x3], $0x4000, $0x38;
	[tilespmem:$0x8C00] =	vst v63  }
0x10b: {  	_ =	swait.ge [sflag:s3], $0x4000  }
0x10c: {  	[sflag:s3] =	ssyncset.done $0x0  }
0x10d: {  	s0 =	rddreg [dreg:$0x1d];
	[sflag:s3] =	ssyncadd.s32 $0xFFFFC000  }
0x10e: {  	[tilespmem:s5], [sflag:$0x2] =	stream.indirect.gather [hbm4b:s23+s9], $0x80, s0, s9, $0xb8;
	[tilespmem:$0x8C00] =	vst v63  }
0x10f: {  	_ =	swait.ge [sflag:s8], $0x4000  }
0x110: {  	[sflag:s8] =	ssyncset.done $0x0  }
0x111: {  	s0 =	rddreg [dreg:$0x6];
	[sflag:s8] =	ssyncadd.s32 $0xFFFFC000  }
0x112: {  	[hbm4b:s0+s2] =	stream.linear.scatter [tilespmem:s7], [sflag:$0x3], $0x4000, $0x38;
	[tilespmem:$0x8C00] =	vst v63  }
0x113: {  	_ =	swait.ge [sflag:s3], $0x4000  }
0x114: {  	[sflag:s3] =	ssyncset.done $0x0  }
0x115: {  	[sflag:s3] =	ssyncadd.s32 $0xFFFFC000  }
0x116: {  	[tilespmem:s7], [sflag:$0x1] =	stream.indirect.gather [hbm4b:s23+s9], $0x80, s31, s9, $0xb8;
	[tilespmem:$0x8C00] =	vst v63  }
0x117: {  	_ =	swait.ge [sflag:s6], $0x4000  }
0x118: {  	[sflag:s6] =	ssyncset.done $0x0  }
0x119: {  	s0 =	rddreg [dreg:$0x7];
	[sflag:s6] =	ssyncadd.s32 $0xFFFFC000  }
0x11a: {  	[hbm4b:s0+s2] =	stream.linear.scatter [tilespmem:s5], [sflag:$0x3], $0x4000, $0x38;
	[tilespmem:$0x8C00] =	vst v63  }
0x11b: {  	_ =	swait.ge [sflag:s3], $0x4000  }
0x11c: {  	[sflag:s3] =	ssyncset.done $0x0  }
0x11d: {  	[sflag:s3] =	ssyncadd.s32 $0xFFFFC000  }
0x11e: {  	[tilespmem:s5], [sflag:$0x2] =	stream.indirect.gather [hbm4b:s23+s9], $0x80, s30, s9, $0xb8;
	[tilespmem:$0x8C00] =	vst v63  }
0x11f: {  	_ =	swait.ge [sflag:s8], $0x4000  }
0x120: {  	[sflag:s8] =	ssyncset.done $0x0  }
0x121: {  	s0 =	rddreg [dreg:$0x8];
	[sflag:s8] =	ssyncadd.s32 $0xFFFFC000  }
0x122: {  	[hbm4b:s0+s2] =	stream.linear.scatter [tilespmem:s7], [sflag:$0x3], $0x4000, $0x38;
	[tilespmem:$0x8C00] =	vst v63  }
0x123: {  	_ =	swait.ge [sflag:s3], $0x4000  }
0x124: {  	[sflag:s3] =	ssyncset.done $0x0  }
0x125: {  	[sflag:s3] =	ssyncadd.s32 $0xFFFFC000  }
0x126: {  	[tilespmem:s7], [sflag:$0x1] =	stream.indirect.gather [hbm4b:s23+s9], $0x80, s29, s9, $0xb8;
	[tilespmem:$0x8C00] =	vst v63  }
0x127: {  	_ =	swait.ge [sflag:s6], $0x4000  }
0x128: {  	[sflag:s6] =	ssyncset.done $0x0  }
0x129: {  	s0 =	rddreg [dreg:$0x9];
	[sflag:s6] =	ssyncadd.s32 $0xFFFFC000  }
0x12a: {  	[hbm4b:s0+s2] =	stream.linear.scatter [tilespmem:s5], [sflag:$0x3], $0x4000, $0x38;
	[tilespmem:$0x8C00] =	vst v63  }
0x12b: {  	_ =	swait.ge [sflag:s3], $0x4000  }
0x12c: {  	[sflag:s3] =	ssyncset.done $0x0  }
0x12d: {  	[sflag:s3] =	ssyncadd.s32 $0xFFFFC000  }
0x12e: {  	[tilespmem:s5], [sflag:$0x2] =	stream.indirect.gather [hbm4b:s23+s9], $0x80, s28, s9, $0xb8;
	[tilespmem:$0x8C00] =	vst v63  }
0x12f: {  	_ =	swait.ge [sflag:s8], $0x4000  }
0x130: {  	[sflag:s8] =	ssyncset.done $0x0  }
0x131: {  	s0 =	rddreg [dreg:$0xa];
	[sflag:s8] =	ssyncadd.s32 $0xFFFFC000  }
0x132: {  	[hbm4b:s0+s2] =	stream.linear.scatter [tilespmem:s7], [sflag:$0x3], $0x4000, $0x38;
	[tilespmem:$0x8C00] =	vst v63  }
0x133: {  	_ =	swait.ge [sflag:s3], $0x4000  }
0x134: {  	[sflag:s3] =	ssyncset.done $0x0  }
0x135: {  	[sflag:s3] =	ssyncadd.s32 $0xFFFFC000  }
0x136: {  	[tilespmem:s7], [sflag:$0x1] =	stream.indirect.gather [hbm4b:s4+s9], $0x80, s25, s9, $0xb8;
	[tilespmem:$0x8C00] =	vst v63  }
0x137: {  	_ =	swait.ge [sflag:s6], $0x4000  }
0x138: {  	[sflag:s6] =	ssyncset.done $0x0  }
0x139: {  	s0 =	rddreg [dreg:$0xb];
	[sflag:s6] =	ssyncadd.s32 $0xFFFFC000  }
0x13a: {  	[hbm4b:s0+s2] =	stream.linear.scatter [tilespmem:s5], [sflag:$0x3], $0x4000, $0x38;
	[tilespmem:$0x8C00] =	vst v63  }
0x13b: {  	_ =	swait.ge [sflag:s3], $0x4000  }
0x13c: {  	[sflag:s3] =	ssyncset.done $0x0  }
0x13d: {  	[sflag:s3] =	ssyncadd.s32 $0xFFFFC000  }
0x13e: {  	[tilespmem:s5], [sflag:$0x2] =	stream.indirect.gather [hbm4b:s4+s9], $0x80, s26, s9, $0xb8;
	[tilespmem:$0x8C00] =	vst v63  }
0x13f: {  	_ =	swait.ge [sflag:s8], $0x4000  }
0x140: {  	[sflag:s8] =	ssyncset.done $0x0  }
0x141: {  	s0 =	rddreg [dreg:$0xc];
	[sflag:s8] =	ssyncadd.s32 $0xFFFFC000  }
0x142: {  	[hbm4b:s0+s2] =	stream.linear.scatter [tilespmem:s7], [sflag:$0x3], $0x4000, $0x38;
	[tilespmem:$0x8C00] =	vst v63  }
0x143: {  	_ =	swait.ge [sflag:s3], $0x4000  }
0x144: {  	[sflag:s3] =	ssyncset.done $0x0  }
0x145: {  	[sflag:s3] =	ssyncadd.s32 $0xFFFFC000  }
0x146: {  	[tilespmem:s7], [sflag:$0x1] =	stream.indirect.gather [hbm4b:s4+s9], $0x80, s24, s9, $0xb8;
	[tilespmem:$0x8C00] =	vst v63  }
0x147: {  	_ =	swait.ge [sflag:s6], $0x4000  }
0x148: {  	[sflag:s6] =	ssyncset.done $0x0  }
0x149: {  	s0 =	rddreg [dreg:$0xd];
	[sflag:s6] =	ssyncadd.s32 $0xFFFFC000  }
0x14a: {  	[hbm4b:s0+s2] =	stream.linear.scatter [tilespmem:s5], [sflag:$0x3], $0x4000, $0x38;
	[tilespmem:$0x8C00] =	vst v63  }
0x14b: {  	_ =	swait.ge [sflag:s3], $0x4000  }
0x14c: {  	[sflag:s3] =	ssyncset.done $0x0  }
0x14d: {  	[sflag:s3] =	ssyncadd.s32 $0xFFFFC000  }
0x14e: {  	[tilespmem:s5], [sflag:$0x2] =	stream.indirect.gather [hbm4b:s4+s9], $0x80, s22, s9, $0xb8;
	[tilespmem:$0x8C00] =	vst v63  }
0x14f: {  	_ =	swait.ge [sflag:s8], $0x4000  }
0x150: {  	[sflag:s8] =	ssyncset.done $0x0  }
0x151: {  	s0 =	rddreg [dreg:$0xe];
	[sflag:s8] =	ssyncadd.s32 $0xFFFFC000  }
0x152: {  	[hbm4b:s0+s2] =	stream.linear.scatter [tilespmem:s7], [sflag:$0x3], $0x4000, $0x38;
	[tilespmem:$0x8C00] =	vst v63  }
0x153: {  	_ =	swait.ge [sflag:s3], $0x4000  }
0x154: {  	[sflag:s3] =	ssyncset.done $0x0  }
0x155: {  	[sflag:s3] =	ssyncadd.s32 $0xFFFFC000  }
0x156: {  	[tilespmem:s7], [sflag:$0x1] =	stream.indirect.gather [hbm4b:s4+s9], $0x80, s21, s9, $0xb8;
	[tilespmem:$0x8C00] =	vst v63  }
0x157: {  	_ =	swait.ge [sflag:s6], $0x4000  }
0x158: {  	[sflag:s6] =	ssyncset.done $0x0  }
0x159: {  	s0 =	rddreg [dreg:$0xf];
	[sflag:s6] =	ssyncadd.s32 $0xFFFFC000  }
0x15a: {  	[hbm4b:s0+s2] =	stream.linear.scatter [tilespmem:s5], [sflag:$0x3], $0x4000, $0x38;
	[tilespmem:$0x8C00] =	vst v63  }
0x15b: {  	_ =	swait.ge [sflag:s3], $0x4000  }
0x15c: {  	[sflag:s3] =	ssyncset.done $0x0  }
0x15d: {  	[sflag:s3] =	ssyncadd.s32 $0xFFFFC000  }
0x15e: {  	[tilespmem:s5], [sflag:$0x2] =	stream.indirect.gather [hbm4b:s4+s9], $0x80, s20, s9, $0xb8;
	[tilespmem:$0x8C00] =	vst v63  }
0x15f: {  	_ =	swait.ge [sflag:s8], $0x4000  }
0x160: {  	[sflag:s8] =	ssyncset.done $0x0  }
0x161: {  	s0 =	rddreg [dreg:$0x10];
	[sflag:s8] =	ssyncadd.s32 $0xFFFFC000  }
0x162: {  	[hbm4b:s0+s2] =	stream.linear.scatter [tilespmem:s7], [sflag:$0x3], $0x4000, $0x38;
	[tilespmem:$0x8C00] =	vst v63  }
0x163: {  	_ =	swait.ge [sflag:s3], $0x4000  }
0x164: {  	[sflag:s3] =	ssyncset.done $0x0  }
0x165: {  	[sflag:s3] =	ssyncadd.s32 $0xFFFFC000  }
0x166: {  	[tilespmem:s7], [sflag:$0x1] =	stream.indirect.gather [hbm4b:s4+s9], $0x80, s19, s9, $0xb8;
	[tilespmem:$0x8C00] =	vst v63  }
0x167: {  	_ =	swait.ge [sflag:s6], $0x4000  }
0x168: {  	[sflag:s6] =	ssyncset.done $0x0  }
0x169: {  	s0 =	rddreg [dreg:$0x11];
	[sflag:s6] =	ssyncadd.s32 $0xFFFFC000  }
0x16a: {  	[hbm4b:s0+s2] =	stream.linear.scatter [tilespmem:s5], [sflag:$0x3], $0x4000, $0x38;
	[tilespmem:$0x8C00] =	vst v63  }
0x16b: {  	_ =	swait.ge [sflag:s3], $0x4000  }
0x16c: {  	[sflag:s3] =	ssyncset.done $0x0  }
0x16d: {  	[sflag:s3] =	ssyncadd.s32 $0xFFFFC000  }
0x16e: {  	[tilespmem:s5], [sflag:$0x2] =	stream.indirect.gather [hbm4b:s4+s9], $0x80, s18, s9, $0xb8;
	[tilespmem:$0x8C00] =	vst v63  }
0x16f: {  	_ =	swait.ge [sflag:s8], $0x4000  }
0x170: {  	[sflag:s8] =	ssyncset.done $0x0  }
0x171: {  	s0 =	rddreg [dreg:$0x12];
	[sflag:s8] =	ssyncadd.s32 $0xFFFFC000  }
0x172: {  	[hbm4b:s0+s2] =	stream.linear.scatter [tilespmem:s7], [sflag:$0x3], $0x4000, $0x38;
	[tilespmem:$0x8C00] =	vst v63  }
0x173: {  	_ =	swait.ge [sflag:s3], $0x4000  }
0x174: {  	[sflag:s3] =	ssyncset.done $0x0  }
0x175: {  	[sflag:s3] =	ssyncadd.s32 $0xFFFFC000  }
0x176: {  	[tilespmem:s7], [sflag:$0x1] =	stream.indirect.gather [hbm4b:s4+s9], $0x80, s17, s9, $0xb8;
	[tilespmem:$0x8C00] =	vst v63  }
0x177: {  	_ =	swait.ge [sflag:s6], $0x4000  }
0x178: {  	[sflag:s6] =	ssyncset.done $0x0  }
0x179: {  	s0 =	rddreg [dreg:$0x13];
	[sflag:s6] =	ssyncadd.s32 $0xFFFFC000  }
0x17a: {  	[hbm4b:s0+s2] =	stream.linear.scatter [tilespmem:s5], [sflag:$0x3], $0x4000, $0x38;
	[tilespmem:$0x8C00] =	vst v63  }
0x17b: {  	_ =	swait.ge [sflag:s3], $0x4000  }
0x17c: {  	[sflag:s3] =	ssyncset.done $0x0  }
0x17d: {  	[sflag:s3] =	ssyncadd.s32 $0xFFFFC000  }
0x17e: {  	[tilespmem:s5], [sflag:$0x2] =	stream.indirect.gather [hbm4b:s4+s9], $0x80, s16, s9, $0xb8;
	[tilespmem:$0x8C00] =	vst v63  }
0x17f: {  	_ =	swait.ge [sflag:s8], $0x4000  }
0x180: {  	[sflag:s8] =	ssyncset.done $0x0  }
0x181: {  	s0 =	rddreg [dreg:$0x14];
	[sflag:s8] =	ssyncadd.s32 $0xFFFFC000  }
0x182: {  	[hbm4b:s0+s2] =	stream.linear.scatter [tilespmem:s7], [sflag:$0x3], $0x4000, $0x38;
	[tilespmem:$0x8C00] =	vst v63  }
0x183: {  	_ =	swait.ge [sflag:s3], $0x4000  }
0x184: {  	[sflag:s3] =	ssyncset.done $0x0  }
0x185: {  	[sflag:s3] =	ssyncadd.s32 $0xFFFFC000  }
0x186: {  	[tilespmem:s7], [sflag:$0x1] =	stream.indirect.gather [hbm4b:s4+s9], $0x80, s15, s9, $0xb8;
	[tilespmem:$0x8C00] =	vst v63  }
0x187: {  	_ =	swait.ge [sflag:s6], $0x4000  }
0x188: {  	[sflag:s6] =	ssyncset.done $0x0  }
0x189: {  	s0 =	rddreg [dreg:$0x15];
	[sflag:s6] =	ssyncadd.s32 $0xFFFFC000  }
0x18a: {  	[hbm4b:s0+s2] =	stream.linear.scatter [tilespmem:s5], [sflag:$0x3], $0x4000, $0x38;
	[tilespmem:$0x8C00] =	vst v63  }
0x18b: {  	_ =	swait.ge [sflag:s3], $0x4000  }
0x18c: {  	[sflag:s3] =	ssyncset.done $0x0  }
0x18d: {  	[sflag:s3] =	ssyncadd.s32 $0xFFFFC000  }
0x18e: {  	[tilespmem:s5], [sflag:$0x2] =	stream.indirect.gather [hbm4b:s4+s9], $0x80, s14, s9, $0xb8;
	[tilespmem:$0x8C00] =	vst v63  }
0x18f: {  	_ =	swait.ge [sflag:s8], $0x4000  }
0x190: {  	[sflag:s8] =	ssyncset.done $0x0  }
0x191: {  	s0 =	rddreg [dreg:$0x16];
	[sflag:s8] =	ssyncadd.s32 $0xFFFFC000  }
0x192: {  	[hbm4b:s0+s2] =	stream.linear.scatter [tilespmem:s7], [sflag:$0x3], $0x4000, $0x38;
	[tilespmem:$0x8C00] =	vst v63  }
0x193: {  	_ =	swait.ge [sflag:s3], $0x4000  }
0x194: {  	[sflag:s3] =	ssyncset.done $0x0  }
0x195: {  	[sflag:s3] =	ssyncadd.s32 $0xFFFFC000  }
0x196: {  	[tilespmem:s7], [sflag:$0x1] =	stream.indirect.gather [hbm4b:s4+s9], $0x80, s13, s9, $0xb8;
	[tilespmem:$0x8C00] =	vst v63  }
0x197: {  	_ =	swait.ge [sflag:s6], $0x4000  }
0x198: {  	[sflag:s6] =	ssyncset.done $0x0  }
0x199: {  	s0 =	rddreg [dreg:$0x17];
	[sflag:s6] =	ssyncadd.s32 $0xFFFFC000  }
0x19a: {  	[hbm4b:s0+s2] =	stream.linear.scatter [tilespmem:s5], [sflag:$0x3], $0x4000, $0x38;
	[tilespmem:$0x8C00] =	vst v63  }
0x19b: {  	_ =	swait.ge [sflag:s3], $0x4000  }
0x19c: {  	[sflag:s3] =	ssyncset.done $0x0  }
0x19d: {  	[sflag:s3] =	ssyncadd.s32 $0xFFFFC000  }
0x19e: {  	[tilespmem:s5], [sflag:$0x2] =	stream.indirect.gather [hbm4b:s4+s9], $0x80, s12, s9, $0xb8;
	[tilespmem:$0x8C00] =	vst v63  }
0x19f: {  	_ =	swait.ge [sflag:s8], $0x4000  }
0x1a0: {  	[sflag:s8] =	ssyncset.done $0x0  }
0x1a1: {  	s0 =	rddreg [dreg:$0x18];
	[sflag:s8] =	ssyncadd.s32 $0xFFFFC000  }
0x1a2: {  	[hbm4b:s0+s2] =	stream.linear.scatter [tilespmem:s7], [sflag:$0x3], $0x4000, $0x38;
	[tilespmem:$0x8C00] =	vst v63  }
0x1a3: {  	_ =	swait.ge [sflag:s3], $0x4000  }
0x1a4: {  	[sflag:s3] =	ssyncset.done $0x0  }
0x1a5: {  	[sflag:s3] =	ssyncadd.s32 $0xFFFFC000  }
0x1a6: {  	[tilespmem:s7], [sflag:$0x1] =	stream.indirect.gather [hbm4b:s4+s9], $0x80, s11, s9, $0xb8;
	[tilespmem:$0x8C00] =	vst v63  }
0x1a7: {  	_ =	swait.ge [sflag:s6], $0x4000  }
0x1a8: {  	[sflag:s6] =	ssyncset.done $0x0  }
0x1a9: {  	s0 =	rddreg [dreg:$0x19];
	[sflag:s6] =	ssyncadd.s32 $0xFFFFC000  }
0x1aa: {  	[hbm4b:s0+s2] =	stream.linear.scatter [tilespmem:s5], [sflag:$0x3], $0x4000, $0x38;
	[tilespmem:$0x8C00] =	vst v63  }
0x1ab: {  	_ =	swait.ge [sflag:s3], $0x4000  }
0x1ac: {  	[sflag:s3] =	ssyncset.done $0x0  }
0x1ad: {  	[sflag:s3] =	ssyncadd.s32 $0xFFFFC000  }
0x1ae: {  	[tilespmem:s5], [sflag:$0x2] =	stream.indirect.gather [hbm4b:s4+s9], $0x80, s10, s9, $0xb8;
	[tilespmem:$0x8C00] =	vst v63  }
0x1af: {  	_ =	swait.ge [sflag:s8], $0x4000  }
0x1b0: {  	[sflag:s8] =	ssyncset.done $0x0  }
0x1b1: {  	s0 =	rddreg [dreg:$0x1a];
	[sflag:s8] =	ssyncadd.s32 $0xFFFFC000  }
0x1b2: {  	[hbm4b:s0+s2] =	stream.linear.scatter [tilespmem:s7], [sflag:$0x3], $0x4000, $0x38;
	[tilespmem:$0x8C00] =	vst v63  }
0x1b3: {  	_ =	swait.ge [sflag:s3], $0x4000  }
0x1b4: {  	[sflag:s3] =	ssyncset.done $0x0  }
0x1b5: {  	[sflag:s3] =	ssyncadd.s32 $0xFFFFC000  }
0x1b6: {  	p1 =	sne.s32 s1, $0x1;
	_ =	swait.ge [sflag:s6], $0x4000  }
.Ltmp2:
0x1b7: {  	[sflag:s6] =	ssyncset.done $0x0;
	(pc) =	sbr.rel @p1 .LBB2_2-.Ltmp2, $4  }
0x1b8: {  	s0 =	rddreg [dreg:$0x1b];
	[sflag:s6] =	ssyncadd.s32 $0xFFFFC000  }
0x1b9: {  	[hbm4b:s0+s2] =	stream.linear.scatter [tilespmem:s5], [sflag:$0x3], $0x4000, $0x38;
	[tilespmem:$0x8C00] =	vst v63  }
0x1ba: {  	_ =	swait.ge [sflag:s3], $0x4000  }
0x1bb: {  	s1 =	sadd.s32 $0xFFFFFFFF, s1;
	s0 =	rddreg [dreg:$0x2];
	[sflag:s3] =	ssyncset.done $0x0  }
.LBB2_3:
0x1bc: {  	[sflag:s3] =	ssyncadd.s32 @p0 $0xFFFFC000  }
0x1bd: {  	[tilespmem:s2], [sflag:$0x3] =	stream.linear.gather [hbm4b:s0+s2], $0x400, $0x38;
	[tilespmem:$0x8C00] =	vst v63  }
0x1be: {  	_ =	swait.ge [sflag:s3], $0x400  }
0x1bf: {  	[sflag:s3] =	ssyncset.done $0x0  }
0x1c0: {  	s1 =	rddreg [dreg:$0x3];
	[sflag:s3] =	ssyncadd.s32 $0xFFFFFC00  }
0x1c1: {  	[tilespmem:s25], [sflag:$0x3] =	stream.linear.gather [hbm4b:s1+s2], $0x800, $0x38;
	[tilespmem:$0x8C00] =	vst v63  }
0x1c2: {  	_ =	swait.ge [sflag:s3], $0x800  }
0x1c3: {  	[sflag:s3] =	ssyncset.done $0x0  }
0x1c4: {  	[sflag:s3] =	ssyncadd.s32 $0xFFFFF800  }
0x1c5: {  	[tilespmem:s7], [sflag:$0x1] =	stream.indirect.gather [hbm4b:s23+s9], $0x80, s2, s9, $0xb8;
	[tilespmem:$0x8C00] =	vst v63  }
0x1c6: {  	_ = 	snop  }
0x1c7: {  	[tilespmem:s5], [sflag:$0x2] =	stream.indirect.gather [hbm4b:s23+s9], $0x80, s9, s9, $0xb8;
	[tilespmem:$0x8C00] =	vst v63  }
0x1c8: {  	_ =	swait.ge [sflag:s8], $0x4000  }
0x1c9: {  	[sflag:s8] =	ssyncset.done $0x0  }
0x1ca: {  	s1 =	rddreg [dreg:$0x4];
	[sflag:s8] =	ssyncadd.s32 $0xFFFFC000  }
0x1cb: {  	[hbm4b:s1+s2] =	stream.linear.scatter [tilespmem:s7], [sflag:$0x3], $0x4000, $0x38;
	[tilespmem:$0x8C00] =	vst v63  }
0x1cc: {  	_ =	swait.ge [sflag:s3], $0x4000  }
0x1cd: {  	[sflag:s3] =	ssyncset.done $0x0  }
0x1ce: {  	s1 =	rddreg [dreg:$0x1c];
	[sflag:s3] =	ssyncadd.s32 $0xFFFFC000  }
0x1cf: {  	[tilespmem:s7], [sflag:$0x1] =	stream.indirect.gather [hbm4b:s23+s9], $0x80, s1, s9, $0xb8;
	[tilespmem:$0x8C00] =	vst v63  }
0x1d0: {  	_ =	swait.ge [sflag:s6], $0x4000  }
0x1d1: {  	[sflag:s6] =	ssyncset.done $0x0  }
0x1d2: {  	s1 =	rddreg [dreg:$0x5];
	[sflag:s6] =	ssyncadd.s32 $0xFFFFC000  }
0x1d3: {  	[hbm4b:s1+s2] =	stream.linear.scatter [tilespmem:s5], [sflag:$0x3], $0x4000, $0x38;
	[tilespmem:$0x8C00] =	vst v63  }
0x1d4: {  	_ =	swait.ge [sflag:s3], $0x4000  }
0x1d5: {  	[sflag:s3] =	ssyncset.done $0x0  }
0x1d6: {  	s1 =	rddreg [dreg:$0x1d];
	[sflag:s3] =	ssyncadd.s32 $0xFFFFC000  }
0x1d7: {  	[tilespmem:s5], [sflag:$0x2] =	stream.indirect.gather [hbm4b:s23+s9], $0x80, s1, s9, $0xb8;
	[tilespmem:$0x8C00] =	vst v63  }
0x1d8: {  	_ =	swait.ge [sflag:s8], $0x4000  }
0x1d9: {  	[sflag:s8] =	ssyncset.done $0x0  }
0x1da: {  	s1 =	rddreg [dreg:$0x6];
	[sflag:s8] =	ssyncadd.s32 $0xFFFFC000  }
0x1db: {  	[hbm4b:s1+s2] =	stream.linear.scatter [tilespmem:s7], [sflag:$0x3], $0x4000, $0x38;
	[tilespmem:$0x8C00] =	vst v63  }
0x1dc: {  	_ =	swait.ge [sflag:s3], $0x4000  }
0x1dd: {  	[sflag:s3] =	ssyncset.done $0x0  }
0x1de: {  	[sflag:s3] =	ssyncadd.s32 $0xFFFFC000  }
0x1df: {  	[tilespmem:s7], [sflag:$0x1] =	stream.indirect.gather [hbm4b:s23+s9], $0x80, s31, s9, $0xb8;
	[tilespmem:$0x8C00] =	vst v63  }
0x1e0: {  	_ =	swait.ge [sflag:s6], $0x4000  }
0x1e1: {  	[sflag:s6] =	ssyncset.done $0x0  }
0x1e2: {  	s1 =	rddreg [dreg:$0x7];
	[sflag:s6] =	ssyncadd.s32 $0xFFFFC000  }
0x1e3: {  	[hbm4b:s1+s2] =	stream.linear.scatter [tilespmem:s5], [sflag:$0x3], $0x4000, $0x38;
	[tilespmem:$0x8C00] =	vst v63  }
0x1e4: {  	_ =	swait.ge [sflag:s3], $0x4000  }
0x1e5: {  	[sflag:s3] =	ssyncset.done $0x0  }
0x1e6: {  	[sflag:s3] =	ssyncadd.s32 $0xFFFFC000  }
0x1e7: {  	[tilespmem:s5], [sflag:$0x2] =	stream.indirect.gather [hbm4b:s23+s9], $0x80, s30, s9, $0xb8;
	[tilespmem:$0x8C00] =	vst v63  }
0x1e8: {  	_ =	swait.ge [sflag:s8], $0x4000  }
0x1e9: {  	[sflag:s8] =	ssyncset.done $0x0  }
0x1ea: {  	s31 =	rddreg [dreg:$0x8];
	[sflag:s8] =	ssyncadd.s32 $0xFFFFC000  }
0x1eb: {  	[hbm4b:s31+s2] =	stream.linear.scatter [tilespmem:s7], [sflag:$0x3], $0x4000, $0x38;
	[tilespmem:$0x8C00] =	vst v63  }
0x1ec: {  	_ =	swait.ge [sflag:s3], $0x4000  }
0x1ed: {  	[sflag:s3] =	ssyncset.done $0x0  }
0x1ee: {  	[sflag:s3] =	ssyncadd.s32 $0xFFFFC000  }
0x1ef: {  	[tilespmem:s7], [sflag:$0x1] =	stream.indirect.gather [hbm4b:s23+s9], $0x80, s29, s9, $0xb8;
	[tilespmem:$0x8C00] =	vst v63  }
0x1f0: {  	_ =	swait.ge [sflag:s6], $0x4000  }
0x1f1: {  	[sflag:s6] =	ssyncset.done $0x0  }
0x1f2: {  	s1 =	rddreg [dreg:$0x9];
	[sflag:s6] =	ssyncadd.s32 $0xFFFFC000  }
0x1f3: {  	[hbm4b:s1+s2] =	stream.linear.scatter [tilespmem:s5], [sflag:$0x3], $0x4000, $0x38;
	[tilespmem:$0x8C00] =	vst v63  }
0x1f4: {  	_ =	swait.ge [sflag:s3], $0x4000  }
0x1f5: {  	[sflag:s3] =	ssyncset.done $0x0  }
0x1f6: {  	[sflag:s3] =	ssyncadd.s32 $0xFFFFC000  }
0x1f7: {  	[tilespmem:s5], [sflag:$0x2] =	stream.indirect.gather [hbm4b:s23+s9], $0x80, s28, s9, $0xb8;
	[tilespmem:$0x8C00] =	vst v63  }
0x1f8: {  	_ =	swait.ge [sflag:s8], $0x4000  }
0x1f9: {  	[sflag:s8] =	ssyncset.done $0x0  }
0x1fa: {  	s23 =	rddreg [dreg:$0xa];
	[sflag:s8] =	ssyncadd.s32 $0xFFFFC000  }
0x1fb: {  	[hbm4b:s23+s2] =	stream.linear.scatter [tilespmem:s7], [sflag:$0x3], $0x4000, $0x38;
	[tilespmem:$0x8C00] =	vst v63  }
0x1fc: {  	_ =	swait.ge [sflag:s3], $0x4000  }
0x1fd: {  	[sflag:s3] =	ssyncset.done $0x0  }
0x1fe: {  	[sflag:s3] =	ssyncadd.s32 $0xFFFFC000  }
0x1ff: {  	[tilespmem:s7], [sflag:$0x1] =	stream.indirect.gather [hbm4b:s4+s9], $0x80, s25, s9, $0xb8;
	[tilespmem:$0x8C00] =	vst v63  }
0x200: {  	_ =	swait.ge [sflag:s6], $0x4000  }
0x201: {  	[sflag:s6] =	ssyncset.done $0x0  }
0x202: {  	s25 =	rddreg [dreg:$0xb];
	[sflag:s6] =	ssyncadd.s32 $0xFFFFC000  }
0x203: {  	[hbm4b:s25+s2] =	stream.linear.scatter [tilespmem:s5], [sflag:$0x3], $0x4000, $0x38;
	[tilespmem:$0x8C00] =	vst v63  }
0x204: {  	_ =	swait.ge [sflag:s3], $0x4000  }
0x205: {  	[sflag:s3] =	ssyncset.done $0x0  }
0x206: {  	[sflag:s3] =	ssyncadd.s32 $0xFFFFC000  }
0x207: {  	[tilespmem:s5], [sflag:$0x2] =	stream.indirect.gather [hbm4b:s4+s9], $0x80, s26, s9, $0xb8;
	[tilespmem:$0x8C00] =	vst v63  }
0x208: {  	_ =	swait.ge [sflag:s8], $0x4000  }
0x209: {  	[sflag:s8] =	ssyncset.done $0x0  }
0x20a: {  	s28 =	rddreg [dreg:$0xc];
	[sflag:s8] =	ssyncadd.s32 $0xFFFFC000  }
0x20b: {  	[hbm4b:s28+s2] =	stream.linear.scatter [tilespmem:s7], [sflag:$0x3], $0x4000, $0x38;
	[tilespmem:$0x8C00] =	vst v63  }
0x20c: {  	_ =	swait.ge [sflag:s3], $0x4000  }
0x20d: {  	[sflag:s3] =	ssyncset.done $0x0  }
0x20e: {  	[sflag:s3] =	ssyncadd.s32 $0xFFFFC000  }
0x20f: {  	[tilespmem:s7], [sflag:$0x1] =	stream.indirect.gather [hbm4b:s4+s9], $0x80, s24, s9, $0xb8;
	[tilespmem:$0x8C00] =	vst v63  }
0x210: {  	_ =	swait.ge [sflag:s6], $0x4000  }
0x211: {  	[sflag:s6] =	ssyncset.done $0x0  }
0x212: {  	s29 =	rddreg [dreg:$0xd];
	[sflag:s6] =	ssyncadd.s32 $0xFFFFC000  }
0x213: {  	[hbm4b:s29+s2] =	stream.linear.scatter [tilespmem:s5], [sflag:$0x3], $0x4000, $0x38;
	[tilespmem:$0x8C00] =	vst v63  }
0x214: {  	_ =	swait.ge [sflag:s3], $0x4000  }
0x215: {  	[sflag:s3] =	ssyncset.done $0x0  }
0x216: {  	[sflag:s3] =	ssyncadd.s32 $0xFFFFC000  }
0x217: {  	[tilespmem:s5], [sflag:$0x2] =	stream.indirect.gather [hbm4b:s4+s9], $0x80, s22, s9, $0xb8;
	[tilespmem:$0x8C00] =	vst v63  }
0x218: {  	_ =	swait.ge [sflag:s8], $0x4000  }
0x219: {  	[sflag:s8] =	ssyncset.done $0x0  }
0x21a: {  	s30 =	rddreg [dreg:$0xe];
	[sflag:s8] =	ssyncadd.s32 $0xFFFFC000  }
0x21b: {  	[hbm4b:s30+s2] =	stream.linear.scatter [tilespmem:s7], [sflag:$0x3], $0x4000, $0x38;
	[tilespmem:$0x8C00] =	vst v63  }
0x21c: {  	_ =	swait.ge [sflag:s3], $0x4000  }
0x21d: {  	[sflag:s3] =	ssyncset.done $0x0  }
0x21e: {  	[sflag:s3] =	ssyncadd.s32 $0xFFFFC000  }
0x21f: {  	[tilespmem:s7], [sflag:$0x1] =	stream.indirect.gather [hbm4b:s4+s9], $0x80, s21, s9, $0xb8;
	[tilespmem:$0x8C00] =	vst v63  }
0x220: {  	_ =	swait.ge [sflag:s6], $0x4000  }
0x221: {  	[sflag:s6] =	ssyncset.done $0x0  }
0x222: {  	s31 =	rddreg [dreg:$0xf];
	[sflag:s6] =	ssyncadd.s32 $0xFFFFC000  }
0x223: {  	[hbm4b:s31+s2] =	stream.linear.scatter [tilespmem:s5], [sflag:$0x3], $0x4000, $0x38;
	[tilespmem:$0x8C00] =	vst v63  }
0x224: {  	_ =	swait.ge [sflag:s3], $0x4000  }
0x225: {  	[sflag:s3] =	ssyncset.done $0x0  }
0x226: {  	[sflag:s3] =	ssyncadd.s32 $0xFFFFC000  }
0x227: {  	[tilespmem:s5], [sflag:$0x2] =	stream.indirect.gather [hbm4b:s4+s9], $0x80, s20, s9, $0xb8;
	[tilespmem:$0x8C00] =	vst v63  }
0x228: {  	_ =	swait.ge [sflag:s8], $0x4000  }
0x229: {  	[sflag:s8] =	ssyncset.done $0x0  }
0x22a: {  	s1 =	rddreg [dreg:$0x10];
	[sflag:s8] =	ssyncadd.s32 $0xFFFFC000  }
0x22b: {  	[hbm4b:s1+s2] =	stream.linear.scatter [tilespmem:s7], [sflag:$0x3], $0x4000, $0x38;
	[tilespmem:$0x8C00] =	vst v63  }
0x22c: {  	_ =	swait.ge [sflag:s3], $0x4000  }
0x22d: {  	[sflag:s3] =	ssyncset.done $0x0  }
0x22e: {  	[sflag:s3] =	ssyncadd.s32 $0xFFFFC000  }
0x22f: {  	[tilespmem:s7], [sflag:$0x1] =	stream.indirect.gather [hbm4b:s4+s9], $0x80, s19, s9, $0xb8;
	[tilespmem:$0x8C00] =	vst v63  }
0x230: {  	_ =	swait.ge [sflag:s6], $0x4000  }
0x231: {  	[sflag:s6] =	ssyncset.done $0x0  }
0x232: {  	s19 =	rddreg [dreg:$0x11];
	[sflag:s6] =	ssyncadd.s32 $0xFFFFC000  }
0x233: {  	[hbm4b:s19+s2] =	stream.linear.scatter [tilespmem:s5], [sflag:$0x3], $0x4000, $0x38;
	[tilespmem:$0x8C00] =	vst v63  }
0x234: {  	_ =	swait.ge [sflag:s3], $0x4000  }
0x235: {  	[sflag:s3] =	ssyncset.done $0x0  }
0x236: {  	[sflag:s3] =	ssyncadd.s32 $0xFFFFC000  }
0x237: {  	[tilespmem:s5], [sflag:$0x2] =	stream.indirect.gather [hbm4b:s4+s9], $0x80, s18, s9, $0xb8;
	[tilespmem:$0x8C00] =	vst v63  }
0x238: {  	_ =	swait.ge [sflag:s8], $0x4000  }
0x239: {  	[sflag:s8] =	ssyncset.done $0x0  }
0x23a: {  	s20 =	rddreg [dreg:$0x12];
	[sflag:s8] =	ssyncadd.s32 $0xFFFFC000  }
0x23b: {  	[hbm4b:s20+s2] =	stream.linear.scatter [tilespmem:s7], [sflag:$0x3], $0x4000, $0x38;
	[tilespmem:$0x8C00] =	vst v63  }
0x23c: {  	_ =	swait.ge [sflag:s3], $0x4000  }
0x23d: {  	[sflag:s3] =	ssyncset.done $0x0  }
0x23e: {  	[sflag:s3] =	ssyncadd.s32 $0xFFFFC000  }
0x23f: {  	[tilespmem:s7], [sflag:$0x1] =	stream.indirect.gather [hbm4b:s4+s9], $0x80, s17, s9, $0xb8;
	[tilespmem:$0x8C00] =	vst v63  }
0x240: {  	_ =	swait.ge [sflag:s6], $0x4000  }
0x241: {  	[sflag:s6] =	ssyncset.done $0x0  }
0x242: {  	s21 =	rddreg [dreg:$0x13];
	[sflag:s6] =	ssyncadd.s32 $0xFFFFC000  }
0x243: {  	[hbm4b:s21+s2] =	stream.linear.scatter [tilespmem:s5], [sflag:$0x3], $0x4000, $0x38;
	[tilespmem:$0x8C00] =	vst v63  }
0x244: {  	_ =	swait.ge [sflag:s3], $0x4000  }
0x245: {  	[sflag:s3] =	ssyncset.done $0x0  }
0x246: {  	[sflag:s3] =	ssyncadd.s32 $0xFFFFC000  }
0x247: {  	[tilespmem:s5], [sflag:$0x2] =	stream.indirect.gather [hbm4b:s4+s9], $0x80, s16, s9, $0xb8;
	[tilespmem:$0x8C00] =	vst v63  }
0x248: {  	_ =	swait.ge [sflag:s8], $0x4000  }
0x249: {  	[sflag:s8] =	ssyncset.done $0x0  }
0x24a: {  	s22 =	rddreg [dreg:$0x14];
	[sflag:s8] =	ssyncadd.s32 $0xFFFFC000  }
0x24b: {  	[hbm4b:s22+s2] =	stream.linear.scatter [tilespmem:s7], [sflag:$0x3], $0x4000, $0x38;
	[tilespmem:$0x8C00] =	vst v63  }
0x24c: {  	_ =	swait.ge [sflag:s3], $0x4000  }
0x24d: {  	[sflag:s3] =	ssyncset.done $0x0  }
0x24e: {  	[sflag:s3] =	ssyncadd.s32 $0xFFFFC000  }
0x24f: {  	[tilespmem:s7], [sflag:$0x1] =	stream.indirect.gather [hbm4b:s4+s9], $0x80, s15, s9, $0xb8;
	[tilespmem:$0x8C00] =	vst v63  }
0x250: {  	_ =	swait.ge [sflag:s6], $0x4000  }
0x251: {  	[sflag:s6] =	ssyncset.done $0x0  }
0x252: {  	s23 =	rddreg [dreg:$0x15];
	[sflag:s6] =	ssyncadd.s32 $0xFFFFC000  }
0x253: {  	[hbm4b:s23+s2] =	stream.linear.scatter [tilespmem:s5], [sflag:$0x3], $0x4000, $0x38;
	[tilespmem:$0x8C00] =	vst v63  }
0x254: {  	_ =	swait.ge [sflag:s3], $0x4000  }
0x255: {  	[sflag:s3] =	ssyncset.done $0x0  }
0x256: {  	[sflag:s3] =	ssyncadd.s32 $0xFFFFC000  }
0x257: {  	[tilespmem:s5], [sflag:$0x2] =	stream.indirect.gather [hbm4b:s4+s9], $0x80, s14, s9, $0xb8;
	[tilespmem:$0x8C00] =	vst v63  }
0x258: {  	_ =	swait.ge [sflag:s8], $0x4000  }
0x259: {  	[sflag:s8] =	ssyncset.done $0x0  }
0x25a: {  	s24 =	rddreg [dreg:$0x16];
	[sflag:s8] =	ssyncadd.s32 $0xFFFFC000  }
0x25b: {  	[hbm4b:s24+s2] =	stream.linear.scatter [tilespmem:s7], [sflag:$0x3], $0x4000, $0x38;
	[tilespmem:$0x8C00] =	vst v63  }
0x25c: {  	_ =	swait.ge [sflag:s3], $0x4000  }
0x25d: {  	[sflag:s3] =	ssyncset.done $0x0  }
0x25e: {  	[sflag:s3] =	ssyncadd.s32 $0xFFFFC000  }
0x25f: {  	[tilespmem:s7], [sflag:$0x1] =	stream.indirect.gather [hbm4b:s4+s9], $0x80, s13, s9, $0xb8;
	[tilespmem:$0x8C00] =	vst v63  }
0x260: {  	_ =	swait.ge [sflag:s6], $0x4000  }
0x261: {  	[sflag:s6] =	ssyncset.done $0x0  }
0x262: {  	s25 =	rddreg [dreg:$0x17];
	[sflag:s6] =	ssyncadd.s32 $0xFFFFC000  }
0x263: {  	[hbm4b:s25+s2] =	stream.linear.scatter [tilespmem:s5], [sflag:$0x3], $0x4000, $0x38;
	[tilespmem:$0x8C00] =	vst v63  }
0x264: {  	_ =	swait.ge [sflag:s3], $0x4000  }
0x265: {  	[sflag:s3] =	ssyncset.done $0x0  }
0x266: {  	[sflag:s3] =	ssyncadd.s32 $0xFFFFC000  }
0x267: {  	[tilespmem:s5], [sflag:$0x2] =	stream.indirect.gather [hbm4b:s4+s9], $0x80, s12, s9, $0xb8;
	[tilespmem:$0x8C00] =	vst v63  }
0x268: {  	_ =	swait.ge [sflag:s8], $0x4000  }
0x269: {  	[sflag:s8] =	ssyncset.done $0x0  }
0x26a: {  	s26 =	rddreg [dreg:$0x18];
	[sflag:s8] =	ssyncadd.s32 $0xFFFFC000  }
0x26b: {  	[hbm4b:s26+s2] =	stream.linear.scatter [tilespmem:s7], [sflag:$0x3], $0x4000, $0x38;
	[tilespmem:$0x8C00] =	vst v63  }
0x26c: {  	_ =	swait.ge [sflag:s3], $0x4000  }
0x26d: {  	[sflag:s3] =	ssyncset.done $0x0  }
0x26e: {  	[sflag:s3] =	ssyncadd.s32 $0xFFFFC000  }
0x26f: {  	[tilespmem:s7], [sflag:$0x1] =	stream.indirect.gather [hbm4b:s4+s9], $0x80, s11, s9, $0xb8;
	[tilespmem:$0x8C00] =	vst v63  }
0x270: {  	_ =	swait.ge [sflag:s6], $0x4000  }
0x271: {  	[sflag:s6] =	ssyncset.done $0x0  }
0x272: {  	s28 =	rddreg [dreg:$0x19];
	[sflag:s6] =	ssyncadd.s32 $0xFFFFC000  }
0x273: {  	[hbm4b:s28+s2] =	stream.linear.scatter [tilespmem:s5], [sflag:$0x3], $0x4000, $0x38;
	[tilespmem:$0x8C00] =	vst v63  }
0x274: {  	_ =	swait.ge [sflag:s3], $0x4000  }
0x275: {  	[sflag:s3] =	ssyncset.done $0x0  }
0x276: {  	[sflag:s3] =	ssyncadd.s32 $0xFFFFC000  }
0x277: {  	[tilespmem:s5], [sflag:$0x2] =	stream.indirect.gather [hbm4b:s4+s9], $0x80, s10, s9, $0xb8;
	[tilespmem:$0x8C00] =	vst v63  }
0x278: {  	_ =	swait.ge [sflag:s8], $0x4000  }
0x279: {  	[sflag:s8] =	ssyncset.done $0x0  }
0x27a: {  	s29 =	rddreg [dreg:$0x1a];
	[sflag:s8] =	ssyncadd.s32 $0xFFFFC000  }
0x27b: {  	[hbm4b:s29+s2] =	stream.linear.scatter [tilespmem:s7], [sflag:$0x3], $0x4000, $0x38;
	[tilespmem:$0x8C00] =	vst v63  }
0x27c: {  	_ =	swait.ge [sflag:s3], $0x4000  }
0x27d: {  	[sflag:s3] =	ssyncset.done $0x0  }
0x27e: {  	[sflag:s3] =	ssyncadd.s32 $0xFFFFC000  }
0x27f: {  	_ =	swait.ge [sflag:s6], $0x4000  }
0x280: {  	[sflag:s6] =	ssyncset.done $0x0  }
0x281: {  	s30 =	rddreg [dreg:$0x1b];
	[sflag:s6] =	ssyncadd.s32 $0xFFFFC000  }
0x282: {  	[hbm4b:s30+s2] =	stream.linear.scatter [tilespmem:s5], [sflag:$0x3], $0x4000, $0x38;
	[tilespmem:$0x8C00] =	vst v63  }
0x283: {  	_ =	swait.ge [sflag:s3], $0x4000  }
0x284: {  	[sflag:s3] =	ssyncset.done $0x0  }
0x285: {  	[sflag:s3] =	ssyncadd.s32 $0xFFFFC000  }
0x286: {  	_ =	sfence.sel $0x180000  }
0x287: {  	[bflag:$0x0] =	sbarrier.arrive $0xFFFF  }
0x288: {  	_ =	strace $0x9000004A  }
0x289: {  	s31 =	stileid.u32;
	[bflag:$0x2] =	sbarrier.arrive $0xFFFF  }
0x28a: {  	p0 =	sne.s32 s31, $0x0;
	s0 =	rddreg [dreg:$0x1]  }
0x28b: {  	s0 =	sadd.s32 @!p0 $0x100000, s0  }
0x28c: {  	[sflag:s0] =	ssyncadd.tile.s32 @!p0 $0x1;
	_ =	shalt  }
.Lfunc_end2:
_tile_overlayer_lowered:
.L_overlay_start_2:
0x28d: {  	(tag) =	ssettag $0x2  }
0x28e: {  	s0 =	rddreg [dreg:$0x0];
	s2 =	stileid.u32  }
0x28f: {  	s1 =	rddreg [dreg:$0x1];
	p0 =	sne.s32 s2, $0x0  }
0x290: {  	s3 =	rddreg [dreg:$0x2];
	[bflag:$0x3] =	sbarrier.arrive $0xFFFF;
	s2 =	simm.s32 @!p0 $0x1C03  }
0x291: {  	[timem:s3], [sflag:s2] =	dma.local @!p0 [hbm:s0], s1  }
0x292: {  	s0 =	simm.s32 @!p0 $0x3  }
0x293: {  	_ =	swait.ge @!p0 [sflag:s0], s1  }
0x294: {  	s1 =	ssub.s32 @!p0 $0x0, s1;
	[sflag:s0] =	ssyncset.done @!p0 $0x0  }
0x295: {  	[sflag:s0] =	ssyncadd.s32 @!p0 s1  }
0x296: {  	[bflag:$0x3] =	sbarrier.arrive $0xFFFF  }
0x297: {  	_ =	shalt  }

// kernel: kernel.7.cloned.1.call-start
scs
__scs_entry_jumppad:
0x0: {  	(pc) =	sbr.rel $0x88, $3  }
0x1: {  	(tag) =	ssettag $0x0;
	lr =	simm.s32 $0x1  }
0x2: {  	[smem:$0x3F96] =	sst lr;
	_ =	strace $0xD0000000  }
0x3: {  	_ = 	snop  }
0x4: {  	_ = 	snop  }
0x5: {  	_ = 	snop  }
0x6: {  	_ = 	snop  }
0x7: {  	_ = 	snop  }
__scs_overlays_trampoline_lowered:
0x8: {  	[smem:$0x3FA5] =	sst s0  }
0x9: {  	[smem:$0x3FA6] =	sst s1  }
0xa: {  	[smem:$0x3FA7] =	sst s2  }
0xb: {  	[smem:$0x3FA8] =	sst s3  }
0xc: {  	[smem:$0x3FA9] =	sst s4  }
0xd: {  	[smem:$0x3FAA] =	sst s5  }
0xe: {  	[smem:$0x3FAB] =	sst s6  }
0xf: {  	[smem:$0x3FAC] =	sst s7  }
0x10: {  	[smem:$0x3FAD] =	sst s8  }
0x11: {  	[smem:$0x3FAE] =	sst s9;
	s0 =	simm.s32 @!p0 $0x0  }
0x12: {  	s1 =	sld [smem:$0x3F94];
	s0 =	simm.s32 @p0 $0x1  }
0x13: {  	[smem:$0x3FAF] =	sst s0;
	s0 =	simm.s32 @!p1 $0x0  }
0x14: {  	s2 =	sld [smem:$0x3F93];
	s0 =	simm.s32 @p1 $0x1  }
0x15: {  	[smem:$0x3FB0] =	sst s0;
	s0 =	simm.s32 @!p2 $0x0  }
0x16: {  	s3 =	sld [smem:$0x3FDB];
	s0 =	simm.s32 @p2 $0x1  }
0x17: {  	s4 =	simm.s32 $0x1BF5;
	[smem:$0x3FB2] =	sst s0  }
0x18: {  	s0 =	sld [smem:$0x3F95];
	_ =	swait.ge [sflag:s4], $0x0  }
0x19: {  	s7 =	sld [smem:$0x3F96]  }
0x1a: {  	s8 =	sadd.s32 $0xFFFFE003, lr  }
0x1b: {  	s9 =	sadd.s32 $0xFFFFFEF7, lr;
	s5 =	simm.s32 $0xFFFFFFFF;
	p2 =	slt.u32 s8, $0xFFFFF086  }
0x1c: {  	p1 =	slt.u32 s9, $0xF7A;
	s5 =	simm.s32 @!p2 $0x0  }
0x1d: {  	s5 =	simm.s32 @p1 $0x1;
	p0 =	seq.s32 s7, s2  }
0x1e: {  	s7 =	smul.u32 @!p0 $0xF7A, s2;
	p2 =	seq.s32 @!p0 s5, $0x0  }
0x1f: {  	s9 =	smul.u32 $0xF7A, s1;
	s8 =	simm.s32 @!p0 $0x1BF5;
	p2 =	por !p2, p0  }
0x20: {  	[sflag:s8] =	ssyncset.s32 @!p0 $0xFFFFF086;
	s6 =	sadd.s32 @!p0 s3, s7;
	s7 =	simm.s32 @!p0 $0x108  }
0x21: {  	s3 =	sadd.s32 s3, s9;
	s6 =	sadd.s32 @!p0 $0x88, s6;
	s7 =	simm.s32 @p2 $0x1082  }
0x22: {  	[simem:s7], [sflag:s8] =	dma.local @!p0 [hbm:s6], $0xF7A  }
0x23: {  	s9 =	sor.u32 $0xD0000000, s2;
	s6 =	simm.s32 $0x108;
	_ =	swait.ge @!p0 [sflag:s8], $0x0  }
0x24: {  	s3 =	sadd.s32 $0x88, s3;
	s6 =	simm.s32 @!p1 $0x1082;
	[sflag:s4] =	ssyncset.s32 $0xFFFFF086  }
0x25: {  	[simem:s6], [sflag:s4] =	dma.local [hbm:s3], $0xF7A  }
0x26: {  	[smem:$0x3F96] =	sst s1;
	(tag) =	ssettag s2;
	_ =	strace s9  }
0x27: {  	s1 =	sld [smem:$0x3FA6]  }
0x28: {  	s2 =	sld [smem:$0x3FA7]  }
0x29: {  	s4 =	sld [smem:$0x3FA9]  }
0x2a: {  	p0 =	seq.s32 s5, $0x0;
	s5 =	sld [smem:$0x3FAA]  }
0x2b: {  	s6 =	sld [smem:$0x3FAB]  }
0x2c: {  	s7 =	sld [smem:$0x3FAC]  }
0x2d: {  	s3 =	simm.s32 $0x108;
	s8 =	sld [smem:$0x3FAD]  }
0x2e: {  	s3 =	simm.s32 @!p0 $0x1082;
	s9 =	sld [smem:$0x3FAE]  }
0x2f: {  	lr =	sadd.s32 s0, s3;
	s0 =	sld [smem:$0x3FA5]  }
0x30: {  	s3 =	sld [smem:$0x3FA8]  }
0x31: {  	[smem:$0x3FB1] =	sst s10  }
0x32: {  	s10 =	sld [smem:$0x3FAF];
	_ =	sdelay $0x3  }
0x33: {  	p0 =	seq.s32 s10, $0x1;
	s10 =	sld [smem:$0x3FB1];
	_ =	sdelay $0x3  }
0x34: {  	[smem:$0x3FB1] =	sst s10  }
0x35: {  	s10 =	sld [smem:$0x3FB0];
	_ =	sdelay $0x3  }
0x36: {  	p1 =	seq.s32 s10, $0x1;
	s10 =	sld [smem:$0x3FB1];
	_ =	sdelay $0x3  }
0x37: {  	[smem:$0x3FB1] =	sst s10  }
0x38: {  	s10 =	sld [smem:$0x3FB2]  }
0x39: {  	_ = 	snop;
	(pc) =	sbr.ind lr, $3  }
0x3a: {  	_ = 	snop  }
0x3b: {  	_ = 	snop  }
0x3c: {  	p2 =	seq.s32 s10, $0x1;
	s10 =	sld [smem:$0x3FB1]  }
0x3d: {  	_ =	shalt  }
0x3e: {  	_ =	shalt  }
0x3f: {  	_ =	shalt  }
0x40: {  	_ =	shalt  }
0x41: {  	_ =	shalt  }
0x42: {  	_ =	shalt  }
0x43: {  	_ =	shalt  }
0x44: {  	_ =	shalt  }
0x45: {  	_ =	shalt  }
0x46: {  	_ =	shalt  }
0x47: {  	_ =	shalt  }
0x48: {  	_ =	shalt  }
0x49: {  	_ =	shalt  }
0x4a: {  	_ =	shalt  }
0x4b: {  	_ =	shalt  }
0x4c: {  	_ =	shalt  }
0x4d: {  	_ =	shalt  }
0x4e: {  	_ =	shalt  }
0x4f: {  	_ =	shalt  }
0x50: {  	_ =	shalt  }
0x51: {  	_ =	shalt  }
0x52: {  	_ =	shalt  }
0x53: {  	_ =	shalt  }
0x54: {  	_ =	shalt  }
0x55: {  	_ =	shalt  }
0x56: {  	_ =	shalt  }
0x57: {  	_ =	shalt  }
0x58: {  	_ =	shalt  }
0x59: {  	_ =	shalt  }
0x5a: {  	_ =	shalt  }
0x5b: {  	_ =	shalt  }
0x5c: {  	_ =	shalt  }
0x5d: {  	_ =	shalt  }
0x5e: {  	_ =	shalt  }
0x5f: {  	_ =	shalt  }
0x60: {  	_ =	shalt  }
0x61: {  	_ =	shalt  }
0x62: {  	_ =	shalt  }
0x63: {  	_ =	shalt  }
0x64: {  	_ =	shalt  }
0x65: {  	_ =	shalt  }
0x66: {  	_ =	shalt  }
0x67: {  	_ =	shalt  }
0x68: {  	_ =	shalt  }
0x69: {  	_ =	shalt  }
0x6a: {  	_ =	shalt  }
0x6b: {  	_ =	shalt  }
0x6c: {  	_ =	shalt  }
0x6d: {  	_ =	shalt  }
0x6e: {  	_ =	shalt  }
0x6f: {  	_ =	shalt  }
0x70: {  	_ =	shalt  }
0x71: {  	_ =	shalt  }
0x72: {  	_ =	shalt  }
0x73: {  	_ =	shalt  }
0x74: {  	_ =	shalt  }
0x75: {  	_ =	shalt  }
0x76: {  	_ =	shalt  }
0x77: {  	_ =	shalt  }
0x78: {  	_ =	shalt  }
0x79: {  	_ =	shalt  }
0x7a: {  	_ =	shalt  }
0x7b: {  	_ =	shalt  }
0x7c: {  	_ =	shalt  }
0x7d: {  	_ =	shalt  }
0x7e: {  	_ =	shalt  }
0x7f: {  	_ =	shalt  }
0x80: {  	_ =	shalt  }
0x81: {  	_ =	shalt  }
0x82: {  	_ =	shalt  }
0x83: {  	_ =	shalt  }
0x84: {  	_ =	shalt  }
0x85: {  	_ =	shalt  }
0x86: {  	_ =	shalt  }
0x87: {  	_ =	shalt  }
.Lfunc_end0:
.L_simem_size_0:
called_computation_lowered:
.L_overlay_start_0:
0x88: {  	s2 =	sld [smem:$0x3FD9]  }
0x89: {  	s3 =	sld [smem:$0x3FFE];
	_ =	sdelay $0x1  }
0x8a: {  	s1 =	srdreg.scid  }
0x8b: {  	s0 =	sand.u32 $0x1, s1  }
0x8c: {  	s17 =	sshll.u32 s0, $0xA;
	s2 =	sadd.s32 s3, s2  }
0x8d: {  	s2 =	sadd.s32 s2, s17  }
0x8e: {  	[smem:$0x3FBD] =	sst s2  }
0x8f: {  	_ = 	snop  }
0x90: {  	s2 =	sld [smem:$0x3FD0];
	(tm) =	ssettm $0x1  }
0x91: {  	s18 =	sld [smem:$0x3FFB];
	_ =	sdelay $0x3  }
0x92: {  	_ =	strace s18  }
0x93: {  	s3 =	sld [smem:$0x3FFC];
	_ =	sdelay $0x3  }
0x94: {  	_ =	strace s3  }
0x95: {  	s3 =	sld [smem:$0x3FFD];
	_ =	sdelay $0x3  }
0x96: {  	_ =	strace s3  }
0x97: {  	_ =	strace $0x8FFFFFFF  }
0x98: {  	s19 =	sld [smem:$0x3FDB];
	_ =	sdelay $0x1  }
0x99: {  	s4 =	simm.s32 $_scs_section_size  }
0x9a: {  	s5 =	simm.s32 $_size__tile_overlayer_lowered;
	s6 =	simm.s32 $_tile_overlayer_lowered  }
0x9b: {  	s22 =	simm.s32 $0x1BFF;
	s21 =	sshll.u32 s6, $0x1;
	s3 =	sadd.s32 s4, s19  }
0x9c: {  	s7 =	simm.s32 $0x0;
	s20 =	sshll.u32 s5, $0x1;
	s5 =	sadd.s32 s21, s3  }
0x9d: {  	[timem:s7], [sflag:s22] =	dma.local [hbm:s5], s20  }
0x9e: {  	_ =	swait.ge [sflag:s22], s20  }
0x9f: {  	s4 =	ssub.s32 $0x0, s20;
	[sflag:s22] =	ssyncset.done $0x0  }
0xa0: {  	[sflag:s22] =	ssyncadd.s32 s4;
	_ =	sdelay $0x1  }
0xa1: {  	s23 =	simm.s32 $0x1B8B  }
0xa2: {  	_ =	swait.ge [sflag:s23], $0x1  }
0xa3: {  	[sflag:s23] =	ssyncset.done $0x0  }
0xa4: {  	s25 =	simm.s32 $0x1B8E;
	s24 =	sld [smem:$0x3FFE];
	[sflag:s23] =	ssyncadd.s32 $0xFFFFFFFF  }
0xa5: {  	s26 =	simm.s32 $execute0_lowered;
	[smem:$0x3FD2] =	sst s25  }
0xa6: {  	s5 =	sshll.u32 s26, $0x1;
	_ =	strace $0x80000046;
	[dreg:$0x1] =	wrdreg $0xFFFFFFFF  }
0xa7: {  	s28 =	simm.s32 $_size_execute0_lowered;
	s3 =	sadd.s32 s3, s5;
	[dreg:$0x0] =	wrdreg $0x0  }
0xa8: {  	s5 =	sshll.u32 s28, $0x1;
	[dreg:$0x2] =	wrdreg s3  }
0xa9: {  	[dreg:$0x3] =	wrdreg s5  }
0xaa: {  	[dreg:$0x4] =	wrdreg $0xC0  }
0xab: {  	_ =	task [dreg:s7], $0x5FFFF  }
0xac: {  	[dreg:$0x1] =	wrdreg $0xFFFFFFFF  }
0xad: {  	[dreg:$0x0] =	wrdreg $0x60  }
0xae: {  	[dreg:$0x2] =	wrdreg s2  }
0xaf: {  	[dreg:$0x3] =	wrdreg s24  }
0xb0: {  	[dreg:$0x4] =	wrdreg $0x9  }
0xb1: {  	_ =	task.clear_ibuf [dreg:s7], $0x5FFFF;
	_ =	strace $0x90000046  }
0xb2: {  	s29 =	simm.s32 $0x9;
	_ =	strace $0x80000048  }
0xb3: {  	_ =	swait.ge [sflag:s29], $0x1  }
0xb4: {  	[sflag:s29] =	ssyncadd.s32 $0xFFFFFFFF  }
0xb5: {  	_ =	strace $0x90000048  }
0xb6: {  	_ =	sfence  }
0xb7: {  	s30 =	sld [smem:$0x0];
	_ =	sdelay $0x2  }
0xb8: {  	s31 =	sshll.u32 s1, $0xD;
	s1 =	sshrl.u32 s1, $0x2  }
0xb9: {  	s3 =	sand.u32 $0x4000, s31;
	s1 =	sadd.s32 s1, s30  }
0xba: {  	s0 =	sor.u32 s3, s0;
	s1 =	sshll.u32 s1, $0x11  }
0xbb: {  	s0 =	sor.u32 s1, s0  }
0xbc: {  	s0 =	sadd.s32 $0x8F2B, s0  }
0xbd: {  	[sflag:s0] =	ssyncadd.remote.s32 $0x1  }
0xbe: {  	_ =	sfence.sel $0xFFFF  }
0xbf: {  	[dreg:$0x0] =	wrdreg $0xFFFFFFFF;
	(pc) =	sbr.abs _section_cstart, $3  }
0xc0: {  	[dreg:$0x1] =	wrdreg $0xFFFFFFFF  }
0xc1: {  	_ =	task.clear_ibuf [dreg:s7], $0x2FFFF;
	_ =	strace $0x9FFFFFFF  }
0xc2: {  	(tm) =	ssettm $0x7FFFFFFF  }
0xc3: {  	_ =	shalt  }
tec
execute0_lowered:
.L_overlay_start_1:
0x0: {  	(tag) =	ssettag $0x1  }
0x1: {  	s3 =	rddreg [dreg:$0x0]  }
0x2: {  	s4 =	rddreg [dreg:$0x1];
	s1 =	simm.s32 $0x0  }
0x3: {  	[smem:$0x7FF] =	sst s1  }
0x4: {  	s0 =	rddreg [dreg:$0x2];
	v0 =	vimm.f32 $1.000000000e+00;
	_ =	strace $0x80000047  }
0x5: {  	(xrf0) =	vmax.scan.msk.f32 $0xffff, v0;
	_ =	sdelay $0x5  }
0x6: {  	v0, _, _ =	vpop (xrf0)  }
0x7: {  	(v2sf) =	vpush v0, $0xF;
	_ =	sdelay $0x3  }
0x8: {  	s5 =	srdreg.scid;
	s2 =	stileid.u32  }
0x9: {  	s5 =	sand.u32 $0x1, s5;
	s6 =	sshll.u32 s2, $0x1  }
0xa: {  	s13 =	simm.s32 $0x0;
	s7 =	sshrl.u32 s2, $0x2;
	s6 =	sor.u32 s5, s6  }
0xb: {  	s9 =	sshll.u32 s7, $0x9;
	s5 =	ssub.s32 $0x2, s5;
	s11 =	smul.u32 $0x1800, s7  }
0xc: {  	s30 =	sshll.u32 s7, $0xE;
	s12 =	sshllo.u32 s7, $0xE;
	s8 =	sshll.u32 s6, $0x6  }
0xd: {  	s29 =	sshll.u32 s6, $0x7;
	s6 =	sshll.u32 s6, $0x8;
	s8 =	sand.u32 $0x1C0, s8  }
0xe: {  	s10 =	sshrl.u32 s5, $0x1;
	v3 =	vmov s12;
	s12 =	simm.s32 $0x10100;
	s8 =	sor.u32 s9, s8  }
0xf: {  	s6 =	sadd.s32 s6, s4;
	s10 =	ssub.s32 s5, s10;
	s8 =	smul.u32 $0x3, s8  }
.Ltmp0:
0x10: {  	s3 =	sadd.s32 s3, s11;
	s11 =	simm.s32 $0x10500;
	(pc) =	sbr.rel .LBB2_1-.Ltmp0, $4  }
0x11: {  	vm0 =	vmmov $0xffff;
	v6 =	vimm.s32 $0x0;
	s9 =	sadd.s32 s29, s4;
	s6 =	sadd.s32 $0x103E00, s6;
	s7 =	smax.u32 s10, $0x1;
	v0 =	vlaneseq.u32  }
0x12: {  	v6 =	vsel vm0, $0xFFFFFFFF, v6;
	s10 =	simm.s32 $0xC000;
	s5 =	sadd.s32 $0x102E00, s9;
	s8 =	sshrl.u32 s8, $0x3;
	v1 =	vmul.u32 $0x3, v0  }
0x13: {  	v7 =	vimm.s32 $0x0;
	[tilespmem:$0x1FFF0] =	vst v6;
	v6 =	vimm.f32 $0.0e+00;
	s9 =	simm.s32 $0x10000;
	s8 =	sadd.s32 s8, s4;
	s31 =	spop (v2sf)  }
0x14: {  	v2 =	vmov s30;
	s4 =	sadd.s32 $0x102A00, s8;
	s8 =	simm.s32 $0x1;
	v4 =	vadd.s32 $0x1, v1;
	v5 =	vadd.s32 $0x2, v1;
	p0 =	sgt.f32 s31, $0.0e+00  }
.LBB2_15:
0x15: {  	[hbm4b:s5+s1] =	stream.linear.scatter [tilespmem:s12], [sflag:$0x1], $0x400, $0x38;
	[tilespmem:$0x10D00] =	vst v63  }
0x16: {  	s13 =	sadd.s32 $0x1, s13;
	_ =	swait.ge [sflag:s8], $0x400  }
0x17: {  	p1 =	sne.s32 s13, s7;
	[sflag:s8] =	ssyncset.done $0x0  }
.Ltmp1:
0x18: {  	[sflag:s8] =	ssyncadd.s32 $0xFFFFFC00;
	(pc) =	sbr.rel @!p1 .LBB2_16-.Ltmp1, $4  }
0x19: {  	[hbm4b:s6+s1] =	stream.linear.scatter [tilespmem:s11], [sflag:$0x1], $0x800, $0x38;
	[tilespmem:$0x10D00] =	vst v63  }
0x1a: {  	_ =	swait.ge [sflag:s8], $0x800  }
0x1b: {  	[sflag:s8] =	ssyncset.done $0x0  }
0x1c: {  	[sflag:s8] =	ssyncadd.s32 $0xFFFFF800  }
.LBB2_1:
0x1d: {  	[tilespmem:s1], [sflag:$0x1] =	stream.linear.gather [hbm4b:s3+s1], $0xC000, $0x38;
	v8 =	vmov s1;
	[tilespmem:$0x10D00] =	vst v63  }
0x1e: {  	_ =	swait.ge [sflag:s8], $0xC000;
	v9 =	vmul.u32 $0x3, v8  }
0x1f: {  	[sflag:s8] =	ssyncset.done $0x0  }
0x20: {  	[sflag:s8] =	ssyncadd.s32 $0xFFFF4000;
	v10 =	vadd.s32 v1, v9  }
0x21: {  	v8 =	vadd.s32 v4, v9;
	[tilespmem:s9], [sflag:$0x1] =	stream.linear.gather [hbm4b:s4+s1], $0xC0, $0x38;
	[tilespmem:$0x10D00] =	vst v63  }
0x22: {  	v9 =	vadd.s32 v5, v9;
	_ =	swait.ge [sflag:s8], $0xC0  }
0x23: {  	[sflag:s8] =	ssyncset.done $0x0  }
0x24: {  	[sflag:s8] =	ssyncadd.s32 $0xFFFFFF40  }
0x25: {  	v11 =	vld.idx.msk [tilespmem:v10+s1+$0x0], $0xffff  }
0x26: {  	v12 =	vld.idx.msk [tilespmem:v8+s1+$0x0], $0xffff  }
0x27: {  	v14 =	vld.idx.msk [tilespmem:v9+s1+$0x0], $0xffff;
	_ =	sdelay $0x1  }
0x28: {  	s15 =	simm.s32 $0x10  }
0x29: {  	v16 =	vor.u32 s1, v0;
	v63 =	vmov s15  }
0x2a: {  	v13 =	vmul.f32 v11, v11;
	v15 =	vshrl.u32 v11, $0x10;
	v17 =	vmul.f32 v12, v12  }
0x2b: {  	v18 =	vshrl.u32 v12, $0x10;
	v19 =	vmul.f32 v14, v14;
	v15 =	vand.u32 $0x1, v15  }
0x2c: {  	v11 =	vadd.s32 v15, v11;
	v15 =	vand.u32 $0x1, v18;
	v13 =	vadd.f32 v17, v13  }
0x2d: {  	v18 =	vmul.u32 $0x3, v63;
	v17 =	vadd.s32 $0x7FFF, v11;
	v11 =	vshrl.u32 v14, $0x10  }
0x2e: {  	v12 =	vadd.s32 v15, v12;
	v15 =	vadd.f32 v19, v13;
	v11 =	vand.u32 $0x1, v11  }
0x2f: {  	v12 =	vadd.s32 $0x7FFF, v12;
	v13 =	vadd.s32 v1, v18;
	v14 =	vadd.s32 v11, v14  }
0x30: {  	v11 =	vadd.s32 v4, v18;
	[tilespmem:v16+s10+$0x0] =	vst.idx.msk $0xffff, v15;
	v15 =	vand.u32 $0xFFFF0000, v17;
	v16 =	vadd.s32 $0x7FFF, v14  }
0x31: {  	s16 =	simm.s32 $0x20;
	s14 =	simm.s32 $0x0;
	v14 =	vand.u32 $0xFFFF0000, v12;
	v12 =	vadd.s32 v5, v18;
	[tilespmem:v10+s1+$0x0] =	vst.idx.msk $0xffff, v15;
	v15 =	vand.u32 $0xFFFF0000, v16;
	v10 =	vmovc v13  }
.LBB2_2:
0x32: {  	p1 =	sne.s32 s16, $0x3FF0;
	[tilespmem:v8+s14+$0x0] =	vst.idx.msk $0xffff, v14;
	v8 =	vmov v11;
	s17 =	smov.u32 s16;
	s16 =	sadd.s32 $0x10, s16  }
0x33: {  	[tilespmem:v9+s14+$0x0] =	vst.idx.msk $0xffff, v15;
	s14 =	simm.s32 $0x0;
	v9 =	vmov v12  }
0x34: {  	v13 =	vld.idx.msk [tilespmem:v13+s14+$0x0], $0xffff  }
0x35: {  	v11 =	vld.idx.msk [tilespmem:v11+s14+$0x0], $0xffff  }
0x36: {  	v12 =	vld.idx.msk [tilespmem:v12+s14+$0x0], $0xffff;
	_ =	sdelay $0x3  }
0x37: {  	v15 =	vor.u32 s15, v0;
	s15 =	smov.u32 s17;
	v14 =	vmul.f32 v13, v13;
	v16 =	vshrl.u32 v13, $0x10  }
0x38: {  	v17 =	vmul.f32 v11, v11;
	v16 =	vand.u32 $0x1, v16;
	v18 =	vshrl.u32 v11, $0x10  }
0x39: {  	v19 =	vmul.f32 v12, v12;
	v13 =	vadd.s32 v16, v13;
	v16 =	vand.u32 $0x1, v18  }
0x3a: {  	v18 =	vmov s15;
	v14 =	vadd.f32 v17, v14;
	v17 =	vadd.s32 $0x7FFF, v13  }
.Ltmp2:
0x3b: {  	v18 =	vmul.u32 $0x3, v18;
	v11 =	vadd.s32 v16, v11;
	v13 =	vshrl.u32 v12, $0x10;
	(pc) =	sbr.rel @p1 .LBB2_2-.Ltmp2, $4  }
0x3c: {  	v16 =	vadd.s32 $0x7FFF, v11;
	v14 =	vadd.f32 v19, v14;
	v19 =	vand.u32 $0x1, v13  }
0x3d: {  	v13 =	vadd.s32 v1, v18;
	v11 =	vadd.s32 v4, v18;
	v12 =	vadd.s32 v19, v12  }
0x3e: {  	[tilespmem:v15+s10+$0x0] =	vst.idx.msk $0xffff, v14;
	v15 =	vand.u32 $0xFFFF0000, v17;
	v14 =	vand.u32 $0xFFFF0000, v16;
	v16 =	vadd.s32 $0x7FFF, v12  }
0x3f: {  	v12 =	vadd.s32 v5, v18;
	[tilespmem:v10+s14+$0x0] =	vst.idx.msk $0xffff, v15;
	v15 =	vand.u32 $0xFFFF0000, v16;
	v10 =	vmov v13  }
0x40: {  	_ =	sdelay $0x3  }
0x41: {  	[tilespmem:v8+s14+$0x0] =	vst.idx.msk $0xffff, v14  }
0x42: {  	[tilespmem:v9+s14+$0x0] =	vst.idx.msk $0xffff, v15  }
0x43: {  	v8 =	vld.idx.msk [tilespmem:v13+s14+$0x0], $0xffff  }
0x44: {  	v9 =	vld.idx.msk [tilespmem:v11+s14+$0x0], $0xffff;
	_ =	sdelay $0x1  }
0x45: {  	v58 =	vld.idx.msk [tilespmem:v12+s14+$0x0], $0xffff;
	_ =	sdelay $0x2  }
0x46: {  	v59 =	vmul.f32 v8, v8;
	v60 =	vmul.f32 v9, v9  }
0x47: {  	v16 =	vor.u32 s15, v0  }
0x48: {  	v17 =	vshrl.u32 v8, $0x10;
	v18 =	vmul.f32 v58, v58;
	v14 =	vadd.f32 v60, v59  }
0x49: {  	v61 =	vshrl.u32 v9, $0x10;
	v62 =	vshrl.u32 v58, $0x10;
	v17 =	vand.u32 $0x1, v17  }
0x4a: {  	v15 =	vand.u32 $0x1, v61;
	v8 =	vadd.s32 v17, v8;
	v14 =	vadd.f32 v18, v14  }
.Ltmp3:
0x4b: {  	v63 =	vand.u32 $0x1, v62;
	v9 =	vadd.s32 v15, v9;
	v8 =	vadd.s32 $0x7FFF, v8;
	(pc) =	sbr.rel .LBB2_4-.Ltmp3, $4  }
0x4c: {  	v13 =	vadd.s32 v63, v58;
	v9 =	vadd.s32 $0x7FFF, v9;
	v8 =	vand.u32 $0xFFFF0000, v8;
	[tilespmem:v16+s10+$0x0] =	vst.idx.msk $0xffff, v14  }
0x4d: {  	v13 =	vadd.s32 $0x7FFF, v13;
	v9 =	vand.u32 $0xFFFF0000, v9;
	[tilespmem:v10+s14+$0x0] =	vst.idx.msk $0xffff, v8  }
0x4e: {  	v8 =	vand.u32 $0xFFFF0000, v13;
	[tilespmem:v11+s14+$0x0] =	vst.idx.msk $0xffff, v9  }
0x4f: {  	[tilespmem:v12+s14+$0x0] =	vst.idx.msk $0xffff, v8  }
.LBB2_13:
0x50: {  	v9 =	vpsel p1, v12, v12  }
0x51: {  	s15 =	smov.u32 @p1 s15;
	v11 =	vpsel p1, v10, v10;
	v10 =	vpsel p1, v15, v15;
	v8 =	vpsel p1, v14, v14  }
.LBB2_14:
0x52: {  	v12 =	vor.u32 v0, v11;
	_ =	sdelay $0x3  }
0x53: {  	v60 =	vld.idx.msk [tilespmem:v11+s12+$0x0], $0xffff  }
0x54: {  	v13 =	vld.idx.msk [tilespmem:v12+s12+$0x0], $0xffff;
	_ =	sdelay $0x2  }
0x55: {  	vm0 =	vgt.s32 v10, $0x0;
	v14 =	vor.u32 v0, v9  }
0x56: {  	vm12 =	vgt.s32 v10, v0;
	v11 =	vsel vm0, v60, v3  }
0x57: {  	v10 =	vsel vm12, v13, v11  }
0x58: {  	[tilespmem:v12+s12+$0x0] =	vst.idx.msk $0xffff, v10  }
0x59: {  	v61 =	vld.idx.msk [tilespmem:v9+s11+$0x0], $0xffff  }
0x5a: {  	v10 =	vld.idx.msk [tilespmem:v14+s11+$0x0], $0xffff  }
0x5b: {  	s15 =	sor.u32 $0x10, s15  }
0x5c: {  	v62 =	vor.u32 s15, v0  }
0x5d: {  	vm13 =	vgt.s32 v8, $0x0  }
0x5e: {  	vm14 =	vgt.s32 v8, v0;
	v9 =	vsel vm13, v61, v3  }
0x5f: {  	v10 =	vsel vm14, v10, v9  }
0x60: {  	[tilespmem:v14+s11+$0x0] =	vst.idx.msk $0xffff, v10  }
0x61: {  	s14 =	sadd.s32 $0x1, s14;
	v10 =	vld.idx.msk [tilespmem:v62+s11+$0x0], $0xffff  }
0x62: {  	p1 =	sne.s32 s14, $0x40  }
.Ltmp4:
0x63: {  	_ = 	snop;
	(pc) =	sbr.rel @!p1 .LBB2_15-.Ltmp4, $4  }
0x64: {  	v63 =	vor.u32 $0x10, v0  }
0x65: {  	vm15 =	vgt.s32 v8, v63  }
0x66: {  	v8 =	vsel vm15, v10, v9  }
0x67: {  	[tilespmem:v62+s11+$0x0] =	vst.idx.msk $0xffff, v8  }
.LBB2_4:
.Ltmp5:
0x68: {  	(pc) =	sbr.rel @!p0 .LBB2_5-.Ltmp5, $2  }
0x69: {  	_ =	sdelay $0x2  }
0x6a: {  	s16 =	sshll.u32 s14, $0x4  }
0x6b: {  	s15 =	smul.u32 $0x3, s14;
	_ =	sdelay $0x1  }
0x6c: {  	v8 =	vmov s15  }
0x6d: {  	v9 =	vadd.s32 $0x1, v8;
	_ =	sdelay $0x1  }
0x6e: {  	v10 =	vadd.s32 $0x2, v8;
	_ =	sdelay $0x1  }
0x6f: {  	v11 =	vld.idx.msk [tilespmem:v8+s9+$0x0], $0xffff  }
0x70: {  	v9 =	vld.idx.msk [tilespmem:v9+s9+$0x0], $0xffff;
	_ =	sdelay $0x1  }
0x71: {  	v10 =	vld.idx.msk [tilespmem:v10+s9+$0x0], $0xffff  }
0x72: {  	v15 =	vld [tilespmem:$0x1FFF0];
	_ =	sdelay $0x1  }
0x73: {  	v8 =	vmul.f32 v11, v11;
	v12 =	vmul.f32 v9, v9;
	_ =	sdelay $0x1  }
0x74: {  	v8 =	vadd.f32 v12, v8;
	v12 =	vmul.f32 v10, v10  }
0x75: {  	vm11 =	vnez.u8 v15  }
0x76: {  	v15 =	vimm.s32 $0x0;
	v8 =	vadd.f32 v12, v8;
	v12 =	vshrl.u32 v11, $0x10  }
0x77: {  	vm10 =	vmmov vm11;
	v13 =	vshrl.u32 v9, $0x10;
	v12 =	vand.u32 $0x1, v12  }
.Ltmp6:
0x78: {  	v14 =	vshrl.u32 v10, $0x10;
	v11 =	vadd.s32 v12, v11;
	v12 =	vand.u32 $0x1, v13;
	(pc) =	sbr.rel .LBB2_7-.Ltmp6, $4  }
0x79: {  	v13 =	vand.u32 $0x1, v14;
	v14 =	vimm.s32 $0x0;
	v11 =	vadd.s32 $0x7FFF, v11  }
0x7a: {  	s15 =	sshll.u32 s14, $0x5;
	v12 =	vadd.s32 v12, v9;
	v10 =	vadd.s32 v13, v10;
	v9 =	vand.u32 $0xFFFF0000, v11  }
0x7b: {  	v11 =	vadd.s32 $0x7FFF, v12;
	v10 =	vadd.s32 $0x7FFF, v10;
	v12 =	vmov s15  }
0x7c: {  	v11 =	vand.u32 $0xFFFF0000, v11;
	v13 =	vand.u32 $0xFFFF0000, v10;
	v10 =	vmov s16;
	s16 =	simm.s32 $0x0  }
.LBB2_11:
0x7d: {  	v38 =	vsel vm9, $0x1, v7  }
0x7e: {  	v42 =	vsel vm8, $0x1, v7;
	v51 =	vld [tilespmem:$0x1FFB0];
	(xrf0) =	vadd.scan.msk.s32 $0xffff, v38  }
0x7f: {  	(xrf0) =	vadd.scan.msk.s32 $0xffff, v42  }
0x80: {  	v43 =	vsel vm7, $0x1, v7;
	v44 =	vsel vm4, $0x1, v7;
	v45 =	vsel vm6, $0x1, v7  }
0x81: {  	v39 =	vsel vm9, $0xFFFFFFFF, v7;
	v47 =	vsel vm11, $0x1, v7;
	v48 =	vsel vm8, $0xFFFFFFFF, v7;
	(xrf0) =	vadd.scan.msk.s32 $0xffff, v43  }
0x82: {  	v49 =	vsel vm5, $0x1, v7;
	v50 =	vsel vm7, $0xFFFFFFFF, v7;
	v55 =	vsel vm4, $0xFFFFFFFF, v7;
	(xrf0) =	vadd.scan.msk.s32 $0xffff, v44  }
0x83: {  	v56 =	vsel vm11, $0xFFFFFFFF, v7;
	v60 =	vsel vm5, $0xFFFFFFFF, v7;
	vm10 =	vnez.u8 v51  }
0x84: {  	vm14 =	vmmov vm5;
	v39 =	vadd.s32 v39, v15;
	(xrf0) =	vadd.scan.msk.s32 $0xffff, v45;
	v57 =	vsel vm10, $0xFFFFFFFF, v7;
	v46, _, _ =	vpop (xrf0)  }
0x85: {  	v15 =	vadd.s32 v15, v37;
	v42 =	vsel vm6, $0xFFFFFFFF, v7;
	v59 =	vadd.s32 v57, v31;
	v40, _, _ =	vpop (xrf0)  }
0x86: {  	v38 =	vadd.s32 v46, v39;
	v39 =	vsel vm10, $0x1, v7;
	v37 =	vadd.s32 v48, v40  }
0x87: {  	(xrf0) =	vadd.scan.msk.s32 $0xffff, v47;
	v41, _, _ =	vpop (xrf0);
	vm0 =	vlt.s32 v38, $0x10;
	v38 =	vadd.s32 v10, v38;
	v37 =	vadd.s32 v15, v37  }
0x88: {  	v15 =	vadd.s32 v36, v15;
	v52 =	vadd.s32 v50, v41;
	v53, _, _ =	vpop (xrf0);
	vm0 =	vmand vm9, vm0  }
0x89: {  	(xrf0) =	vadd.scan.msk.s32 $0xffff, v49;
	v35 =	vadd.s32 v35, v15;
	v40 =	vadd.s32 v55, v53;
	v36 =	vadd.s32 v15, v52  }
0x8a: {  	v54, _, _ =	vpop (xrf0);
	vm1 =	vlt.s32 v37, $0x10;
	v37 =	vadd.s32 v10, v37;
	v34 =	vadd.s32 v34, v35  }
0x8b: {  	(xrf0) =	vadd.scan.msk.s32 $0xffff, v39;
	v39 =	vadd.s32 v42, v54;
	v35 =	vadd.s32 v35, v40;
	vm1 =	vmand vm8, vm1  }
0x8c: {  	vm2 =	vlt.s32 v36, $0x10;
	v36 =	vadd.s32 v10, v36;
	v39 =	vadd.s32 v34, v39  }
0x8d: {  	v15, _, _ =	vpop (xrf0);
	v33 =	vadd.s32 v33, v34;
	vm2 =	vmand vm7, vm2;
	vm3 =	vlt.s32 v35, $0x10  }
0x8e: {  	v35 =	vadd.s32 v10, v35;
	v34 =	vadd.s32 v56, v15;
	v15 =	vadd.s32 v32, v33  }
0x8f: {  	v58, _, _ =	vpop (xrf0);
	vm3 =	vmand vm4, vm3;
	vm13 =	vlt.s32 v39, $0x10;
	v39 =	vadd.s32 v10, v39  }
0x90: {  	v33 =	vadd.s32 v33, v34;
	v32 =	vadd.s32 v15, v59;
	v34 =	vadd.s32 v60, v58  }
0x91: {  	v61, _, _ =	vpop (xrf0);
	vm4 =	vmand vm6, vm13;
	vm15 =	vlt.s32 v33, $0x10;
	v34 =	vadd.s32 v15, v34  }
0x92: {  	v32 =	vadd.s32 v61, v32;
	vm5 =	vmand vm11, vm15;
	vm12 =	vlt.s32 v34, $0x10  }
0x93: {  	[tilespmem:v38+s12+$0x0] =	vst.idx.msk vm0, v29;
	v29 =	vadd.s32 v10, v33;
	vm13 =	vmand vm14, vm12;
	vm14 =	vlt.s32 v32, $0x10  }
0x94: {  	v62 =	vadd.s32 v10, v34;
	[tilespmem:v37+s12+$0x0] =	vst.idx.msk vm1, v27;
	vm15 =	vmand vm10, vm14  }
0x95: {  	v63 =	vadd.s32 v10, v32;
	[tilespmem:v36+s12+$0x0] =	vst.idx.msk vm2, v25  }
0x96: {  	[tilespmem:v35+s12+$0x0] =	vst.idx.msk vm3, v23  }
0x97: {  	[tilespmem:v39+s12+$0x0] =	vst.idx.msk vm4, v24  }
0x98: {  	[tilespmem:v29+s12+$0x0] =	vst.idx.msk vm5, v26  }
0x99: {  	[tilespmem:v62+s12+$0x0] =	vst.idx.msk vm13, v28  }
0x9a: {  	[tilespmem:v63+s12+$0x0] =	vst.idx.msk vm15, v30  }
.LBB2_12:
0x9b: {  	v14 =	vadd.s32 v14, v16  }
0x9c: {  	v14 =	vadd.s32 v17, v14;
	v17 =	vld [tilespmem:$0x1FFD0];
	_ =	sdelay $0x2  }
0x9d: {  	v14 =	vadd.s32 v18, v14  }
0x9e: {  	v14 =	vadd.s32 v21, v14  }
0x9f: {  	v14 =	vadd.s32 v22, v14;
	vm0 =	vnez.u8 v17  }
0xa0: {  	v16 =	vmpcnt.ones.xlane vm10;
	v14 =	vadd.s32 v20, v14;
	v17 =	vmpcnt.ones.xlane vm0  }
0xa1: {  	v15 =	vadd.s32 v31, v15;
	v14 =	vadd.s32 v19, v14  }
0xa2: {  	v15 =	vadd.s32 v16, v15;
	v14 =	vadd.s32 v17, v14  }
0xa3: {  	vm11 =	vlt.s32 v15, $0x10;
	vm10 =	vlt.s32 v14, $0x20  }
0xa4: {  	vm15 =	vmor vm11, vm10  }
0xa5: {  	v16 =	vsel vm15, $0x3F800000, v6  }
0xa6: {  	(xrf0) =	vmax.scan.msk.f32 $0xffff, v16;
	_ =	sdelay $0x5  }
0xa7: {  	v16, _, _ =	vpop (xrf0)  }
0xa8: {  	(v2sf) =	vpush v16, $0xF;
	_ =	sdelay $0xd  }
0xa9: {  	s17 =	sadd.s32 $0xFFFFFF90, s16  }
0xaa: {  	p1 =	sgt.u32 s17, $0x3F7F;
	s17 =	spop (v2sf)  }
0xab: {  	p2 =	sgt.f32 @!p1 s17, $0.0e+00;
	_ =	sdelay $0x1  }
0xac: {  	p2 =	por p1, !p2  }
.Ltmp7:
0xad: {  	_ = 	snop;
	(pc) =	sbr.rel @p2 .LBB2_13-.Ltmp7, $2  }
0xae: {  	_ =	sdelay $0x2  }
0xaf: {  	s16 =	sadd.s32 $0x10, s16  }
.LBB2_7:
0xb0: {  	v16 =	vor.u32 s16, v0;
	s17 =	sadd.s32 $0x10, s16  }
0xb1: {  	v18 =	vmul.u32 $0x3, v16;
	v17 =	vor.u32 s17, v0  }
0xb2: {  	s26 =	sadd.s32 $0x20, s16;
	s28 =	sadd.s32 $0x30, s16;
	s29 =	sadd.s32 $0x40, s16  }
0xb3: {  	s30 =	sadd.s32 $0x50, s16;
	s31 =	sadd.s32 $0x60, s16;
	s16 =	sadd.s32 $0x70, s16;
	v19 =	vadd.s32 $0x1, v18  }
0xb4: {  	v42 =	vor.u32 s16, v0;
	v21 =	vmul.u32 $0x3, v17;
	v20 =	vadd.s32 $0x2, v18  }
0xb5: {  	v45 =	vmul.u32 $0x3, v42;
	v27 =	vld.idx.msk [tilespmem:v16+s10+$0x0], $0xffff  }
0xb6: {  	v31 =	vld.idx.msk [tilespmem:v17+s10+$0x0], $0xffff  }
0xb7: {  	v23 =	vadd.s32 $0x1, v21;
	v22 =	vld.idx.msk [tilespmem:v18+s1+$0x0], $0xffff  }
0xb8: {  	v25 =	vadd.s32 $0x2, v21;
	v24 =	vld.idx.msk [tilespmem:v19+s1+$0x0], $0xffff  }
0xb9: {  	v18 =	vor.u32 s26, v0;
	v20 =	vld.idx.msk [tilespmem:v20+s1+$0x0], $0xffff  }
0xba: {  	v26 =	vmul.u32 $0x3, v18;
	v28 =	vld.idx.msk [tilespmem:v21+s1+$0x0], $0xffff;
	v19 =	vor.u32 s28, v0  }
0xbb: {  	v55 =	vld.idx.msk [tilespmem:v45+s1+$0x0], $0xffff  }
0xbc: {  	v23 =	vld.idx.msk [tilespmem:v23+s1+$0x0], $0xffff;
	v30 =	vmul.u32 $0x3, v19;
	v21 =	vadd.s32 $0x1, v26  }
0xbd: {  	v25 =	vld.idx.msk [tilespmem:v25+s1+$0x0], $0xffff;
	v29 =	vadd.s32 $0x2, v26  }
0xbe: {  	v34 =	vadd.s32 $0x2, v30;
	v22 =	vmul.f32 v9, v22;
	v48 =	vld.idx.msk [tilespmem:v18+s10+$0x0], $0xffff;
	v24 =	vmul.f32 v11, v24  }
0xbf: {  	v39 =	vld.idx.msk [tilespmem:v19+s10+$0x0], $0xffff  }
0xc0: {  	v32 =	vmul.f32 v13, v20;
	v20 =	vor.u32 s29, v0;
	v22 =	vadd.f32 v24, v22;
	v24 =	vld.idx.msk [tilespmem:v26+s1+$0x0], $0xffff  }
0xc1: {  	v35 =	vmul.u32 $0x3, v20;
	v26 =	vadd.s32 $0x1, v30;
	v33 =	vld.idx.msk [tilespmem:v21+s1+$0x0], $0xffff  }
0xc2: {  	v52 =	vadd.s32 $0x1, v45;
	v29 =	vld.idx.msk [tilespmem:v29+s1+$0x0], $0xffff  }
0xc3: {  	v53 =	vadd.s32 $0x2, v45;
	v28 =	vmul.f32 v9, v28;
	v23 =	vmul.f32 v11, v23;
	v34 =	vld.idx.msk [tilespmem:v34+s1+$0x0], $0xffff  }
0xc4: {  	v37 =	vadd.s32 $0x2, v35;
	v21 =	vadd.f32 v32, v22;
	v22 =	vadd.f32 v27, v8;
	v27 =	vld.idx.msk [tilespmem:v30+s1+$0x0], $0xffff  }
0xc5: {  	v25 =	vmul.f32 v13, v25;
	v23 =	vadd.f32 v23, v28;
	v30 =	vadd.s32 $0x1, v35;
	v43 =	vld.idx.msk [tilespmem:v20+s10+$0x0], $0xffff  }
0xc6: {  	v31 =	vadd.f32 v31, v8;
	v36 =	vadd.f32 v21, v21;
	v21 =	vor.u32 s30, v0;
	v26 =	vld.idx.msk [tilespmem:v26+s1+$0x0], $0xffff  }
0xc7: {  	v23 =	vadd.f32 v25, v23;
	v38 =	vmul.u32 $0x3, v21;
	v28 =	vld.idx.msk [tilespmem:v35+s1+$0x0], $0xffff;
	v24 =	vmul.f32 v9, v24  }
0xc8: {  	v33 =	vmul.f32 v11, v33;
	v35 =	vld.idx.msk [tilespmem:v52+s1+$0x0], $0xffff;
	v36 =	vsub.f32 v22, v36;
	v22 =	vor.u32 s31, v0  }
0xc9: {  	v23 =	vadd.f32 v23, v23;
	v37 =	vld.idx.msk [tilespmem:v37+s1+$0x0], $0xffff;
	v49 =	vadd.s32 $0x1, v38;
	v41 =	vmul.u32 $0x3, v22  }
0xca: {  	v29 =	vmul.f32 v13, v29;
	v30 =	vld.idx.msk [tilespmem:v30+s1+$0x0], $0xffff;
	v27 =	vmul.f32 v9, v27;
	v24 =	vadd.f32 v33, v24  }
0xcb: {  	v23 =	vsub.f32 v31, v23;
	v31 =	vld.idx.msk [tilespmem:v53+s1+$0x0], $0xffff;
	v44 =	vadd.s32 $0x1, v41;
	v26 =	vmul.f32 v11, v26  }
0xcc: {  	v40 =	vadd.s32 $0x2, v38;
	v24 =	vadd.f32 v29, v24;
	v62 =	vld.idx.msk [tilespmem:v21+s10+$0x0], $0xffff  }
0xcd: {  	v29 =	vadd.s32 $0x2, v41;
	v50 =	vld.idx.msk [tilespmem:v38+s1+$0x0], $0xffff;
	v26 =	vadd.f32 v26, v27;
	v27 =	vmul.f32 v13, v34  }
0xce: {  	v60 =	vmul.f32 v9, v55;
	v32 =	vadd.f32 v48, v8;
	v51 =	vld.idx.msk [tilespmem:v49+s1+$0x0], $0xffff  }
0xcf: {  	v28 =	vmul.f32 v9, v28;
	v30 =	vmul.f32 v11, v30;
	v26 =	vadd.f32 v27, v26;
	v27 =	vld.idx.msk [tilespmem:v41+s1+$0x0], $0xffff  }
0xd0: {  	v39 =	vadd.f32 v39, v8;
	v35 =	vmul.f32 v11, v35;
	v24 =	vadd.f32 v24, v24;
	v54 =	vld.idx.msk [tilespmem:v44+s1+$0x0], $0xffff  }
0xd1: {  	v57 =	vadd.f32 v43, v8;
	v25 =	vld.idx.msk [tilespmem:v40+s1+$0x0], $0xffff;
	v28 =	vadd.f32 v30, v28;
	v30 =	vmul.f32 v13, v37  }
0xd2: {  	v35 =	vadd.f32 v35, v60;
	v24 =	vsub.f32 v32, v24;
	v29 =	vld.idx.msk [tilespmem:v29+s1+$0x0], $0xffff  }
0xd3: {  	v59 =	vld.idx.msk [tilespmem:v22+s10+$0x0], $0xffff;
	v31 =	vmul.f32 v13, v31;
	v63 =	vadd.f32 v62, v8;
	v28 =	vadd.f32 v30, v28  }
0xd4: {  	v26 =	vadd.f32 v26, v26;
	v30 =	vmul.f32 v9, v50;
	v56 =	vmul.f32 v11, v51  }
0xd5: {  	v61 =	vld.idx.msk [tilespmem:v42+s10+$0x0], $0xffff;
	v28 =	vadd.f32 v28, v28;
	v27 =	vmul.f32 v9, v27;
	v58 =	vmul.f32 v11, v54  }
0xd6: {  	v25 =	vmul.f32 v13, v25;
	v26 =	vsub.f32 v39, v26;
	v30 =	vadd.f32 v56, v30  }
0xd7: {  	v29 =	vmul.f32 v13, v29;
	v28 =	vsub.f32 v57, v28;
	v27 =	vadd.f32 v58, v27  }
0xd8: {  	vm9 =	vle.f32 v36, $9.999999770e-03;
	v25 =	vadd.f32 v25, v30;
	v30 =	vadd.f32 v59, v8  }
0xd9: {  	vm8 =	vle.f32 v23, $9.999999770e-03;
	v27 =	vadd.f32 v29, v27;
	v29 =	vadd.f32 v31, v35  }
0xda: {  	vm7 =	vle.f32 v24, $9.999999770e-03;
	v31 =	vadd.f32 v61, v8;
	v25 =	vadd.f32 v25, v25  }
0xdb: {  	vm3 =	vle.f32 v26, $9.999999770e-03;
	v27 =	vadd.f32 v27, v27;
	v29 =	vadd.f32 v29, v29  }
0xdc: {  	vm15 =	vle.f32 v26, $3.999999910e-02;
	vm6 =	vle.f32 v28, $9.999999770e-03;
	v25 =	vsub.f32 v63, v25  }
0xdd: {  	vm14 =	vle.f32 v28, $3.999999910e-02;
	v27 =	vsub.f32 v30, v27;
	v29 =	vsub.f32 v31, v29  }
0xde: {  	vm2 =	vle.f32 v25, $9.999999770e-03;
	v30 =	vimm.s32 $0x0;
	vm13 =	vle.f32 v25, $3.999999910e-02  }
0xdf: {  	v25 =	vimm.s32 $0x0;
	vm5 =	vle.f32 v27, $9.999999770e-03;
	vm0 =	vle.f32 v29, $9.999999770e-03  }
0xe0: {  	vm12 =	vle.f32 v27, $3.999999910e-02;
	v30 =	vsel vm0, $0xFFFFFFFF, v30;
	vm0 =	vmor vm5, vm0  }
0xe1: {  	vm1 =	vle.f32 v29, $3.999999910e-02;
	v27 =	vimm.s32 $0x0;
	vm0 =	vmor vm2, vm0  }
0xe2: {  	v25 =	vsel vm1, $0xFFFFFFFF, v25;
	vm1 =	vmor vm12, vm1;
	vm0 =	vmor vm6, vm0  }
0xe3: {  	v27 =	vsel vm2, $0xFFFFFFFF, v27;
	vm1 =	vmor vm13, vm1;
	vm0 =	vmor vm3, vm0  }
0xe4: {  	[tilespmem:$0x1FFD0] =	vst v25;
	v25 =	vimm.s32 $0x0;
	vm1 =	vmor vm14, vm1;
	vm0 =	vmor vm7, vm0  }
0xe5: {  	vm1 =	vmor vm15, vm1;
	vm2 =	vmor vm8, vm0;
	vm0 =	vle.f32 v24, $3.999999910e-02  }
0xe6: {  	v25 =	vsel vm3, $0xFFFFFFFF, v25;
	vm3 =	vmor vm0, vm1;
	vm1 =	vle.f32 v23, $3.999999910e-02  }
0xe7: {  	vm4 =	vmor vm9, vm2;
	vm2 =	vle.f32 v36, $3.999999910e-02;
	vm3 =	vmor vm1, vm3  }
0xe8: {  	vm4 =	vmand vm11, vm4;
	vm3 =	vmor vm2, vm3  }
0xe9: {  	v23 =	vsel vm4, $0x3F800000, v6;
	vm3 =	vmand vm10, vm3  }
0xea: {  	(xrf0) =	vmax.scan.msk.f32 $0xffff, v23;
	v24 =	vsel vm3, $0x3F800000, v6  }
0xeb: {  	(xrf0) =	vmax.scan.msk.f32 $0xffff, v24;
	_ =	sdelay $0x4  }
0xec: {  	v23, _, _ =	vpop (xrf0)  }
0xed: {  	(v2sf) =	vpush v23, $0xF;
	v23, _, _ =	vpop (xrf0)  }
0xee: {  	(v2sf) =	vpush v23, $0xF;
	_ =	sdelay $0xd  }
0xef: {  	s17 =	spop (v2sf)  }
0xf0: {  	s18 =	spop (v2sf)  }
0xf1: {  	p1 =	sgt.f32 s18, $0.0e+00  }
.Ltmp8:
0xf2: {  	v26 =	vor.u32 v2, v21;
	v21 =	vmpcnt.ones.xlane vm15;
	v28 =	vor.u32 v2, v22;
	[tilespmem:$0x1FFB0] =	vst v30;
	(pc) =	sbr.rel @!p1 .LBB2_9-.Ltmp8, $4  }
0xf3: {  	v22 =	vmpcnt.ones.xlane vm14;
	v29 =	vor.u32 v2, v16;
	[tilespmem:$0x1FFC0] =	vst v27;
	v27 =	vor.u32 v2, v17  }
0xf4: {  	v30 =	vor.u32 v2, v42;
	[tilespmem:$0x1FFE0] =	vst v25;
	v25 =	vor.u32 v2, v18;
	v18 =	vmpcnt.ones.xlane vm0  }
0xf5: {  	v16 =	vmpcnt.ones.xlane vm2;
	v17 =	vmpcnt.ones.xlane vm1;
	v24 =	vor.u32 v2, v20  }
0xf6: {  	v20 =	vmpcnt.ones.xlane vm13;
	v23 =	vor.u32 v2, v19;
	v19 =	vmpcnt.ones.xlane vm12  }
0xf7: {  	v31 =	vsel vm2, $0x1, v7  }
0xf8: {  	(xrf0) =	vadd.scan.msk.s32 $0xffff, v31;
	v31 =	vsel vm1, $0x1, v7  }
0xf9: {  	v32 =	vsel vm13, $0x1, v7;
	v49 =	vld [tilespmem:$0x1FFD0];
	(xrf0) =	vadd.scan.msk.s32 $0xffff, v31  }
0xfa: {  	v46 =	vsel vm12, $0x1, v7;
	v47 =	vsel vm1, $0xFFFFFFFF, v7;
	v31 =	vsel vm0, $0x1, v7  }
0xfb: {  	v48 =	vimm.s32 $0x0;
	v35 =	vadd.s32 v14, v16;
	(xrf0) =	vadd.scan.msk.s32 $0xffff, v31;
	v31 =	vsel vm15, $0x1, v7  }
0xfc: {  	v50 =	vsel vm0, $0xFFFFFFFF, v7;
	v38 =	vsel vm15, $0xFFFFFFFF, v7;
	(xrf0) =	vadd.scan.msk.s32 $0xffff, v31;
	v31 =	vsel vm14, $0x1, v7  }
0xfd: {  	v39 =	vsel vm14, $0xFFFFFFFF, v7;
	v58 =	vsel vm13, $0xFFFFFFFF, v7;
	(xrf0) =	vadd.scan.msk.s32 $0xffff, v31;
	v31 =	vsel vm2, $0xFFFFFFFF, v7  }
0xfe: {  	v31 =	vadd.s32 v31, v14;
	v33, _, _ =	vpop (xrf0);
	(xrf0) =	vadd.scan.msk.s32 $0xffff, v32;
	v32 =	vsel vm5, $0xFFFFFFFF, v48;
	vm5 =	vnez.u8 v49  }
0xff: {  	v40 =	vsel vm12, $0xFFFFFFFF, v7;
	v31 =	vadd.s32 v33, v31;
	v34, _, _ =	vpop (xrf0);
	[tilespmem:$0x1FFA0] =	vst v32;
	v32 =	vsel vm5, $0x1, v7  }
0x100: {  	v59 =	vsel vm5, $0xFFFFFFFF, v7;
	v33 =	vadd.s32 v47, v34;
	vm3 =	vlt.s32 v31, $0x20  }
0x101: {  	v36, _, _ =	vpop (xrf0);
	v31 =	vadd.s32 v12, v31;
	v33 =	vadd.s32 v35, v33;
	v35 =	vadd.s32 v17, v35  }
0x102: {  	(xrf0) =	vadd.scan.msk.s32 $0xffff, v46;
	v51, _, _ =	vpop (xrf0);
	v34 =	vadd.s32 v50, v36;
	vm2 =	vmand vm2, vm3;
	v37 =	vadd.s32 v18, v35  }
0x103: {  	(xrf0) =	vadd.scan.msk.s32 $0xffff, v32;
	v52, _, _ =	vpop (xrf0);
	v32 =	vadd.s32 v38, v51;
	v34 =	vadd.s32 v35, v34;
	vm3 =	vlt.s32 v33, $0x20  }
0x104: {  	v33 =	vadd.s32 v12, v33;
	v53 =	vadd.s32 v21, v37;
	v36 =	vadd.s32 v39, v52  }
0x105: {  	v32 =	vadd.s32 v37, v32;
	vm1 =	vmand vm1, vm3;
	vm3 =	vlt.s32 v34, $0x20  }
0x106: {  	v34 =	vadd.s32 v12, v34;
	v55 =	vadd.s32 v53, v36;
	v57 =	vadd.s32 v22, v53  }
0x107: {  	v54, _, _ =	vpop (xrf0);
	vm0 =	vmand vm0, vm3;
	vm3 =	vlt.s32 v32, $0x20;
	v32 =	vadd.s32 v12, v32  }
0x108: {  	v56, _, _ =	vpop (xrf0);
	v38 =	vadd.s32 v58, v54;
	v37 =	vadd.s32 v20, v57;
	vm3 =	vmand vm15, vm3  }
0x109: {  	vm4 =	vlt.s32 v55, $0x20;
	v35 =	vadd.s32 v12, v55;
	v36 =	vadd.s32 v40, v56;
	v60, _, _ =	vpop (xrf0)  }
0x10a: {  	v38 =	vadd.s32 v57, v38;
	vm4 =	vmand vm14, vm4;
	v39 =	vadd.s32 v59, v60  }
0x10b: {  	v36 =	vadd.s32 v37, v36;
	vm10 =	vlt.s32 v38, $0x20;
	v39 =	vadd.s32 v19, v39  }
0x10c: {  	vm10 =	vmand vm13, vm10;
	vm11 =	vlt.s32 v36, $0x20;
	v37 =	vadd.s32 v37, v39  }
0x10d: {  	[tilespmem:v31+s11+$0x0] =	vst.idx.msk vm2, v29;
	v31 =	vadd.s32 v12, v38;
	vm14 =	vmand vm12, vm11;
	vm11 =	vlt.s32 v37, $0x20  }
0x10e: {  	v61 =	vadd.s32 v12, v36;
	[tilespmem:v33+s11+$0x0] =	vst.idx.msk vm1, v27;
	vm15 =	vmand vm5, vm11  }
0x10f: {  	v62 =	vld [tilespmem:$0x1FFA0];
	[tilespmem:v34+s11+$0x0] =	vst.idx.msk vm0, v25;
	v63 =	vadd.s32 v12, v37  }
0x110: {  	[tilespmem:v32+s11+$0x0] =	vst.idx.msk vm3, v23  }
0x111: {  	[tilespmem:v35+s11+$0x0] =	vst.idx.msk vm4, v24  }
0x112: {  	[tilespmem:v31+s11+$0x0] =	vst.idx.msk vm10, v26  }
0x113: {  	[tilespmem:v61+s11+$0x0] =	vst.idx.msk vm14, v28  }
0x114: {  	vm5 =	vnez.u8 v62;
	[tilespmem:v63+s11+$0x0] =	vst.idx.msk vm15, v30  }
.LBB2_9:
0x115: {  	v31 =	vld [tilespmem:$0x1FFE0];
	_ =	sdelay $0x4  }
0x116: {  	vm4 =	vnez.u8 v31;
	v31 =	vld [tilespmem:$0x1FFC0]  }
0x117: {  	p1 =	sgt.f32 s17, $0.0e+00  }
.Ltmp9:
0x118: {  	_ = 	snop;
	(pc) =	sbr.rel @p1 .LBB2_11-.Ltmp9, $4  }
0x119: {  	v37 =	vmpcnt.ones.xlane vm9  }
0x11a: {  	v36 =	vmpcnt.ones.xlane vm8;
	v35 =	vmpcnt.ones.xlane vm7  }
0x11b: {  	v33 =	vmpcnt.ones.xlane vm6;
	v34 =	vmpcnt.ones.xlane vm4;
	vm11 =	vnez.u8 v31  }
0x11c: {  	v31 =	vmpcnt.ones.xlane vm5;
	v32 =	vmpcnt.ones.xlane vm11  }
0x11d: {  	v15 =	vadd.s32 v15, v37;
	v23 =	vld [tilespmem:$0x1FFB0]  }
.Ltmp10:
0x11e: {  	v15 =	vadd.s32 v36, v15;
	(pc) =	sbr.rel .LBB2_12-.Ltmp10, $4  }
0x11f: {  	v15 =	vadd.s32 v35, v15  }
0x120: {  	v15 =	vadd.s32 v34, v15  }
0x121: {  	v15 =	vadd.s32 v33, v15  }
0x122: {  	v15 =	vadd.s32 v32, v15;
	vm10 =	vnez.u8 v23  }
.LBB2_5:
.Ltmp11:
0x123: {  	(pc) =	sbr.rel .LBB2_14-.Ltmp11, $3  }
0x124: {  	_ =	sdelay $0x1  }
0x125: {  	s15 =	sshll.u32 s14, $0x5;
	v11 =	vmov s16  }
0x126: {  	v10 =	vimm.s32 $0x0;
	v8 =	vimm.s32 $0x0;
	v9 =	vmov s15  }
.LBB2_16:
0x127: {  	_ =	sfence.sel $0x180000  }
0x128: {  	[bflag:$0x0] =	sbarrier.arrive $0xFFFF  }
0x129: {  	p0 =	sne.s32 s2, $0x0;
	_ =	strace $0x90000047  }
0x12a: {  	s0 =	sadd.s32 @!p0 $0x100000, s0;
	[bflag:$0x2] =	sbarrier.arrive $0xFFFF  }
0x12b: {  	[sflag:s0] =	ssyncadd.tile.s32 @!p0 $0x1;
	_ =	shalt  }
.Lfunc_end2:
_tile_overlayer_lowered:
.L_overlay_start_2:
0x12c: {  	(tag) =	ssettag $0x2  }
0x12d: {  	s0 =	rddreg [dreg:$0x0];
	s2 =	stileid.u32  }
0x12e: {  	s1 =	rddreg [dreg:$0x1];
	p0 =	sne.s32 s2, $0x0  }
0x12f: {  	s3 =	rddreg [dreg:$0x2];
	[bflag:$0x3] =	sbarrier.arrive $0xFFFF;
	s2 =	simm.s32 @!p0 $0x1C01  }
0x130: {  	[timem:s3], [sflag:s2] =	dma.local @!p0 [hbm:s0], s1  }
0x131: {  	s0 =	simm.s32 @!p0 $0x1  }
0x132: {  	_ =	swait.ge @!p0 [sflag:s0], s1  }
0x133: {  	s1 =	ssub.s32 @!p0 $0x0, s1;
	[sflag:s0] =	ssyncset.done @!p0 $0x0  }
0x134: {  	[sflag:s0] =	ssyncadd.s32 @!p0 s1  }
0x135: {  	[bflag:$0x3] =	sbarrier.arrive $0xFFFF  }
0x136: {  	_ =	shalt  }

</sc_bundles>
